<compile_context>
chip_gen: v7x
topology: tpu7x:2x2x1
jax: 0.10.2.dev20260603
libtpu: 0.0.44.dev20260713+nightly
codegen_flags: <defaults>
</compile_context>

<pallas_src>
import functools

import jax
import jax.numpy as jnp
from jax import lax
from jax.experimental import pallas as pl
from jax.experimental.pallas import tpu as pltpu
from jax.experimental.pallas import tpu_sc as plsc

_R = 32
_RC = 8
_L = 16
_NT = 1536


def _tc_body(tok_ref, feat_ref, out_ref, *, hw, c, topk):
    tok = tok_ref[...]
    feat = feat_ref[...]
    scale = c ** -0.5

    parts = []
    for q in range(_R // _RC):
        fq = feat[q * _RC:(q + 1) * _RC]
        tq = tok[q * _RC:(q + 1) * _RC]
        f2 = fq.reshape(_RC * hw, c)
        sf = jax.lax.dot_general(
            f2, tq, (((1,), (1,)), ((), ())),
            precision=jax.lax.Precision.DEFAULT,
            preferred_element_type=jnp.float32)
        s3 = sf.reshape(_RC, hw, _RC)
        rr = jax.lax.broadcasted_iota(jnp.int32, s3.shape, 0)
        ll = jax.lax.broadcasted_iota(jnp.int32, s3.shape, 2)
        parts.append(jnp.sum(jnp.where(rr == ll, s3, 0.0), axis=-1))
    s = jnp.concatenate(parts, axis=0) * scale
    m = jnp.max(s, axis=-1, keepdims=True)

    bits = jax.lax.bitcast_convert_type(s, jnp.int32)
    key = jnp.where(bits >= 0, bits, bits ^ jnp.int32(0x7FFFFFFF))
    keyT = jnp.transpose(key)
    lo = jnp.min(keyT, axis=0, keepdims=True)
    hi = jnp.max(keyT, axis=0, keepdims=True) + 1
    for _ in range(32):
        mid = (lo >> 1) + (hi >> 1) + (lo & hi & 1)
        cnt = jnp.sum((keyT >= mid).astype(jnp.int32), axis=0,
                      keepdims=True)
        ge = cnt >= topk
        lo = jnp.where(ge, mid, lo)
        hi = jnp.where(ge, hi, mid)
    t = jnp.transpose(lo)

    w = jnp.where(key >= t, jnp.exp(s - m), 0.0)
    denom = jnp.sum(w, axis=-1, keepdims=True)
    out = jnp.sum(feat * w[:, :, None], axis=1)
    out_ref[...] = out / denom


def _sc_body(tok_hbm, feat_hbm, out_hbm, tok_v, fbuf, s_v, k_v, o_v,
             *, hw, c, topk, rpw, nc, base0):
    wid = lax.axis_index("s") * nc + lax.axis_index("c")
    base = base0 + wid * rpw
    pltpu.sync_copy(tok_hbm.at[pl.ds(base, rpw)], tok_v)
    nl = c // _L
    nq = hw // _L
    scale = c ** -0.5
    lane0 = lax.iota(jnp.int32, _L) == 0

    def row_body(g, _):
        row = base + g
        pltpu.sync_copy(feat_hbm.at[row], fbuf)
        tvecs = [tok_v[g, pl.ds(l * _L, _L)] for l in range(nl)]

        def score_j(j, _):
            acc = fbuf[j, pl.ds(0, _L)] * tvecs[0]
            for l in range(1, nl):
                acc = acc + fbuf[j, pl.ds(l * _L, _L)] * tvecs[l]
            val = jnp.sum(acc) * scale
            plsc.store_scatter(s_v, [jnp.full((_L,), j, jnp.int32)],
                               jnp.full((_L,), val, jnp.float32),
                               mask=lane0)
            return 0

        lax.fori_loop(0, hw, score_j, 0)

        def max_q(q, vmx):
            return jnp.maximum(vmx, s_v[pl.ds(q * _L, _L)])

        vmx = lax.fori_loop(1, nq, max_q, s_v[pl.ds(0, _L)])
        m = jnp.max(vmx)

        def key_q(q, _):
            sv = s_v[pl.ds(q * _L, _L)]
            bb = lax.bitcast_convert_type(sv, jnp.int32)
            k_v[pl.ds(q * _L, _L)] = jnp.where(
                bb >= 0, bb, bb ^ jnp.int32(0x7FFFFFFF))
            return 0

        lax.fori_loop(0, nq, key_q, 0)

        def minmax_q(q, mm):
            kv = k_v[pl.ds(q * _L, _L)]
            return (jnp.minimum(mm[0], kv), jnp.maximum(mm[1], kv))

        kv0 = k_v[pl.ds(0, _L)]
        vmn, vmx2 = lax.fori_loop(1, nq, minmax_q, (kv0, kv0))
        lo = jnp.min(vmn)
        hi = jnp.max(vmx2) + 1

        def bis(i, lohi):
            lo, hi = lohi
            mid = (lo >> 1) + (hi >> 1) + (lo & hi & 1)

            def cnt_q(q, cv):
                kv = k_v[pl.ds(q * _L, _L)]
                return cv + plsc.all_reduce_population_count(kv >= mid)

            cv = lax.fori_loop(0, nq, cnt_q, jnp.zeros((_L,), jnp.int32))
            cnt = jnp.max(cv)
            ge = cnt >= topk
            return (jnp.where(ge, mid, lo), jnp.where(ge, hi, mid))

        t, _hi = lax.fori_loop(0, 32, bis, (lo, hi))

        def w_q(q, acc):
            sv = s_v[pl.ds(q * _L, _L)]
            kv = k_v[pl.ds(q * _L, _L)]
            wv = jnp.where(kv >= t, jnp.exp(sv - m), 0.0)
            s_v[pl.ds(q * _L, _L)] = wv
            return acc + wv

        wacc = lax.fori_loop(0, nq, w_q, jnp.zeros((_L,), jnp.float32))
        inv = 1.0 / jnp.full((_L,), jnp.sum(wacc), jnp.float32)

        def comb_q(q, accs):
            wv = s_v[pl.ds(q * _L, _L)]
            accs = list(accs)
            for u in range(_L):
                j = q * _L + u
                wj = wv[u]
                for l in range(nl):
                    accs[l] = accs[l] + wj * fbuf[j, pl.ds(l * _L, _L)]
            return tuple(accs)

        accs = lax.fori_loop(
            0, nq, comb_q,
            tuple(jnp.zeros((_L,), jnp.float32) for _ in range(nl)))
        for l in range(nl):
            o_v[pl.ds(l * _L, _L)] = accs[l] * inv
        pltpu.sync_copy(o_v, out_hbm.at[row - base0])
        return 0

    lax.fori_loop(0, rpw, row_body, 0)


def kernel(token, feature):
    b, n, k, c = token.shape
    hw = feature.shape[3]
    nrows = b * n * k
    topk = int(hw * 0.5)
    tok = token.reshape(nrows, c)
    feat = feature.reshape(nrows, hw, c)

    info = plsc.get_sparse_core_info()
    nw = info.num_cores * info.num_subcores
    nt = _NT
    nsc = nrows - nt
    if nsc % nw != 0 or nt % _R != 0:
        nt = nrows
        nsc = 0

    tc_body = functools.partial(_tc_body, hw=hw, c=c, topk=topk)
    out_tc = pl.pallas_call(
        tc_body,
        grid=(nt // _R,),
        in_specs=[
            pl.BlockSpec((_R, c), lambda i: (i, 0)),
            pl.BlockSpec((_R, hw, c), lambda i: (i, 0, 0)),
        ],
        out_specs=pl.BlockSpec((_R, c), lambda i: (i, 0)),
        out_shape=jax.ShapeDtypeStruct((nt, c), jnp.float32),
    )(tok, feat)

    if nsc == 0:
        return out_tc.reshape(b, n, k, c)

    sc_body = functools.partial(_sc_body, hw=hw, c=c, topk=topk,
                                rpw=nsc // nw, nc=info.num_cores, base0=nt)
    sc_fn = pl.kernel(
        sc_body,
        mesh=plsc.VectorSubcoreMesh(core_axis_name="c",
                                    subcore_axis_name="s"),
        out_type=jax.ShapeDtypeStruct((nsc, c), jnp.float32),
        scratch_types=[
            pltpu.VMEM((nsc // nw, c), jnp.float32),
            pltpu.VMEM((hw, c), jnp.float32),
            pltpu.VMEM((hw,), jnp.float32),
            pltpu.VMEM((hw,), jnp.int32),
            pltpu.VMEM((c,), jnp.float32),
        ],
        compiler_params=pltpu.CompilerParams(needs_layout_passes=False),
    )
    out_sc = sc_fn(tok, feat)

    out = jnp.concatenate([out_tc, out_sc], axis=0)
    return out.reshape(b, n, k, c)

# --- scband reference (transcript-rebuilt; emitter-appended) ---
"""Pipeline reference for scband-sampling-22462678958130 (READ-ONLY COPY).

The authoritative reference and input builder live on the scoring server;
editing this copy changes nothing except your own understanding.
"""

import jax, jax.numpy as jnp
import numpy as np

SAMPLING_RATE = 0.5


def setup_inputs(seed: int = 0) -> dict:
    key = jax.random.key(seed)
    k1, k2 = jax.random.split(key)
    token = jax.random.normal(k1, (8, 64, 4, 96), dtype=jnp.float32)
    feature = jax.random.normal(k2, (8, 64, 4, 256, 96), dtype=jnp.float32)
    return {"token": token, "feature": feature}


def reference(token, feature):
    b1, n1, kk1, c = token.shape
    token = token.reshape(b1, n1 * kk1, 1, c)
    b2, n2, kk2, hw, c2 = feature.shape
    feature = feature.reshape(b2, n2 * kk2, hw, c2)
    scale = c ** (-0.5)
    attn = jnp.matmul(token, jnp.swapaxes(feature, -1, -2)) * scale  # [b, nk, 1, hw]
    attn = jax.nn.softmax(attn, axis=-1)
    topk = int(hw * SAMPLING_RATE)
    selected_attn, selected_idx = jax.lax.top_k(attn, topk)  # [b, nk, 1, topk]
    selected_attn = selected_attn / jnp.sum(selected_attn, axis=-1, keepdims=True)
    b3, nk, q_, tk = selected_attn.shape
    idx = selected_idx.reshape(b3, nk, tk, 1)
    idx = jnp.broadcast_to(idx, (b3, nk, tk, c))
    selected_feat = jnp.take_along_axis(feature, idx, axis=2)  # [b, nk, tk, c]
    gathered_token = jnp.matmul(selected_attn, selected_feat)  # [b, nk, 1, c]
    return gathered_token.reshape(b1, n1, kk1, c)

if __name__ == "__main__":
    import jax
    _d = setup_inputs()
    print(jax.jit(kernel)(*tuple(_d.values())))

</pallas_src>

<mosaic_0001>
#map = affine_map<(d0, d1) -> (0, 0)>
#map1 = affine_map<(d0, d1) -> (0, 0, 0)>
module attributes {stable_mosaic.version = 14 : i64} {
  func.func @_sc_body(%arg0: i32, %arg1: i32, %arg2: memref<2048x96xf32, #tpu.memory_space<hbm>>, %arg3: memref<2048x256x96xf32, #tpu.memory_space<hbm>>, %arg4: memref<512x96xf32, #tpu.memory_space<hbm>>, %arg5: memref<16x96xf32, #tpu.memory_space<vmem>>, %arg6: memref<256x96xf32, #tpu.memory_space<vmem>>, %arg7: memref<256xf32, #tpu.memory_space<vmem>>, %arg8: memref<256xi32, #tpu.memory_space<vmem>>, %arg9: memref<96xf32, #tpu.memory_space<vmem>>) attributes {dimension_semantics = [#tpu.dimension_semantics<core_parallel>, #tpu.dimension_semantics<subcore_parallel>], iteration_bounds = array<i64: 2, 16>, scalar_prefetch = 0 : i64, scratch_operands = 5 : i64, tpu.core_type = #tpu.core_type<sc_vector_subcore>, window_params = [{transform_indices = #map}, {transform_indices = #map1}, {transform_indices = #map}]} {
    %mul3A = arith.constant 2 : i32
    %mul3A_0 = arith.muli %arg1, %mul3A : i32
    %add3A = arith.addi %mul3A_0, %arg0 : i32
    %mul3A_1 = arith.constant 16 : i32
    %mul3A_2 = arith.muli %add3A, %mul3A_1 : i32
    %add3A_3 = arith.constant 1536 : i32
    %add3A_4 = arith.addi %add3A_3, %mul3A_2 : i32
    "tpu.region"() ({
      %run_scoped3A = tpu.sem_alloc : memref<!tpu.dma_semaphore, #tpu.memory_space<semaphore_mem>>
      %dma_start3A = arith.constant 0 : i32
      %dma_start3A_13 = tpu.memref_slice %arg2[%add3A_4, %dma_start3A] : memref<2048x96xf32, #tpu.memory_space<hbm>> -> memref<16x96xf32, #tpu.memory_space<hbm>>
      %dma_start3A_14 = arith.constant 0 : i32
      %dma_start3A_15 = tpu.memref_slice %arg2[%add3A_4, %dma_start3A_14] : memref<2048x96xf32, #tpu.memory_space<hbm>> -> memref<16x96xf32, #tpu.memory_space<hbm>>
      tpu.enqueue_dma source(%dma_start3A_15 : memref<16x96xf32, #tpu.memory_space<hbm>>) target(%arg5 : memref<16x96xf32, #tpu.memory_space<vmem>>) target_semaphore(%run_scoped3A : memref<!tpu.dma_semaphore, #tpu.memory_space<semaphore_mem>>)
      %dma_wait3A = arith.constant 0 : i32
      %dma_wait3A_16 = tpu.memref_slice %arg2[%add3A_4, %dma_wait3A] : memref<2048x96xf32, #tpu.memory_space<hbm>> -> memref<16x96xf32, #tpu.memory_space<hbm>>
      %dma_wait3A_17 = arith.constant 0 : i32
      %dma_wait3A_18 = tpu.memref_slice %arg2[%add3A_4, %dma_wait3A_17] : memref<2048x96xf32, #tpu.memory_space<hbm>> -> memref<16x96xf32, #tpu.memory_space<hbm>>
      tpu.wait_dma2 semaphore(%run_scoped3A : memref<!tpu.dma_semaphore, #tpu.memory_space<semaphore_mem>>) src(%dma_wait3A_18 : memref<16x96xf32, #tpu.memory_space<hbm>>) dst(%arg5 : memref<16x96xf32, #tpu.memory_space<vmem>>)
      tpu.yield
    }) : () -> ()
    %iota3A = tpu.iota {dimensions = array<i32: 0>} : vector<16xi32>
    %eq3A = arith.constant 0 : i32
    %eq3A_5 = vector.broadcast %eq3A : i32 to vector<16xi32>
    %eq3A_6 = arith.cmpi eq, %iota3A, %eq3A_5 : vector<16xi32>
    %scan3A = arith.constant 0 : i32
    %scan3A_7 = arith.constant 0 : i32
    %scan3A_8 = arith.constant 16 : i32
    %scan3A_9 = arith.addi %scan3A_7, %scan3A_8 : i32
    %scan3A_10 = arith.constant 1 : i32
    %scan3A_11 = scf.for %scan3A_13 = %scan3A_7 to %scan3A_9 step %scan3A_10 iter_args(%scan3A_14 = %scan3A) -> (i32)  : i32 {
      %add3A_15 = arith.addi %add3A_4, %scan3A_13 : i32
      "tpu.region"() ({
        %run_scoped3A = tpu.sem_alloc : memref<!tpu.dma_semaphore, #tpu.memory_space<semaphore_mem>>
        %dma_start3A = arith.constant 0 : i32
        %dma_start3A_139 = arith.constant 0 : i32
        %dma_start3A_140 = tpu.memref_slice %arg3[%add3A_15, %dma_start3A, %dma_start3A_139] : memref<2048x256x96xf32, #tpu.memory_space<hbm>> -> memref<1x256x96xf32, #tpu.memory_space<hbm>>
        %dma_start3A_141 = tpu.memref_squeeze %dma_start3A_140 : memref<1x256x96xf32, #tpu.memory_space<hbm>> -> memref<256x96xf32, #tpu.memory_space<hbm>>
        %dma_start3A_142 = arith.constant 0 : i32
        %dma_start3A_143 = arith.constant 0 : i32
        %dma_start3A_144 = tpu.memref_slice %arg3[%add3A_15, %dma_start3A_142, %dma_start3A_143] : memref<2048x256x96xf32, #tpu.memory_space<hbm>> -> memref<1x256x96xf32, #tpu.memory_space<hbm>>
        %dma_start3A_145 = tpu.memref_squeeze %dma_start3A_144 : memref<1x256x96xf32, #tpu.memory_space<hbm>> -> memref<256x96xf32, #tpu.memory_space<hbm>>
        tpu.enqueue_dma source(%dma_start3A_145 : memref<256x96xf32, #tpu.memory_space<hbm>>) target(%arg6 : memref<256x96xf32, #tpu.memory_space<vmem>>) target_semaphore(%run_scoped3A : memref<!tpu.dma_semaphore, #tpu.memory_space<semaphore_mem>>)
        %dma_wait3A = arith.constant 0 : i32
        %dma_wait3A_146 = arith.constant 0 : i32
        %dma_wait3A_147 = tpu.memref_slice %arg3[%add3A_15, %dma_wait3A, %dma_wait3A_146] : memref<2048x256x96xf32, #tpu.memory_space<hbm>> -> memref<1x256x96xf32, #tpu.memory_space<hbm>>
        %dma_wait3A_148 = tpu.memref_squeeze %dma_wait3A_147 : memref<1x256x96xf32, #tpu.memory_space<hbm>> -> memref<256x96xf32, #tpu.memory_space<hbm>>
        %dma_wait3A_149 = arith.constant 0 : i32
        %dma_wait3A_150 = arith.constant 0 : i32
        %dma_wait3A_151 = tpu.memref_slice %arg3[%add3A_15, %dma_wait3A_149, %dma_wait3A_150] : memref<2048x256x96xf32, #tpu.memory_space<hbm>> -> memref<1x256x96xf32, #tpu.memory_space<hbm>>
        %dma_wait3A_152 = tpu.memref_squeeze %dma_wait3A_151 : memref<1x256x96xf32, #tpu.memory_space<hbm>> -> memref<256x96xf32, #tpu.memory_space<hbm>>
        tpu.wait_dma2 semaphore(%run_scoped3A : memref<!tpu.dma_semaphore, #tpu.memory_space<semaphore_mem>>) src(%dma_wait3A_152 : memref<256x96xf32, #tpu.memory_space<hbm>>) dst(%arg6 : memref<256x96xf32, #tpu.memory_space<vmem>>)
        tpu.yield
      }) : () -> ()
      %get3A = arith.index_cast %scan3A_13 : i32 to index
      %get3A_16 = arith.constant 0 : index
      %get3A_17 = tpu.vector_load %arg5[%get3A, %get3A_16] {strides = array<i32>} : memref<16x96xf32, #tpu.memory_space<vmem>>, vector<16xf32>,
      %get3A_18 = arith.index_cast %scan3A_13 : i32 to index
      %get3A_19 = arith.constant 16 : index
      %get3A_20 = tpu.vector_load %arg5[%get3A_18, %get3A_19] {strides = array<i32>} : memref<16x96xf32, #tpu.memory_space<vmem>>, vector<16xf32>,
      %get3A_21 = arith.index_cast %scan3A_13 : i32 to index
      %get3A_22 = arith.constant 32 : index
      %get3A_23 = tpu.vector_load %arg5[%get3A_21, %get3A_22] {strides = array<i32>} : memref<16x96xf32, #tpu.memory_space<vmem>>, vector<16xf32>,
      %get3A_24 = arith.index_cast %scan3A_13 : i32 to index
      %get3A_25 = arith.constant 48 : index
      %get3A_26 = tpu.vector_load %arg5[%get3A_24, %get3A_25] {strides = array<i32>} : memref<16x96xf32, #tpu.memory_space<vmem>>, vector<16xf32>,
      %get3A_27 = arith.index_cast %scan3A_13 : i32 to index
      %get3A_28 = arith.constant 64 : index
      %get3A_29 = tpu.vector_load %arg5[%get3A_27, %get3A_28] {strides = array<i32>} : memref<16x96xf32, #tpu.memory_space<vmem>>, vector<16xf32>,
      %get3A_30 = arith.index_cast %scan3A_13 : i32 to index
      %get3A_31 = arith.constant 80 : index
      %get3A_32 = tpu.vector_load %arg5[%get3A_30, %get3A_31] {strides = array<i32>} : memref<16x96xf32, #tpu.memory_space<vmem>>, vector<16xf32>,
      %scan3A_33 = arith.constant 0 : i32
      %scan3A_34 = arith.constant 0 : i32
      %scan3A_35 = arith.constant 256 : i32
      %scan3A_36 = arith.addi %scan3A_34, %scan3A_35 : i32
      %scan3A_37 = arith.constant 1 : i32
      %scan3A_38 = scf.for %scan3A_139 = %scan3A_34 to %scan3A_36 step %scan3A_37 iter_args(%scan3A_140 = %scan3A_33) -> (i32)  : i32 {
        %get3A_141 = arith.index_cast %scan3A_139 : i32 to index
        %get3A_142 = arith.constant 0 : index
        %get3A_143 = tpu.vector_load %arg6[%get3A_141, %get3A_142] {strides = array<i32>} : memref<256x96xf32, #tpu.memory_space<vmem>>, vector<16xf32>,
        %mul3A_144 = arith.mulf %get3A_143, %get3A_17 : vector<16xf32>
        %get3A_145 = arith.index_cast %scan3A_139 : i32 to index
        %get3A_146 = arith.constant 16 : index
        %get3A_147 = tpu.vector_load %arg6[%get3A_145, %get3A_146] {strides = array<i32>} : memref<256x96xf32, #tpu.memory_space<vmem>>, vector<16xf32>,
        %mul3A_148 = arith.mulf %get3A_147, %get3A_20 : vector<16xf32>
        %add3A_149 = arith.addf %mul3A_144, %mul3A_148 : vector<16xf32>
        %get3A_150 = arith.index_cast %scan3A_139 : i32 to index
        %get3A_151 = arith.constant 32 : index
        %get3A_152 = tpu.vector_load %arg6[%get3A_150, %get3A_151] {strides = array<i32>} : memref<256x96xf32, #tpu.memory_space<vmem>>, vector<16xf32>,
        %mul3A_153 = arith.mulf %get3A_152, %get3A_23 : vector<16xf32>
        %add3A_154 = arith.addf %add3A_149, %mul3A_153 : vector<16xf32>
        %get3A_155 = arith.index_cast %scan3A_139 : i32 to index
        %get3A_156 = arith.constant 48 : index
        %get3A_157 = tpu.vector_load %arg6[%get3A_155, %get3A_156] {strides = array<i32>} : memref<256x96xf32, #tpu.memory_space<vmem>>, vector<16xf32>,
        %mul3A_158 = arith.mulf %get3A_157, %get3A_26 : vector<16xf32>
        %add3A_159 = arith.addf %add3A_154, %mul3A_158 : vector<16xf32>
        %get3A_160 = arith.index_cast %scan3A_139 : i32 to index
        %get3A_161 = arith.constant 64 : index
        %get3A_162 = tpu.vector_load %arg6[%get3A_160, %get3A_161] {strides = array<i32>} : memref<256x96xf32, #tpu.memory_space<vmem>>, vector<16xf32>,
        %mul3A_163 = arith.mulf %get3A_162, %get3A_29 : vector<16xf32>
        %add3A_164 = arith.addf %add3A_159, %mul3A_163 : vector<16xf32>
        %get3A_165 = arith.index_cast %scan3A_139 : i32 to index
        %get3A_166 = arith.constant 80 : index
        %get3A_167 = tpu.vector_load %arg6[%get3A_165, %get3A_166] {strides = array<i32>} : memref<256x96xf32, #tpu.memory_space<vmem>>, vector<16xf32>,
        %mul3A_168 = arith.mulf %get3A_167, %get3A_32 : vector<16xf32>
        %add3A_169 = arith.addf %add3A_164, %mul3A_168 : vector<16xf32>
        %reduce_sum3A_170 = arith.constant true
        %reduce_sum3A_171 = vector.broadcast %reduce_sum3A_170 : i1 to vector<16xi1>
        %reduce_sum3A_172 = tpu.scan <sum>, %add3A_169 masked %reduce_sum3A_171 : vector<16xf32>, vector<16xi1> -> vector<16xf32>
        %reduce_sum3A_173 = vector.extract %reduce_sum3A_172[15] : f32 from vector<16xf32>
        %mul3A_174 = arith.constant 0.102062076 : f32
        %mul3A_175 = arith.mulf %reduce_sum3A_173, %mul3A_174 : f32
        %broadcast_in_dim3A_176 = vector.broadcast %scan3A_139 : i32 to vector<16xi32>
        %broadcast_in_dim3A_177 = vector.broadcast %mul3A_175 : f32 to vector<16xf32>
        tpu.vector_store_idx %arg7[%broadcast_in_dim3A_176], %broadcast_in_dim3A_177 masked %eq3A_6 : memref<256xf32, #tpu.memory_space<vmem>>[vector<16xi32>], vector<16xf32>, vector<16xi1>
        %scan3A_178 = arith.constant 0 : i32
        scf.yield %scan3A_178 : i32
      }
      %scan3A_39 = arith.constant 256 : i32
      %get3A_40 = arith.constant 0 : index
      %get3A_41 = tpu.vector_load %arg7[%get3A_40] {strides = array<i32>} : memref<256xf32, #tpu.memory_space<vmem>>, vector<16xf32>,
      %scan3A_42 = arith.constant 1 : i32
      %scan3A_43 = arith.constant 15 : i32
      %scan3A_44 = arith.addi %scan3A_42, %scan3A_43 : i32
      %scan3A_45 = arith.constant 1 : i32
      %scan3A_46 = scf.for %scan3A_139 = %scan3A_42 to %scan3A_44 step %scan3A_45 iter_args(%scan3A_140 = %get3A_41) -> (vector<16xf32>)  : i32 {
        %mul3A_141 = arith.constant 16 : i32
        %mul3A_142 = arith.muli %scan3A_139, %mul3A_141 : i32
        %get3A_143 = arith.index_cast %mul3A_142 : i32 to index
        %get3A_144 = tpu.vector_load %arg7[%get3A_143] {strides = array<i32>} : memref<256xf32, #tpu.memory_space<vmem>>, vector<16xf32>,
        %max3A = arith.maximumf %scan3A_140, %get3A_144 : vector<16xf32>
        scf.yield %max3A : vector<16xf32>
      }
      %scan3A_47 = arith.constant 15 : i32
      %reduce_max3A = arith.constant true
      %reduce_max3A_48 = vector.broadcast %reduce_max3A : i1 to vector<16xi1>
      %reduce_max3A_49 = tpu.scan <max>, %scan3A_46 masked %reduce_max3A_48 : vector<16xf32>, vector<16xi1> -> vector<16xf32>
      %reduce_max3A_50 = vector.extract %reduce_max3A_49[15] : f32 from vector<16xf32>
      %scan3A_51 = arith.constant 0 : i32
      %scan3A_52 = arith.constant 0 : i32
      %scan3A_53 = arith.constant 16 : i32
      %scan3A_54 = arith.addi %scan3A_52, %scan3A_53 : i32
      %scan3A_55 = arith.constant 1 : i32
      %scan3A_56 = scf.for %scan3A_139 = %scan3A_52 to %scan3A_54 step %scan3A_55 iter_args(%scan3A_140 = %scan3A_51) -> (i32)  : i32 {
        %mul3A_141 = arith.constant 16 : i32
        %mul3A_142 = arith.muli %scan3A_139, %mul3A_141 : i32
        %get3A_143 = arith.index_cast %mul3A_142 : i32 to index
        %get3A_144 = tpu.vector_load %arg7[%get3A_143] {strides = array<i32>} : memref<256xf32, #tpu.memory_space<vmem>>, vector<16xf32>,
        %bitcast_convert_type3A = tpu.bitcast %get3A_144 : vector<16xf32> -> vector<16xi32>
        %ge3A = arith.constant 0 : i32
        %ge3A_145 = vector.broadcast %ge3A : i32 to vector<16xi32>
        %ge3A_146 = arith.cmpi sge, %bitcast_convert_type3A, %ge3A_145 : vector<16xi32>
        %xor3A = arith.constant 2147483647 : i32
        %xor3A_147 = vector.broadcast %xor3A : i32 to vector<16xi32>
        %xor3A_148 = arith.xori %bitcast_convert_type3A, %xor3A_147 : vector<16xi32>
        %select_n3A = arith.select %ge3A_146, %bitcast_convert_type3A, %xor3A_148 : vector<16xi1>, vector<16xi32>
        %mul3A_149 = arith.constant 16 : i32
        %mul3A_150 = arith.muli %scan3A_139, %mul3A_149 : i32
        %swap3A_151 = arith.index_cast %mul3A_150 : i32 to index
        %swap3A_152 = tpu.vector_load %arg8[%swap3A_151] {strides = array<i32>} : memref<256xi32, #tpu.memory_space<vmem>>, vector<16xi32>,
        tpu.vector_store %arg8[%swap3A_151], %select_n3A {strides = array<i32>} : memref<256xi32, #tpu.memory_space<vmem>>, vector<16xi32>,
        %scan3A_153 = arith.constant 0 : i32
        scf.yield %scan3A_153 : i32
      }
      %scan3A_57 = arith.constant 16 : i32
      %get3A_58 = arith.constant 0 : index
      %get3A_59 = tpu.vector_load %arg8[%get3A_58] {strides = array<i32>} : memref<256xi32, #tpu.memory_space<vmem>>, vector<16xi32>,
      %scan3A_60 = arith.constant 1 : i32
      %scan3A_61 = arith.constant 15 : i32
      %scan3A_62 = arith.addi %scan3A_60, %scan3A_61 : i32
      %scan3A_63 = arith.constant 1 : i32
      %scan3A_64:2 = scf.for %scan3A_139 = %scan3A_60 to %scan3A_62 step %scan3A_63 iter_args(%scan3A_140 = %get3A_59, %scan3A_141 = %get3A_59) -> (vector<16xi32>, vector<16xi32>)  : i32 {
        %mul3A_142 = arith.constant 16 : i32
        %mul3A_143 = arith.muli %scan3A_139, %mul3A_142 : i32
        %get3A_144 = arith.index_cast %mul3A_143 : i32 to index
        %get3A_145 = tpu.vector_load %arg8[%get3A_144] {strides = array<i32>} : memref<256xi32, #tpu.memory_space<vmem>>, vector<16xi32>,
        %min3A = arith.minsi %scan3A_140, %get3A_145 : vector<16xi32>
        %max3A = arith.maxsi %scan3A_141, %get3A_145 : vector<16xi32>
        scf.yield %min3A, %max3A : vector<16xi32>, vector<16xi32>
      }
      %scan3A_65 = arith.constant 15 : i32
      %reduce_min3A = arith.constant true
      %reduce_min3A_66 = vector.broadcast %reduce_min3A : i1 to vector<16xi1>
      %reduce_min3A_67 = arith.constant -2147483648 : i32
      %reduce_min3A_68 = vector.broadcast %reduce_min3A_67 : i32 to vector<16xi32>
      %reduce_min3A_69 = arith.xori %scan3A_64#0, %reduce_min3A_68 : vector<16xi32>
      %reduce_min3A_70 = tpu.scan <min>, %reduce_min3A_69 masked %reduce_min3A_66 : vector<16xi32>, vector<16xi1> -> vector<16xi32>
      %reduce_min3A_71 = arith.xori %reduce_min3A_70, %reduce_min3A_68 : vector<16xi32>
      %reduce_min3A_72 = vector.extract %reduce_min3A_71[15] : i32 from vector<16xi32>
      %reduce_max3A_73 = arith.constant true
      %reduce_max3A_74 = vector.broadcast %reduce_max3A_73 : i1 to vector<16xi1>
      %reduce_max3A_75 = arith.constant -2147483648 : i32
      %reduce_max3A_76 = vector.broadcast %reduce_max3A_75 : i32 to vector<16xi32>
      %reduce_max3A_77 = arith.xori %scan3A_64#1, %reduce_max3A_76 : vector<16xi32>
      %reduce_max3A_78 = tpu.scan <max>, %reduce_max3A_77 masked %reduce_max3A_74 : vector<16xi32>, vector<16xi1> -> vector<16xi32>
      %reduce_max3A_79 = arith.xori %reduce_max3A_78, %reduce_max3A_76 : vector<16xi32>
      %reduce_max3A_80 = vector.extract %reduce_max3A_79[15] : i32 from vector<16xi32>
      %add3A_81 = arith.constant 1 : i32
      %add3A_82 = arith.addi %reduce_max3A_80, %add3A_81 : i32
      %scan3A_83 = arith.constant 0 : i32
      %scan3A_84 = arith.constant 32 : i32
      %scan3A_85 = arith.addi %scan3A_83, %scan3A_84 : i32
      %scan3A_86 = arith.constant 1 : i32
      %scan3A_87:2 = scf.for %scan3A_139 = %scan3A_83 to %scan3A_85 step %scan3A_86 iter_args(%scan3A_140 = %reduce_min3A_72, %scan3A_141 = %add3A_82) -> (i32, i32)  : i32 {
        %shift_right_arithmetic3A = arith.constant 1 : i32
        %shift_right_arithmetic3A_142 = arith.shrsi %scan3A_140, %shift_right_arithmetic3A : i32
        %shift_right_arithmetic3A_143 = arith.constant 1 : i32
        %shift_right_arithmetic3A_144 = arith.shrsi %scan3A_141, %shift_right_arithmetic3A_143 : i32
        %add3A_145 = arith.addi %shift_right_arithmetic3A_142, %shift_right_arithmetic3A_144 : i32
        %and3A = arith.andi %scan3A_140, %scan3A_141 : i32
        %and3A_146 = arith.constant 1 : i32
        %and3A_147 = arith.andi %and3A, %and3A_146 : i32
        %add3A_148 = arith.addi %add3A_145, %and3A_147 : i32
        %broadcast_in_dim3A_149 = arith.constant 0 : i32
        %broadcast_in_dim3A_150 = vector.broadcast %broadcast_in_dim3A_149 : i32 to vector<16xi32>
        %scan3A_151 = arith.constant 0 : i32
        %scan3A_152 = arith.constant 16 : i32
        %scan3A_153 = arith.addi %scan3A_151, %scan3A_152 : i32
        %scan3A_154 = arith.constant 1 : i32
        %scan3A_155 = scf.for %scan3A_167 = %scan3A_151 to %scan3A_153 step %scan3A_154 iter_args(%scan3A_168 = %broadcast_in_dim3A_150) -> (vector<16xi32>)  : i32 {
          %mul3A_169 = arith.constant 16 : i32
          %mul3A_170 = arith.muli %scan3A_167, %mul3A_169 : i32
          %get3A_171 = arith.index_cast %mul3A_170 : i32 to index
          %get3A_172 = tpu.vector_load %arg8[%get3A_171] {strides = array<i32>} : memref<256xi32, #tpu.memory_space<vmem>>, vector<16xi32>,
          %ge3A_173 = vector.broadcast %add3A_148 : i32 to vector<16xi32>
          %ge3A_174 = arith.cmpi sge, %get3A_172, %ge3A_173 : vector<16xi32>
          %all_reduce_population_count3A = tpu.all_reduce %ge3A_174 {dim = 0 : i64, kind = #tpu.reduction_kind<sum>} : vector<16xi1> -> vector<16xi32>
          %add3A_175 = arith.addi %scan3A_168, %all_reduce_population_count3A : vector<16xi32>
          scf.yield %add3A_175 : vector<16xi32>
        }
        %scan3A_156 = arith.constant 16 : i32
        %reduce_max3A_157 = arith.constant true
        %reduce_max3A_158 = vector.broadcast %reduce_max3A_157 : i1 to vector<16xi1>
        %reduce_max3A_159 = arith.constant -2147483648 : i32
        %reduce_max3A_160 = vector.broadcast %reduce_max3A_159 : i32 to vector<16xi32>
        %reduce_max3A_161 = arith.xori %scan3A_155, %reduce_max3A_160 : vector<16xi32>
        %reduce_max3A_162 = tpu.scan <max>, %reduce_max3A_161 masked %reduce_max3A_158 : vector<16xi32>, vector<16xi1> -> vector<16xi32>
        %reduce_max3A_163 = arith.xori %reduce_max3A_162, %reduce_max3A_160 : vector<16xi32>
        %reduce_max3A_164 = vector.extract %reduce_max3A_163[15] : i32 from vector<16xi32>
        %ge3A = arith.constant 128 : i32
        %ge3A_165 = arith.cmpi sge, %reduce_max3A_164, %ge3A : i32
        %select_n3A = arith.select %ge3A_165, %add3A_148, %scan3A_140 : i32
        %select_n3A_166 = arith.select %ge3A_165, %scan3A_141, %add3A_148 : i32
        scf.yield %select_n3A, %select_n3A_166 : i32, i32
      }
      %scan3A_88 = arith.constant 32 : i32
      %broadcast_in_dim3A = arith.constant 0.000000e+00 : f32
      %broadcast_in_dim3A_89 = vector.broadcast %broadcast_in_dim3A : f32 to vector<16xf32>
      %scan3A_90 = arith.constant 0 : i32
      %scan3A_91 = arith.constant 16 : i32
      %scan3A_92 = arith.addi %scan3A_90, %scan3A_91 : i32
      %scan3A_93 = arith.constant 1 : i32
      %scan3A_94 = scf.for %scan3A_139 = %scan3A_90 to %scan3A_92 step %scan3A_93 iter_args(%scan3A_140 = %broadcast_in_dim3A_89) -> (vector<16xf32>)  : i32 {
        %mul3A_141 = arith.constant 16 : i32
        %mul3A_142 = arith.muli %scan3A_139, %mul3A_141 : i32
        %get3A_143 = arith.index_cast %mul3A_142 : i32 to index
        %get3A_144 = tpu.vector_load %arg7[%get3A_143] {strides = array<i32>} : memref<256xf32, #tpu.memory_space<vmem>>, vector<16xf32>,
        %mul3A_145 = arith.constant 16 : i32
        %mul3A_146 = arith.muli %scan3A_139, %mul3A_145 : i32
        %get3A_147 = arith.index_cast %mul3A_146 : i32 to index
        %get3A_148 = tpu.vector_load %arg8[%get3A_147] {strides = array<i32>} : memref<256xi32, #tpu.memory_space<vmem>>, vector<16xi32>,
        %ge3A = vector.broadcast %scan3A_87#0 : i32 to vector<16xi32>
        %ge3A_149 = arith.cmpi sge, %get3A_148, %ge3A : vector<16xi32>
        %sub3A_150 = vector.broadcast %reduce_max3A_50 : f32 to vector<16xf32>
        %sub3A_151 = arith.subf %get3A_144, %sub3A_150 : vector<16xf32>
        %exp3A = math.exp %sub3A_151 : vector<16xf32>
        %jit3A = arith.constant 0.000000e+00 : f32
        %broadcast_in_dim3A_152 = vector.broadcast %jit3A : f32 to vector<16xf32>
        %select_n3A = arith.select %ge3A_149, %exp3A, %broadcast_in_dim3A_152 : vector<16xi1>, vector<16xf32>
        %mul3A_153 = arith.constant 16 : i32
        %mul3A_154 = arith.muli %scan3A_139, %mul3A_153 : i32
        %swap3A_155 = arith.index_cast %mul3A_154 : i32 to index
        %swap3A_156 = tpu.vector_load %arg7[%swap3A_155] {strides = array<i32>} : memref<256xf32, #tpu.memory_space<vmem>>, vector<16xf32>,
        tpu.vector_store %arg7[%swap3A_155], %select_n3A {strides = array<i32>} : memref<256xf32, #tpu.memory_space<vmem>>, vector<16xf32>,
        %add3A_157 = arith.addf %scan3A_140, %select_n3A : vector<16xf32>
        scf.yield %add3A_157 : vector<16xf32>
      }
      %scan3A_95 = arith.constant 16 : i32
      %reduce_sum3A = arith.constant true
      %reduce_sum3A_96 = vector.broadcast %reduce_sum3A : i1 to vector<16xi1>
      %reduce_sum3A_97 = tpu.scan <sum>, %scan3A_94 masked %reduce_sum3A_96 : vector<16xf32>, vector<16xi1> -> vector<16xf32>
      %reduce_sum3A_98 = vector.extract %reduce_sum3A_97[15] : f32 from vector<16xf32>
      %broadcast_in_dim3A_99 = vector.broadcast %reduce_sum3A_98 : f32 to vector<16xf32>
      %div3A = arith.constant 1.000000e+00 : f32
      %div3A_100 = vector.broadcast %div3A : f32 to vector<16xf32>
      %div3A_101 = arith.divf %div3A_100, %broadcast_in_dim3A_99 : vector<16xf32>
      %broadcast_in_dim3A_102 = arith.constant 0.000000e+00 : f32
      %broadcast_in_dim3A_103 = vector.broadcast %broadcast_in_dim3A_102 : f32 to vector<16xf32>
      %broadcast_in_dim3A_104 = arith.constant 0.000000e+00 : f32
      %broadcast_in_dim3A_105 = vector.broadcast %broadcast_in_dim3A_104 : f32 to vector<16xf32>
      %broadcast_in_dim3A_106 = arith.constant 0.000000e+00 : f32
      %broadcast_in_dim3A_107 = vector.broadcast %broadcast_in_dim3A_106 : f32 to vector<16xf32>
      %broadcast_in_dim3A_108 = arith.constant 0.000000e+00 : f32
      %broadcast_in_dim3A_109 = vector.broadcast %broadcast_in_dim3A_108 : f32 to vector<16xf32>
      %broadcast_in_dim3A_110 = arith.constant 0.000000e+00 : f32
      %broadcast_in_dim3A_111 = vector.broadcast %broadcast_in_dim3A_110 : f32 to vector<16xf32>
      %broadcast_in_dim3A_112 = arith.constant 0.000000e+00 : f32
      %broadcast_in_dim3A_113 = vector.broadcast %broadcast_in_dim3A_112 : f32 to vector<16xf32>
      %scan3A_114 = arith.constant 0 : i32
      %scan3A_115 = arith.constant 16 : i32
      %scan3A_116 = arith.addi %scan3A_114, %scan3A_115 : i32
      %scan3A_117 = arith.constant 1 : i32
      %scan3A_118:6 = scf.for %scan3A_139 = %scan3A_114 to %scan3A_116 step %scan3A_117 iter_args(%scan3A_140 = %broadcast_in_dim3A_103, %scan3A_141 = %broadcast_in_dim3A_105, %scan3A_142 = %broadcast_in_dim3A_107, %scan3A_143 = %broadcast_in_dim3A_109, %scan3A_144 = %broadcast_in_dim3A_111, %scan3A_145 = %broadcast_in_dim3A_113) -> (vector<16xf32>, vector<16xf32>, vector<16xf32>, vector<16xf32>, vector<16xf32>, vector<16xf32>)  : i32 {
        %mul3A_146 = arith.constant 16 : i32
        %mul3A_147 = arith.muli %scan3A_139, %mul3A_146 : i32
        %get3A_148 = arith.index_cast %mul3A_147 : i32 to index
        %get3A_149 = tpu.vector_load %arg7[%get3A_148] {strides = array<i32>} : memref<256xf32, #tpu.memory_space<vmem>>, vector<16xf32>,
        %mul3A_150 = arith.constant 16 : i32
        %mul3A_151 = arith.muli %scan3A_139, %mul3A_150 : i32
        %add3A_152 = arith.constant 0 : i32
        %add3A_153 = arith.addi %mul3A_151, %add3A_152 : i32
        %slice3A = vector.extract_strided_slice %get3A_149 {offsets = [0], sizes = [1], strides = [1]} : vector<16xf32> to vector<1xf32>
        %squeeze3A = vector.extract %slice3A[0] : f32 from vector<1xf32>
        %get3A_154 = arith.index_cast %add3A_153 : i32 to index
        %get3A_155 = arith.constant 0 : index
        %get3A_156 = tpu.vector_load %arg6[%get3A_154, %get3A_155] {strides = array<i32>} : memref<256x96xf32, #tpu.memory_space<vmem>>, vector<16xf32>,
        %mul3A_157 = vector.broadcast %squeeze3A : f32 to vector<16xf32>
        %mul3A_158 = arith.mulf %mul3A_157, %get3A_156 : vector<16xf32>
        %add3A_159 = arith.addf %scan3A_140, %mul3A_158 : vector<16xf32>
        %get3A_160 = arith.index_cast %add3A_153 : i32 to index
        %get3A_161 = arith.constant 16 : index
        %get3A_162 = tpu.vector_load %arg6[%get3A_160, %get3A_161] {strides = array<i32>} : memref<256x96xf32, #tpu.memory_space<vmem>>, vector<16xf32>,
        %mul3A_163 = vector.broadcast %squeeze3A : f32 to vector<16xf32>
        %mul3A_164 = arith.mulf %mul3A_163, %get3A_162 : vector<16xf32>
        %add3A_165 = arith.addf %scan3A_141, %mul3A_164 : vector<16xf32>
        %get3A_166 = arith.index_cast %add3A_153 : i32 to index
        %get3A_167 = arith.constant 32 : index
        %get3A_168 = tpu.vector_load %arg6[%get3A_166, %get3A_167] {strides = array<i32>} : memref<256x96xf32, #tpu.memory_space<vmem>>, vector<16xf32>,
        %mul3A_169 = vector.broadcast %squeeze3A : f32 to vector<16xf32>
        %mul3A_170 = arith.mulf %mul3A_169, %get3A_168 : vector<16xf32>
        %add3A_171 = arith.addf %scan3A_142, %mul3A_170 : vector<16xf32>
        %get3A_172 = arith.index_cast %add3A_153 : i32 to index
        %get3A_173 = arith.constant 48 : index
        %get3A_174 = tpu.vector_load %arg6[%get3A_172, %get3A_173] {strides = array<i32>} : memref<256x96xf32, #tpu.memory_space<vmem>>, vector<16xf32>,
        %mul3A_175 = vector.broadcast %squeeze3A : f32 to vector<16xf32>
        %mul3A_176 = arith.mulf %mul3A_175, %get3A_174 : vector<16xf32>
        %add3A_177 = arith.addf %scan3A_143, %mul3A_176 : vector<16xf32>
        %get3A_178 = arith.index_cast %add3A_153 : i32 to index
        %get3A_179 = arith.constant 64 : index
        %get3A_180 = tpu.vector_load %arg6[%get3A_178, %get3A_179] {strides = array<i32>} : memref<256x96xf32, #tpu.memory_space<vmem>>, vector<16xf32>,
        %mul3A_181 = vector.broadcast %squeeze3A : f32 to vector<16xf32>
        %mul3A_182 = arith.mulf %mul3A_181, %get3A_180 : vector<16xf32>
        %add3A_183 = arith.addf %scan3A_144, %mul3A_182 : vector<16xf32>
        %get3A_184 = arith.index_cast %add3A_153 : i32 to index
        %get3A_185 = arith.constant 80 : index
        %get3A_186 = tpu.vector_load %arg6[%get3A_184, %get3A_185] {strides = array<i32>} : memref<256x96xf32, #tpu.memory_space<vmem>>, vector<16xf32>,
        %mul3A_187 = vector.broadcast %squeeze3A : f32 to vector<16xf32>
        %mul3A_188 = arith.mulf %mul3A_187, %get3A_186 : vector<16xf32>
        %add3A_189 = arith.addf %scan3A_145, %mul3A_188 : vector<16xf32>
        %mul3A_190 = arith.constant 16 : i32
        %mul3A_191 = arith.muli %scan3A_139, %mul3A_190 : i32
        %add3A_192 = arith.constant 1 : i32
        %add3A_193 = arith.addi %mul3A_191, %add3A_192 : i32
        %slice3A_194 = vector.extract_strided_slice %get3A_149 {offsets = [1], sizes = [1], strides = [1]} : vector<16xf32> to vector<1xf32>
        %squeeze3A_195 = vector.extract %slice3A_194[0] : f32 from vector<1xf32>
        %get3A_196 = arith.index_cast %add3A_193 : i32 to index
        %get3A_197 = arith.constant 0 : index
        %get3A_198 = tpu.vector_load %arg6[%get3A_196, %get3A_197] {strides = array<i32>} : memref<256x96xf32, #tpu.memory_space<vmem>>, vector<16xf32>,
        %mul3A_199 = vector.broadcast %squeeze3A_195 : f32 to vector<16xf32>
        %mul3A_200 = arith.mulf %mul3A_199, %get3A_198 : vector<16xf32>
        %add3A_201 = arith.addf %add3A_159, %mul3A_200 : vector<16xf32>
        %get3A_202 = arith.index_cast %add3A_193 : i32 to index
        %get3A_203 = arith.constant 16 : index
        %get3A_204 = tpu.vector_load %arg6[%get3A_202, %get3A_203] {strides = array<i32>} : memref<256x96xf32, #tpu.memory_space<vmem>>, vector<16xf32>,
        %mul3A_205 = vector.broadcast %squeeze3A_195 : f32 to vector<16xf32>
        %mul3A_206 = arith.mulf %mul3A_205, %get3A_204 : vector<16xf32>
        %add3A_207 = arith.addf %add3A_165, %mul3A_206 : vector<16xf32>
        %get3A_208 = arith.index_cast %add3A_193 : i32 to index
        %get3A_209 = arith.constant 32 : index
        %get3A_210 = tpu.vector_load %arg6[%get3A_208, %get3A_209] {strides = array<i32>} : memref<256x96xf32, #tpu.memory_space<vmem>>, vector<16xf32>,
        %mul3A_211 = vector.broadcast %squeeze3A_195 : f32 to vector<16xf32>
        %mul3A_212 = arith.mulf %mul3A_211, %get3A_210 : vector<16xf32>
        %add3A_213 = arith.addf %add3A_171, %mul3A_212 : vector<16xf32>
        %get3A_214 = arith.index_cast %add3A_193 : i32 to index
        %get3A_215 = arith.constant 48 : index
        %get3A_216 = tpu.vector_load %arg6[%get3A_214, %get3A_215] {strides = array<i32>} : memref<256x96xf32, #tpu.memory_space<vmem>>, vector<16xf32>,
        %mul3A_217 = vector.broadcast %squeeze3A_195 : f32 to vector<16xf32>
        %mul3A_218 = arith.mulf %mul3A_217, %get3A_216 : vector<16xf32>
        %add3A_219 = arith.addf %add3A_177, %mul3A_218 : vector<16xf32>
        %get3A_220 = arith.index_cast %add3A_193 : i32 to index
        %get3A_221 = arith.constant 64 : index
        %get3A_222 = tpu.vector_load %arg6[%get3A_220, %get3A_221] {strides = array<i32>} : memref<256x96xf32, #tpu.memory_space<vmem>>, vector<16xf32>,
        %mul3A_223 = vector.broadcast %squeeze3A_195 : f32 to vector<16xf32>
        %mul3A_224 = arith.mulf %mul3A_223, %get3A_222 : vector<16xf32>
        %add3A_225 = arith.addf %add3A_183, %mul3A_224 : vector<16xf32>
        %get3A_226 = arith.index_cast %add3A_193 : i32 to index
        %get3A_227 = arith.constant 80 : index
        %get3A_228 = tpu.vector_load %arg6[%get3A_226, %get3A_227] {strides = array<i32>} : memref<256x96xf32, #tpu.memory_space<vmem>>, vector<16xf32>,
        %mul3A_229 = vector.broadcast %squeeze3A_195 : f32 to vector<16xf32>
        %mul3A_230 = arith.mulf %mul3A_229, %get3A_228 : vector<16xf32>
        %add3A_231 = arith.addf %add3A_189, %mul3A_230 : vector<16xf32>
        %mul3A_232 = arith.constant 16 : i32
        %mul3A_233 = arith.muli %scan3A_139, %mul3A_232 : i32
        %add3A_234 = arith.constant 2 : i32
        %add3A_235 = arith.addi %mul3A_233, %add3A_234 : i32
        %slice3A_236 = vector.extract_strided_slice %get3A_149 {offsets = [2], sizes = [1], strides = [1]} : vector<16xf32> to vector<1xf32>
        %squeeze3A_237 = vector.extract %slice3A_236[0] : f32 from vector<1xf32>
        %get3A_238 = arith.index_cast %add3A_235 : i32 to index
        %get3A_239 = arith.constant 0 : index
        %get3A_240 = tpu.vector_load %arg6[%get3A_238, %get3A_239] {strides = array<i32>} : memref<256x96xf32, #tpu.memory_space<vmem>>, vector<16xf32>,
        %mul3A_241 = vector.broadcast %squeeze3A_237 : f32 to vector<16xf32>
        %mul3A_242 = arith.mulf %mul3A_241, %get3A_240 : vector<16xf32>
        %add3A_243 = arith.addf %add3A_201, %mul3A_242 : vector<16xf32>
        %get3A_244 = arith.index_cast %add3A_235 : i32 to index
        %get3A_245 = arith.constant 16 : index
        %get3A_246 = tpu.vector_load %arg6[%get3A_244, %get3A_245] {strides = array<i32>} : memref<256x96xf32, #tpu.memory_space<vmem>>, vector<16xf32>,
        %mul3A_247 = vector.broadcast %squeeze3A_237 : f32 to vector<16xf32>
        %mul3A_248 = arith.mulf %mul3A_247, %get3A_246 : vector<16xf32>
        %add3A_249 = arith.addf %add3A_207, %mul3A_248 : vector<16xf32>
        %get3A_250 = arith.index_cast %add3A_235 : i32 to index
        %get3A_251 = arith.constant 32 : index
        %get3A_252 = tpu.vector_load %arg6[%get3A_250, %get3A_251] {strides = array<i32>} : memref<256x96xf32, #tpu.memory_space<vmem>>, vector<16xf32>,
        %mul3A_253 = vector.broadcast %squeeze3A_237 : f32 to vector<16xf32>
        %mul3A_254 = arith.mulf %mul3A_253, %get3A_252 : vector<16xf32>
        %add3A_255 = arith.addf %add3A_213, %mul3A_254 : vector<16xf32>
        %get3A_256 = arith.index_cast %add3A_235 : i32 to index
        %get3A_257 = arith.constant 48 : index
        %get3A_258 = tpu.vector_load %arg6[%get3A_256, %get3A_257] {strides = array<i32>} : memref<256x96xf32, #tpu.memory_space<vmem>>, vector<16xf32>,
        %mul3A_259 = vector.broadcast %squeeze3A_237 : f32 to vector<16xf32>
        %mul3A_260 = arith.mulf %mul3A_259, %get3A_258 : vector<16xf32>
        %add3A_261 = arith.addf %add3A_219, %mul3A_260 : vector<16xf32>
        %get3A_262 = arith.index_cast %add3A_235 : i32 to index
        %get3A_263 = arith.constant 64 : index
        %get3A_264 = tpu.vector_load %arg6[%get3A_262, %get3A_263] {strides = array<i32>} : memref<256x96xf32, #tpu.memory_space<vmem>>, vector<16xf32>,
        %mul3A_265 = vector.broadcast %squeeze3A_237 : f32 to vector<16xf32>
        %mul3A_266 = arith.mulf %mul3A_265, %get3A_264 : vector<16xf32>
        %add3A_267 = arith.addf %add3A_225, %mul3A_266 : vector<16xf32>
        %get3A_268 = arith.index_cast %add3A_235 : i32 to index
        %get3A_269 = arith.constant 80 : index
        %get3A_270 = tpu.vector_load %arg6[%get3A_268, %get3A_269] {strides = array<i32>} : memref<256x96xf32, #tpu.memory_space<vmem>>, vector<16xf32>,
        %mul3A_271 = vector.broadcast %squeeze3A_237 : f32 to vector<16xf32>
        %mul3A_272 = arith.mulf %mul3A_271, %get3A_270 : vector<16xf32>
        %add3A_273 = arith.addf %add3A_231, %mul3A_272 : vector<16xf32>
        %mul3A_274 = arith.constant 16 : i32
        %mul3A_275 = arith.muli %scan3A_139, %mul3A_274 : i32
        %add3A_276 = arith.constant 3 : i32
        %add3A_277 = arith.addi %mul3A_275, %add3A_276 : i32
        %slice3A_278 = vector.extract_strided_slice %get3A_149 {offsets = [3], sizes = [1], strides = [1]} : vector<16xf32> to vector<1xf32>
        %squeeze3A_279 = vector.extract %slice3A_278[0] : f32 from vector<1xf32>
        %get3A_280 = arith.index_cast %add3A_277 : i32 to index
        %get3A_281 = arith.constant 0 : index
        %get3A_282 = tpu.vector_load %arg6[%get3A_280, %get3A_281] {strides = array<i32>} : memref<256x96xf32, #tpu.memory_space<vmem>>, vector<16xf32>,
        %mul3A_283 = vector.broadcast %squeeze3A_279 : f32 to vector<16xf32>
        %mul3A_284 = arith.mulf %mul3A_283, %get3A_282 : vector<16xf32>
        %add3A_285 = arith.addf %add3A_243, %mul3A_284 : vector<16xf32>
        %get3A_286 = arith.index_cast %add3A_277 : i32 to index
        %get3A_287 = arith.constant 16 : index
        %get3A_288 = tpu.vector_load %arg6[%get3A_286, %get3A_287] {strides = array<i32>} : memref<256x96xf32, #tpu.memory_space<vmem>>, vector<16xf32>,
        %mul3A_289 = vector.broadcast %squeeze3A_279 : f32 to vector<16xf32>
        %mul3A_290 = arith.mulf %mul3A_289, %get3A_288 : vector<16xf32>
        %add3A_291 = arith.addf %add3A_249, %mul3A_290 : vector<16xf32>
        %get3A_292 = arith.index_cast %add3A_277 : i32 to index
        %get3A_293 = arith.constant 32 : index
        %get3A_294 = tpu.vector_load %arg6[%get3A_292, %get3A_293] {strides = array<i32>} : memref<256x96xf32, #tpu.memory_space<vmem>>, vector<16xf32>,
        %mul3A_295 = vector.broadcast %squeeze3A_279 : f32 to vector<16xf32>
        %mul3A_296 = arith.mulf %mul3A_295, %get3A_294 : vector<16xf32>
        %add3A_297 = arith.addf %add3A_255, %mul3A_296 : vector<16xf32>
        %get3A_298 = arith.index_cast %add3A_277 : i32 to index
        %get3A_299 = arith.constant 48 : index
        %get3A_300 = tpu.vector_load %arg6[%get3A_298, %get3A_299] {strides = array<i32>} : memref<256x96xf32, #tpu.memory_space<vmem>>, vector<16xf32>,
        %mul3A_301 = vector.broadcast %squeeze3A_279 : f32 to vector<16xf32>
        %mul3A_302 = arith.mulf %mul3A_301, %get3A_300 : vector<16xf32>
        %add3A_303 = arith.addf %add3A_261, %mul3A_302 : vector<16xf32>
        %get3A_304 = arith.index_cast %add3A_277 : i32 to index
        %get3A_305 = arith.constant 64 : index
        %get3A_306 = tpu.vector_load %arg6[%get3A_304, %get3A_305] {strides = array<i32>} : memref<256x96xf32, #tpu.memory_space<vmem>>, vector<16xf32>,
        %mul3A_307 = vector.broadcast %squeeze3A_279 : f32 to vector<16xf32>
        %mul3A_308 = arith.mulf %mul3A_307, %get3A_306 : vector<16xf32>
        %add3A_309 = arith.addf %add3A_267, %mul3A_308 : vector<16xf32>
        %get3A_310 = arith.index_cast %add3A_277 : i32 to index
        %get3A_311 = arith.constant 80 : index
        %get3A_312 = tpu.vector_load %arg6[%get3A_310, %get3A_311] {strides = array<i32>} : memref<256x96xf32, #tpu.memory_space<vmem>>, vector<16xf32>,
        %mul3A_313 = vector.broadcast %squeeze3A_279 : f32 to vector<16xf32>
        %mul3A_314 = arith.mulf %mul3A_313, %get3A_312 : vector<16xf32>
        %add3A_315 = arith.addf %add3A_273, %mul3A_314 : vector<16xf32>
        %mul3A_316 = arith.constant 16 : i32
        %mul3A_317 = arith.muli %scan3A_139, %mul3A_316 : i32
        %add3A_318 = arith.constant 4 : i32
        %add3A_319 = arith.addi %mul3A_317, %add3A_318 : i32
        %slice3A_320 = vector.extract_strided_slice %get3A_149 {offsets = [4], sizes = [1], strides = [1]} : vector<16xf32> to vector<1xf32>
        %squeeze3A_321 = vector.extract %slice3A_320[0] : f32 from vector<1xf32>
        %get3A_322 = arith.index_cast %add3A_319 : i32 to index
        %get3A_323 = arith.constant 0 : index
        %get3A_324 = tpu.vector_load %arg6[%get3A_322, %get3A_323] {strides = array<i32>} : memref<256x96xf32, #tpu.memory_space<vmem>>, vector<16xf32>,
        %mul3A_325 = vector.broadcast %squeeze3A_321 : f32 to vector<16xf32>
        %mul3A_326 = arith.mulf %mul3A_325, %get3A_324 : vector<16xf32>
        %add3A_327 = arith.addf %add3A_285, %mul3A_326 : vector<16xf32>
        %get3A_328 = arith.index_cast %add3A_319 : i32 to index
        %get3A_329 = arith.constant 16 : index
        %get3A_330 = tpu.vector_load %arg6[%get3A_328, %get3A_329] {strides = array<i32>} : memref<256x96xf32, #tpu.memory_space<vmem>>, vector<16xf32>,
        %mul3A_331 = vector.broadcast %squeeze3A_321 : f32 to vector<16xf32>
        %mul3A_332 = arith.mulf %mul3A_331, %get3A_330 : vector<16xf32>
        %add3A_333 = arith.addf %add3A_291, %mul3A_332 : vector<16xf32>
        %get3A_334 = arith.index_cast %add3A_319 : i32 to index
        %get3A_335 = arith.constant 32 : index
        %get3A_336 = tpu.vector_load %arg6[%get3A_334, %get3A_335] {strides = array<i32>} : memref<256x96xf32, #tpu.memory_space<vmem>>, vector<16xf32>,
        %mul3A_337 = vector.broadcast %squeeze3A_321 : f32 to vector<16xf32>
        %mul3A_338 = arith.mulf %mul3A_337, %get3A_336 : vector<16xf32>
        %add3A_339 = arith.addf %add3A_297, %mul3A_338 : vector<16xf32>
        %get3A_340 = arith.index_cast %add3A_319 : i32 to index
        %get3A_341 = arith.constant 48 : index
        %get3A_342 = tpu.vector_load %arg6[%get3A_340, %get3A_341] {strides = array<i32>} : memref<256x96xf32, #tpu.memory_space<vmem>>, vector<16xf32>,
        %mul3A_343 = vector.broadcast %squeeze3A_321 : f32 to vector<16xf32>
        %mul3A_344 = arith.mulf %mul3A_343, %get3A_342 : vector<16xf32>
        %add3A_345 = arith.addf %add3A_303, %mul3A_344 : vector<16xf32>
        %get3A_346 = arith.index_cast %add3A_319 : i32 to index
        %get3A_347 = arith.constant 64 : index
        %get3A_348 = tpu.vector_load %arg6[%get3A_346, %get3A_347] {strides = array<i32>} : memref<256x96xf32, #tpu.memory_space<vmem>>, vector<16xf32>,
        %mul3A_349 = vector.broadcast %squeeze3A_321 : f32 to vector<16xf32>
        %mul3A_350 = arith.mulf %mul3A_349, %get3A_348 : vector<16xf32>
        %add3A_351 = arith.addf %add3A_309, %mul3A_350 : vector<16xf32>
        %get3A_352 = arith.index_cast %add3A_319 : i32 to index
        %get3A_353 = arith.constant 80 : index
        %get3A_354 = tpu.vector_load %arg6[%get3A_352, %get3A_353] {strides = array<i32>} : memref<256x96xf32, #tpu.memory_space<vmem>>, vector<16xf32>,
        %mul3A_355 = vector.broadcast %squeeze3A_321 : f32 to vector<16xf32>
        %mul3A_356 = arith.mulf %mul3A_355, %get3A_354 : vector<16xf32>
        %add3A_357 = arith.addf %add3A_315, %mul3A_356 : vector<16xf32>
        %mul3A_358 = arith.constant 16 : i32
        %mul3A_359 = arith.muli %scan3A_139, %mul3A_358 : i32
        %add3A_360 = arith.constant 5 : i32
        %add3A_361 = arith.addi %mul3A_359, %add3A_360 : i32
        %slice3A_362 = vector.extract_strided_slice %get3A_149 {offsets = [5], sizes = [1], strides = [1]} : vector<16xf32> to vector<1xf32>
        %squeeze3A_363 = vector.extract %slice3A_362[0] : f32 from vector<1xf32>
        %get3A_364 = arith.index_cast %add3A_361 : i32 to index
        %get3A_365 = arith.constant 0 : index
        %get3A_366 = tpu.vector_load %arg6[%get3A_364, %get3A_365] {strides = array<i32>} : memref<256x96xf32, #tpu.memory_space<vmem>>, vector<16xf32>,
        %mul3A_367 = vector.broadcast %squeeze3A_363 : f32 to vector<16xf32>
        %mul3A_368 = arith.mulf %mul3A_367, %get3A_366 : vector<16xf32>
        %add3A_369 = arith.addf %add3A_327, %mul3A_368 : vector<16xf32>
        %get3A_370 = arith.index_cast %add3A_361 : i32 to index
        %get3A_371 = arith.constant 16 : index
        %get3A_372 = tpu.vector_load %arg6[%get3A_370, %get3A_371] {strides = array<i32>} : memref<256x96xf32, #tpu.memory_space<vmem>>, vector<16xf32>,
        %mul3A_373 = vector.broadcast %squeeze3A_363 : f32 to vector<16xf32>
        %mul3A_374 = arith.mulf %mul3A_373, %get3A_372 : vector<16xf32>
        %add3A_375 = arith.addf %add3A_333, %mul3A_374 : vector<16xf32>
        %get3A_376 = arith.index_cast %add3A_361 : i32 to index
        %get3A_377 = arith.constant 32 : index
        %get3A_378 = tpu.vector_load %arg6[%get3A_376, %get3A_377] {strides = array<i32>} : memref<256x96xf32, #tpu.memory_space<vmem>>, vector<16xf32>,
        %mul3A_379 = vector.broadcast %squeeze3A_363 : f32 to vector<16xf32>
        %mul3A_380 = arith.mulf %mul3A_379, %get3A_378 : vector<16xf32>
        %add3A_381 = arith.addf %add3A_339, %mul3A_380 : vector<16xf32>
        %get3A_382 = arith.index_cast %add3A_361 : i32 to index
        %get3A_383 = arith.constant 48 : index
        %get3A_384 = tpu.vector_load %arg6[%get3A_382, %get3A_383] {strides = array<i32>} : memref<256x96xf32, #tpu.memory_space<vmem>>, vector<16xf32>,
        %mul3A_385 = vector.broadcast %squeeze3A_363 : f32 to vector<16xf32>
        %mul3A_386 = arith.mulf %mul3A_385, %get3A_384 : vector<16xf32>
        %add3A_387 = arith.addf %add3A_345, %mul3A_386 : vector<16xf32>
        %get3A_388 = arith.index_cast %add3A_361 : i32 to index
        %get3A_389 = arith.constant 64 : index
        %get3A_390 = tpu.vector_load %arg6[%get3A_388, %get3A_389] {strides = array<i32>} : memref<256x96xf32, #tpu.memory_space<vmem>>, vector<16xf32>,
        %mul3A_391 = vector.broadcast %squeeze3A_363 : f32 to vector<16xf32>
        %mul3A_392 = arith.mulf %mul3A_391, %get3A_390 : vector<16xf32>
        %add3A_393 = arith.addf %add3A_351, %mul3A_392 : vector<16xf32>
        %get3A_394 = arith.index_cast %add3A_361 : i32 to index
        %get3A_395 = arith.constant 80 : index
        %get3A_396 = tpu.vector_load %arg6[%get3A_394, %get3A_395] {strides = array<i32>} : memref<256x96xf32, #tpu.memory_space<vmem>>, vector<16xf32>,
        %mul3A_397 = vector.broadcast %squeeze3A_363 : f32 to vector<16xf32>
        %mul3A_398 = arith.mulf %mul3A_397, %get3A_396 : vector<16xf32>
        %add3A_399 = arith.addf %add3A_357, %mul3A_398 : vector<16xf32>
        %mul3A_400 = arith.constant 16 : i32
        %mul3A_401 = arith.muli %scan3A_139, %mul3A_400 : i32
        %add3A_402 = arith.constant 6 : i32
        %add3A_403 = arith.addi %mul3A_401, %add3A_402 : i32
        %slice3A_404 = vector.extract_strided_slice %get3A_149 {offsets = [6], sizes = [1], strides = [1]} : vector<16xf32> to vector<1xf32>
        %squeeze3A_405 = vector.extract %slice3A_404[0] : f32 from vector<1xf32>
        %get3A_406 = arith.index_cast %add3A_403 : i32 to index
        %get3A_407 = arith.constant 0 : index
        %get3A_408 = tpu.vector_load %arg6[%get3A_406, %get3A_407] {strides = array<i32>} : memref<256x96xf32, #tpu.memory_space<vmem>>, vector<16xf32>,
        %mul3A_409 = vector.broadcast %squeeze3A_405 : f32 to vector<16xf32>
        %mul3A_410 = arith.mulf %mul3A_409, %get3A_408 : vector<16xf32>
        %add3A_411 = arith.addf %add3A_369, %mul3A_410 : vector<16xf32>
        %get3A_412 = arith.index_cast %add3A_403 : i32 to index
        %get3A_413 = arith.constant 16 : index
        %get3A_414 = tpu.vector_load %arg6[%get3A_412, %get3A_413] {strides = array<i32>} : memref<256x96xf32, #tpu.memory_space<vmem>>, vector<16xf32>,
        %mul3A_415 = vector.broadcast %squeeze3A_405 : f32 to vector<16xf32>
        %mul3A_416 = arith.mulf %mul3A_415, %get3A_414 : vector<16xf32>
        %add3A_417 = arith.addf %add3A_375, %mul3A_416 : vector<16xf32>
        %get3A_418 = arith.index_cast %add3A_403 : i32 to index
        %get3A_419 = arith.constant 32 : index
        %get3A_420 = tpu.vector_load %arg6[%get3A_418, %get3A_419] {strides = array<i32>} : memref<256x96xf32, #tpu.memory_space<vmem>>, vector<16xf32>,
        %mul3A_421 = vector.broadcast %squeeze3A_405 : f32 to vector<16xf32>
        %mul3A_422 = arith.mulf %mul3A_421, %get3A_420 : vector<16xf32>
        %add3A_423 = arith.addf %add3A_381, %mul3A_422 : vector<16xf32>
        %get3A_424 = arith.index_cast %add3A_403 : i32 to index
        %get3A_425 = arith.constant 48 : index
        %get3A_426 = tpu.vector_load %arg6[%get3A_424, %get3A_425] {strides = array<i32>} : memref<256x96xf32, #tpu.memory_space<vmem>>, vector<16xf32>,
        %mul3A_427 = vector.broadcast %squeeze3A_405 : f32 to vector<16xf32>
        %mul3A_428 = arith.mulf %mul3A_427, %get3A_426 : vector<16xf32>
        %add3A_429 = arith.addf %add3A_387, %mul3A_428 : vector<16xf32>
        %get3A_430 = arith.index_cast %add3A_403 : i32 to index
        %get3A_431 = arith.constant 64 : index
        %get3A_432 = tpu.vector_load %arg6[%get3A_430, %get3A_431] {strides = array<i32>} : memref<256x96xf32, #tpu.memory_space<vmem>>, vector<16xf32>,
        %mul3A_433 = vector.broadcast %squeeze3A_405 : f32 to vector<16xf32>
        %mul3A_434 = arith.mulf %mul3A_433, %get3A_432 : vector<16xf32>
        %add3A_435 = arith.addf %add3A_393, %mul3A_434 : vector<16xf32>
        %get3A_436 = arith.index_cast %add3A_403 : i32 to index
        %get3A_437 = arith.constant 80 : index
        %get3A_438 = tpu.vector_load %arg6[%get3A_436, %get3A_437] {strides = array<i32>} : memref<256x96xf32, #tpu.memory_space<vmem>>, vector<16xf32>,
        %mul3A_439 = vector.broadcast %squeeze3A_405 : f32 to vector<16xf32>
        %mul3A_440 = arith.mulf %mul3A_439, %get3A_438 : vector<16xf32>
        %add3A_441 = arith.addf %add3A_399, %mul3A_440 : vector<16xf32>
        %mul3A_442 = arith.constant 16 : i32
        %mul3A_443 = arith.muli %scan3A_139, %mul3A_442 : i32
        %add3A_444 = arith.constant 7 : i32
        %add3A_445 = arith.addi %mul3A_443, %add3A_444 : i32
        %slice3A_446 = vector.extract_strided_slice %get3A_149 {offsets = [7], sizes = [1], strides = [1]} : vector<16xf32> to vector<1xf32>
        %squeeze3A_447 = vector.extract %slice3A_446[0] : f32 from vector<1xf32>
        %get3A_448 = arith.index_cast %add3A_445 : i32 to index
        %get3A_449 = arith.constant 0 : index
        %get3A_450 = tpu.vector_load %arg6[%get3A_448, %get3A_449] {strides = array<i32>} : memref<256x96xf32, #tpu.memory_space<vmem>>, vector<16xf32>,
        %mul3A_451 = vector.broadcast %squeeze3A_447 : f32 to vector<16xf32>
        %mul3A_452 = arith.mulf %mul3A_451, %get3A_450 : vector<16xf32>
        %add3A_453 = arith.addf %add3A_411, %mul3A_452 : vector<16xf32>
        %get3A_454 = arith.index_cast %add3A_445 : i32 to index
        %get3A_455 = arith.constant 16 : index
        %get3A_456 = tpu.vector_load %arg6[%get3A_454, %get3A_455] {strides = array<i32>} : memref<256x96xf32, #tpu.memory_space<vmem>>, vector<16xf32>,
        %mul3A_457 = vector.broadcast %squeeze3A_447 : f32 to vector<16xf32>
        %mul3A_458 = arith.mulf %mul3A_457, %get3A_456 : vector<16xf32>
        %add3A_459 = arith.addf %add3A_417, %mul3A_458 : vector<16xf32>
        %get3A_460 = arith.index_cast %add3A_445 : i32 to index
        %get3A_461 = arith.constant 32 : index
        %get3A_462 = tpu.vector_load %arg6[%get3A_460, %get3A_461] {strides = array<i32>} : memref<256x96xf32, #tpu.memory_space<vmem>>, vector<16xf32>,
        %mul3A_463 = vector.broadcast %squeeze3A_447 : f32 to vector<16xf32>
        %mul3A_464 = arith.mulf %mul3A_463, %get3A_462 : vector<16xf32>
        %add3A_465 = arith.addf %add3A_423, %mul3A_464 : vector<16xf32>
        %get3A_466 = arith.index_cast %add3A_445 : i32 to index
        %get3A_467 = arith.constant 48 : index
        %get3A_468 = tpu.vector_load %arg6[%get3A_466, %get3A_467] {strides = array<i32>} : memref<256x96xf32, #tpu.memory_space<vmem>>, vector<16xf32>,
        %mul3A_469 = vector.broadcast %squeeze3A_447 : f32 to vector<16xf32>
        %mul3A_470 = arith.mulf %mul3A_469, %get3A_468 : vector<16xf32>
        %add3A_471 = arith.addf %add3A_429, %mul3A_470 : vector<16xf32>
        %get3A_472 = arith.index_cast %add3A_445 : i32 to index
        %get3A_473 = arith.constant 64 : index
        %get3A_474 = tpu.vector_load %arg6[%get3A_472, %get3A_473] {strides = array<i32>} : memref<256x96xf32, #tpu.memory_space<vmem>>, vector<16xf32>,
        %mul3A_475 = vector.broadcast %squeeze3A_447 : f32 to vector<16xf32>
        %mul3A_476 = arith.mulf %mul3A_475, %get3A_474 : vector<16xf32>
        %add3A_477 = arith.addf %add3A_435, %mul3A_476 : vector<16xf32>
        %get3A_478 = arith.index_cast %add3A_445 : i32 to index
        %get3A_479 = arith.constant 80 : index
        %get3A_480 = tpu.vector_load %arg6[%get3A_478, %get3A_479] {strides = array<i32>} : memref<256x96xf32, #tpu.memory_space<vmem>>, vector<16xf32>,
        %mul3A_481 = vector.broadcast %squeeze3A_447 : f32 to vector<16xf32>
        %mul3A_482 = arith.mulf %mul3A_481, %get3A_480 : vector<16xf32>
        %add3A_483 = arith.addf %add3A_441, %mul3A_482 : vector<16xf32>
        %mul3A_484 = arith.constant 16 : i32
        %mul3A_485 = arith.muli %scan3A_139, %mul3A_484 : i32
        %add3A_486 = arith.constant 8 : i32
        %add3A_487 = arith.addi %mul3A_485, %add3A_486 : i32
        %slice3A_488 = vector.extract_strided_slice %get3A_149 {offsets = [8], sizes = [1], strides = [1]} : vector<16xf32> to vector<1xf32>
        %squeeze3A_489 = vector.extract %slice3A_488[0] : f32 from vector<1xf32>
        %get3A_490 = arith.index_cast %add3A_487 : i32 to index
        %get3A_491 = arith.constant 0 : index
        %get3A_492 = tpu.vector_load %arg6[%get3A_490, %get3A_491] {strides = array<i32>} : memref<256x96xf32, #tpu.memory_space<vmem>>, vector<16xf32>,
        %mul3A_493 = vector.broadcast %squeeze3A_489 : f32 to vector<16xf32>
        %mul3A_494 = arith.mulf %mul3A_493, %get3A_492 : vector<16xf32>
        %add3A_495 = arith.addf %add3A_453, %mul3A_494 : vector<16xf32>
        %get3A_496 = arith.index_cast %add3A_487 : i32 to index
        %get3A_497 = arith.constant 16 : index
        %get3A_498 = tpu.vector_load %arg6[%get3A_496, %get3A_497] {strides = array<i32>} : memref<256x96xf32, #tpu.memory_space<vmem>>, vector<16xf32>,
        %mul3A_499 = vector.broadcast %squeeze3A_489 : f32 to vector<16xf32>
        %mul3A_500 = arith.mulf %mul3A_499, %get3A_498 : vector<16xf32>
        %add3A_501 = arith.addf %add3A_459, %mul3A_500 : vector<16xf32>
        %get3A_502 = arith.index_cast %add3A_487 : i32 to index
        %get3A_503 = arith.constant 32 : index
        %get3A_504 = tpu.vector_load %arg6[%get3A_502, %get3A_503] {strides = array<i32>} : memref<256x96xf32, #tpu.memory_space<vmem>>, vector<16xf32>,
        %mul3A_505 = vector.broadcast %squeeze3A_489 : f32 to vector<16xf32>
        %mul3A_506 = arith.mulf %mul3A_505, %get3A_504 : vector<16xf32>
        %add3A_507 = arith.addf %add3A_465, %mul3A_506 : vector<16xf32>
        %get3A_508 = arith.index_cast %add3A_487 : i32 to index
        %get3A_509 = arith.constant 48 : index
        %get3A_510 = tpu.vector_load %arg6[%get3A_508, %get3A_509] {strides = array<i32>} : memref<256x96xf32, #tpu.memory_space<vmem>>, vector<16xf32>,
        %mul3A_511 = vector.broadcast %squeeze3A_489 : f32 to vector<16xf32>
        %mul3A_512 = arith.mulf %mul3A_511, %get3A_510 : vector<16xf32>
        %add3A_513 = arith.addf %add3A_471, %mul3A_512 : vector<16xf32>
        %get3A_514 = arith.index_cast %add3A_487 : i32 to index
        %get3A_515 = arith.constant 64 : index
        %get3A_516 = tpu.vector_load %arg6[%get3A_514, %get3A_515] {strides = array<i32>} : memref<256x96xf32, #tpu.memory_space<vmem>>, vector<16xf32>,
        %mul3A_517 = vector.broadcast %squeeze3A_489 : f32 to vector<16xf32>
        %mul3A_518 = arith.mulf %mul3A_517, %get3A_516 : vector<16xf32>
        %add3A_519 = arith.addf %add3A_477, %mul3A_518 : vector<16xf32>
        %get3A_520 = arith.index_cast %add3A_487 : i32 to index
        %get3A_521 = arith.constant 80 : index
        %get3A_522 = tpu.vector_load %arg6[%get3A_520, %get3A_521] {strides = array<i32>} : memref<256x96xf32, #tpu.memory_space<vmem>>, vector<16xf32>,
        %mul3A_523 = vector.broadcast %squeeze3A_489 : f32 to vector<16xf32>
        %mul3A_524 = arith.mulf %mul3A_523, %get3A_522 : vector<16xf32>
        %add3A_525 = arith.addf %add3A_483, %mul3A_524 : vector<16xf32>
        %mul3A_526 = arith.constant 16 : i32
        %mul3A_527 = arith.muli %scan3A_139, %mul3A_526 : i32
        %add3A_528 = arith.constant 9 : i32
        %add3A_529 = arith.addi %mul3A_527, %add3A_528 : i32
        %slice3A_530 = vector.extract_strided_slice %get3A_149 {offsets = [9], sizes = [1], strides = [1]} : vector<16xf32> to vector<1xf32>
        %squeeze3A_531 = vector.extract %slice3A_530[0] : f32 from vector<1xf32>
        %get3A_532 = arith.index_cast %add3A_529 : i32 to index
        %get3A_533 = arith.constant 0 : index
        %get3A_534 = tpu.vector_load %arg6[%get3A_532, %get3A_533] {strides = array<i32>} : memref<256x96xf32, #tpu.memory_space<vmem>>, vector<16xf32>,
        %mul3A_535 = vector.broadcast %squeeze3A_531 : f32 to vector<16xf32>
        %mul3A_536 = arith.mulf %mul3A_535, %get3A_534 : vector<16xf32>
        %add3A_537 = arith.addf %add3A_495, %mul3A_536 : vector<16xf32>
        %get3A_538 = arith.index_cast %add3A_529 : i32 to index
        %get3A_539 = arith.constant 16 : index
        %get3A_540 = tpu.vector_load %arg6[%get3A_538, %get3A_539] {strides = array<i32>} : memref<256x96xf32, #tpu.memory_space<vmem>>, vector<16xf32>,
        %mul3A_541 = vector.broadcast %squeeze3A_531 : f32 to vector<16xf32>
        %mul3A_542 = arith.mulf %mul3A_541, %get3A_540 : vector<16xf32>
        %add3A_543 = arith.addf %add3A_501, %mul3A_542 : vector<16xf32>
        %get3A_544 = arith.index_cast %add3A_529 : i32 to index
        %get3A_545 = arith.constant 32 : index
        %get3A_546 = tpu.vector_load %arg6[%get3A_544, %get3A_545] {strides = array<i32>} : memref<256x96xf32, #tpu.memory_space<vmem>>, vector<16xf32>,
        %mul3A_547 = vector.broadcast %squeeze3A_531 : f32 to vector<16xf32>
        %mul3A_548 = arith.mulf %mul3A_547, %get3A_546 : vector<16xf32>
        %add3A_549 = arith.addf %add3A_507, %mul3A_548 : vector<16xf32>
        %get3A_550 = arith.index_cast %add3A_529 : i32 to index
        %get3A_551 = arith.constant 48 : index
        %get3A_552 = tpu.vector_load %arg6[%get3A_550, %get3A_551] {strides = array<i32>} : memref<256x96xf32, #tpu.memory_space<vmem>>, vector<16xf32>,
        %mul3A_553 = vector.broadcast %squeeze3A_531 : f32 to vector<16xf32>
        %mul3A_554 = arith.mulf %mul3A_553, %get3A_552 : vector<16xf32>
        %add3A_555 = arith.addf %add3A_513, %mul3A_554 : vector<16xf32>
        %get3A_556 = arith.index_cast %add3A_529 : i32 to index
        %get3A_557 = arith.constant 64 : index
        %get3A_558 = tpu.vector_load %arg6[%get3A_556, %get3A_557] {strides = array<i32>} : memref<256x96xf32, #tpu.memory_space<vmem>>, vector<16xf32>,
        %mul3A_559 = vector.broadcast %squeeze3A_531 : f32 to vector<16xf32>
        %mul3A_560 = arith.mulf %mul3A_559, %get3A_558 : vector<16xf32>
        %add3A_561 = arith.addf %add3A_519, %mul3A_560 : vector<16xf32>
        %get3A_562 = arith.index_cast %add3A_529 : i32 to index
        %get3A_563 = arith.constant 80 : index
        %get3A_564 = tpu.vector_load %arg6[%get3A_562, %get3A_563] {strides = array<i32>} : memref<256x96xf32, #tpu.memory_space<vmem>>, vector<16xf32>,
        %mul3A_565 = vector.broadcast %squeeze3A_531 : f32 to vector<16xf32>
        %mul3A_566 = arith.mulf %mul3A_565, %get3A_564 : vector<16xf32>
        %add3A_567 = arith.addf %add3A_525, %mul3A_566 : vector<16xf32>
        %mul3A_568 = arith.constant 16 : i32
        %mul3A_569 = arith.muli %scan3A_139, %mul3A_568 : i32
        %add3A_570 = arith.constant 10 : i32
        %add3A_571 = arith.addi %mul3A_569, %add3A_570 : i32
        %slice3A_572 = vector.extract_strided_slice %get3A_149 {offsets = [10], sizes = [1], strides = [1]} : vector<16xf32> to vector<1xf32>
        %squeeze3A_573 = vector.extract %slice3A_572[0] : f32 from vector<1xf32>
        %get3A_574 = arith.index_cast %add3A_571 : i32 to index
        %get3A_575 = arith.constant 0 : index
        %get3A_576 = tpu.vector_load %arg6[%get3A_574, %get3A_575] {strides = array<i32>} : memref<256x96xf32, #tpu.memory_space<vmem>>, vector<16xf32>,
        %mul3A_577 = vector.broadcast %squeeze3A_573 : f32 to vector<16xf32>
        %mul3A_578 = arith.mulf %mul3A_577, %get3A_576 : vector<16xf32>
        %add3A_579 = arith.addf %add3A_537, %mul3A_578 : vector<16xf32>
        %get3A_580 = arith.index_cast %add3A_571 : i32 to index
        %get3A_581 = arith.constant 16 : index
        %get3A_582 = tpu.vector_load %arg6[%get3A_580, %get3A_581] {strides = array<i32>} : memref<256x96xf32, #tpu.memory_space<vmem>>, vector<16xf32>,
        %mul3A_583 = vector.broadcast %squeeze3A_573 : f32 to vector<16xf32>
        %mul3A_584 = arith.mulf %mul3A_583, %get3A_582 : vector<16xf32>
        %add3A_585 = arith.addf %add3A_543, %mul3A_584 : vector<16xf32>
        %get3A_586 = arith.index_cast %add3A_571 : i32 to index
        %get3A_587 = arith.constant 32 : index
        %get3A_588 = tpu.vector_load %arg6[%get3A_586, %get3A_587] {strides = array<i32>} : memref<256x96xf32, #tpu.memory_space<vmem>>, vector<16xf32>,
        %mul3A_589 = vector.broadcast %squeeze3A_573 : f32 to vector<16xf32>
        %mul3A_590 = arith.mulf %mul3A_589, %get3A_588 : vector<16xf32>
        %add3A_591 = arith.addf %add3A_549, %mul3A_590 : vector<16xf32>
        %get3A_592 = arith.index_cast %add3A_571 : i32 to index
        %get3A_593 = arith.constant 48 : index
        %get3A_594 = tpu.vector_load %arg6[%get3A_592, %get3A_593] {strides = array<i32>} : memref<256x96xf32, #tpu.memory_space<vmem>>, vector<16xf32>,
        %mul3A_595 = vector.broadcast %squeeze3A_573 : f32 to vector<16xf32>
        %mul3A_596 = arith.mulf %mul3A_595, %get3A_594 : vector<16xf32>
        %add3A_597 = arith.addf %add3A_555, %mul3A_596 : vector<16xf32>
        %get3A_598 = arith.index_cast %add3A_571 : i32 to index
        %get3A_599 = arith.constant 64 : index
        %get3A_600 = tpu.vector_load %arg6[%get3A_598, %get3A_599] {strides = array<i32>} : memref<256x96xf32, #tpu.memory_space<vmem>>, vector<16xf32>,
        %mul3A_601 = vector.broadcast %squeeze3A_573 : f32 to vector<16xf32>
        %mul3A_602 = arith.mulf %mul3A_601, %get3A_600 : vector<16xf32>
        %add3A_603 = arith.addf %add3A_561, %mul3A_602 : vector<16xf32>
        %get3A_604 = arith.index_cast %add3A_571 : i32 to index
        %get3A_605 = arith.constant 80 : index
        %get3A_606 = tpu.vector_load %arg6[%get3A_604, %get3A_605] {strides = array<i32>} : memref<256x96xf32, #tpu.memory_space<vmem>>, vector<16xf32>,
        %mul3A_607 = vector.broadcast %squeeze3A_573 : f32 to vector<16xf32>
        %mul3A_608 = arith.mulf %mul3A_607, %get3A_606 : vector<16xf32>
        %add3A_609 = arith.addf %add3A_567, %mul3A_608 : vector<16xf32>
        %mul3A_610 = arith.constant 16 : i32
        %mul3A_611 = arith.muli %scan3A_139, %mul3A_610 : i32
        %add3A_612 = arith.constant 11 : i32
        %add3A_613 = arith.addi %mul3A_611, %add3A_612 : i32
        %slice3A_614 = vector.extract_strided_slice %get3A_149 {offsets = [11], sizes = [1], strides = [1]} : vector<16xf32> to vector<1xf32>
        %squeeze3A_615 = vector.extract %slice3A_614[0] : f32 from vector<1xf32>
        %get3A_616 = arith.index_cast %add3A_613 : i32 to index
        %get3A_617 = arith.constant 0 : index
        %get3A_618 = tpu.vector_load %arg6[%get3A_616, %get3A_617] {strides = array<i32>} : memref<256x96xf32, #tpu.memory_space<vmem>>, vector<16xf32>,
        %mul3A_619 = vector.broadcast %squeeze3A_615 : f32 to vector<16xf32>
        %mul3A_620 = arith.mulf %mul3A_619, %get3A_618 : vector<16xf32>
        %add3A_621 = arith.addf %add3A_579, %mul3A_620 : vector<16xf32>
        %get3A_622 = arith.index_cast %add3A_613 : i32 to index
        %get3A_623 = arith.constant 16 : index
        %get3A_624 = tpu.vector_load %arg6[%get3A_622, %get3A_623] {strides = array<i32>} : memref<256x96xf32, #tpu.memory_space<vmem>>, vector<16xf32>,
        %mul3A_625 = vector.broadcast %squeeze3A_615 : f32 to vector<16xf32>
        %mul3A_626 = arith.mulf %mul3A_625, %get3A_624 : vector<16xf32>
        %add3A_627 = arith.addf %add3A_585, %mul3A_626 : vector<16xf32>
        %get3A_628 = arith.index_cast %add3A_613 : i32 to index
        %get3A_629 = arith.constant 32 : index
        %get3A_630 = tpu.vector_load %arg6[%get3A_628, %get3A_629] {strides = array<i32>} : memref<256x96xf32, #tpu.memory_space<vmem>>, vector<16xf32>,
        %mul3A_631 = vector.broadcast %squeeze3A_615 : f32 to vector<16xf32>
        %mul3A_632 = arith.mulf %mul3A_631, %get3A_630 : vector<16xf32>
        %add3A_633 = arith.addf %add3A_591, %mul3A_632 : vector<16xf32>
        %get3A_634 = arith.index_cast %add3A_613 : i32 to index
        %get3A_635 = arith.constant 48 : index
        %get3A_636 = tpu.vector_load %arg6[%get3A_634, %get3A_635] {strides = array<i32>} : memref<256x96xf32, #tpu.memory_space<vmem>>, vector<16xf32>,
        %mul3A_637 = vector.broadcast %squeeze3A_615 : f32 to vector<16xf32>
        %mul3A_638 = arith.mulf %mul3A_637, %get3A_636 : vector<16xf32>
        %add3A_639 = arith.addf %add3A_597, %mul3A_638 : vector<16xf32>
        %get3A_640 = arith.index_cast %add3A_613 : i32 to index
        %get3A_641 = arith.constant 64 : index
        %get3A_642 = tpu.vector_load %arg6[%get3A_640, %get3A_641] {strides = array<i32>} : memref<256x96xf32, #tpu.memory_space<vmem>>, vector<16xf32>,
        %mul3A_643 = vector.broadcast %squeeze3A_615 : f32 to vector<16xf32>
        %mul3A_644 = arith.mulf %mul3A_643, %get3A_642 : vector<16xf32>
        %add3A_645 = arith.addf %add3A_603, %mul3A_644 : vector<16xf32>
        %get3A_646 = arith.index_cast %add3A_613 : i32 to index
        %get3A_647 = arith.constant 80 : index
        %get3A_648 = tpu.vector_load %arg6[%get3A_646, %get3A_647] {strides = array<i32>} : memref<256x96xf32, #tpu.memory_space<vmem>>, vector<16xf32>,
        %mul3A_649 = vector.broadcast %squeeze3A_615 : f32 to vector<16xf32>
        %mul3A_650 = arith.mulf %mul3A_649, %get3A_648 : vector<16xf32>
        %add3A_651 = arith.addf %add3A_609, %mul3A_650 : vector<16xf32>
        %mul3A_652 = arith.constant 16 : i32
        %mul3A_653 = arith.muli %scan3A_139, %mul3A_652 : i32
        %add3A_654 = arith.constant 12 : i32
        %add3A_655 = arith.addi %mul3A_653, %add3A_654 : i32
        %slice3A_656 = vector.extract_strided_slice %get3A_149 {offsets = [12], sizes = [1], strides = [1]} : vector<16xf32> to vector<1xf32>
        %squeeze3A_657 = vector.extract %slice3A_656[0] : f32 from vector<1xf32>
        %get3A_658 = arith.index_cast %add3A_655 : i32 to index
        %get3A_659 = arith.constant 0 : index
        %get3A_660 = tpu.vector_load %arg6[%get3A_658, %get3A_659] {strides = array<i32>} : memref<256x96xf32, #tpu.memory_space<vmem>>, vector<16xf32>,
        %mul3A_661 = vector.broadcast %squeeze3A_657 : f32 to vector<16xf32>
        %mul3A_662 = arith.mulf %mul3A_661, %get3A_660 : vector<16xf32>
        %add3A_663 = arith.addf %add3A_621, %mul3A_662 : vector<16xf32>
        %get3A_664 = arith.index_cast %add3A_655 : i32 to index
        %get3A_665 = arith.constant 16 : index
        %get3A_666 = tpu.vector_load %arg6[%get3A_664, %get3A_665] {strides = array<i32>} : memref<256x96xf32, #tpu.memory_space<vmem>>, vector<16xf32>,
        %mul3A_667 = vector.broadcast %squeeze3A_657 : f32 to vector<16xf32>
        %mul3A_668 = arith.mulf %mul3A_667, %get3A_666 : vector<16xf32>
        %add3A_669 = arith.addf %add3A_627, %mul3A_668 : vector<16xf32>
        %get3A_670 = arith.index_cast %add3A_655 : i32 to index
        %get3A_671 = arith.constant 32 : index
        %get3A_672 = tpu.vector_load %arg6[%get3A_670, %get3A_671] {strides = array<i32>} : memref<256x96xf32, #tpu.memory_space<vmem>>, vector<16xf32>,
        %mul3A_673 = vector.broadcast %squeeze3A_657 : f32 to vector<16xf32>
        %mul3A_674 = arith.mulf %mul3A_673, %get3A_672 : vector<16xf32>
        %add3A_675 = arith.addf %add3A_633, %mul3A_674 : vector<16xf32>
        %get3A_676 = arith.index_cast %add3A_655 : i32 to index
        %get3A_677 = arith.constant 48 : index
        %get3A_678 = tpu.vector_load %arg6[%get3A_676, %get3A_677] {strides = array<i32>} : memref<256x96xf32, #tpu.memory_space<vmem>>, vector<16xf32>,
        %mul3A_679 = vector.broadcast %squeeze3A_657 : f32 to vector<16xf32>
        %mul3A_680 = arith.mulf %mul3A_679, %get3A_678 : vector<16xf32>
        %add3A_681 = arith.addf %add3A_639, %mul3A_680 : vector<16xf32>
        %get3A_682 = arith.index_cast %add3A_655 : i32 to index
        %get3A_683 = arith.constant 64 : index
        %get3A_684 = tpu.vector_load %arg6[%get3A_682, %get3A_683] {strides = array<i32>} : memref<256x96xf32, #tpu.memory_space<vmem>>, vector<16xf32>,
        %mul3A_685 = vector.broadcast %squeeze3A_657 : f32 to vector<16xf32>
        %mul3A_686 = arith.mulf %mul3A_685, %get3A_684 : vector<16xf32>
        %add3A_687 = arith.addf %add3A_645, %mul3A_686 : vector<16xf32>
        %get3A_688 = arith.index_cast %add3A_655 : i32 to index
        %get3A_689 = arith.constant 80 : index
        %get3A_690 = tpu.vector_load %arg6[%get3A_688, %get3A_689] {strides = array<i32>} : memref<256x96xf32, #tpu.memory_space<vmem>>, vector<16xf32>,
        %mul3A_691 = vector.broadcast %squeeze3A_657 : f32 to vector<16xf32>
        %mul3A_692 = arith.mulf %mul3A_691, %get3A_690 : vector<16xf32>
        %add3A_693 = arith.addf %add3A_651, %mul3A_692 : vector<16xf32>
        %mul3A_694 = arith.constant 16 : i32
        %mul3A_695 = arith.muli %scan3A_139, %mul3A_694 : i32
        %add3A_696 = arith.constant 13 : i32
        %add3A_697 = arith.addi %mul3A_695, %add3A_696 : i32
        %slice3A_698 = vector.extract_strided_slice %get3A_149 {offsets = [13], sizes = [1], strides = [1]} : vector<16xf32> to vector<1xf32>
        %squeeze3A_699 = vector.extract %slice3A_698[0] : f32 from vector<1xf32>
        %get3A_700 = arith.index_cast %add3A_697 : i32 to index
        %get3A_701 = arith.constant 0 : index
        %get3A_702 = tpu.vector_load %arg6[%get3A_700, %get3A_701] {strides = array<i32>} : memref<256x96xf32, #tpu.memory_space<vmem>>, vector<16xf32>,
        %mul3A_703 = vector.broadcast %squeeze3A_699 : f32 to vector<16xf32>
        %mul3A_704 = arith.mulf %mul3A_703, %get3A_702 : vector<16xf32>
        %add3A_705 = arith.addf %add3A_663, %mul3A_704 : vector<16xf32>
        %get3A_706 = arith.index_cast %add3A_697 : i32 to index
        %get3A_707 = arith.constant 16 : index
        %get3A_708 = tpu.vector_load %arg6[%get3A_706, %get3A_707] {strides = array<i32>} : memref<256x96xf32, #tpu.memory_space<vmem>>, vector<16xf32>,
        %mul3A_709 = vector.broadcast %squeeze3A_699 : f32 to vector<16xf32>
        %mul3A_710 = arith.mulf %mul3A_709, %get3A_708 : vector<16xf32>
        %add3A_711 = arith.addf %add3A_669, %mul3A_710 : vector<16xf32>
        %get3A_712 = arith.index_cast %add3A_697 : i32 to index
        %get3A_713 = arith.constant 32 : index
        %get3A_714 = tpu.vector_load %arg6[%get3A_712, %get3A_713] {strides = array<i32>} : memref<256x96xf32, #tpu.memory_space<vmem>>, vector<16xf32>,
        %mul3A_715 = vector.broadcast %squeeze3A_699 : f32 to vector<16xf32>
        %mul3A_716 = arith.mulf %mul3A_715, %get3A_714 : vector<16xf32>
        %add3A_717 = arith.addf %add3A_675, %mul3A_716 : vector<16xf32>
        %get3A_718 = arith.index_cast %add3A_697 : i32 to index
        %get3A_719 = arith.constant 48 : index
        %get3A_720 = tpu.vector_load %arg6[%get3A_718, %get3A_719] {strides = array<i32>} : memref<256x96xf32, #tpu.memory_space<vmem>>, vector<16xf32>,
        %mul3A_721 = vector.broadcast %squeeze3A_699 : f32 to vector<16xf32>
        %mul3A_722 = arith.mulf %mul3A_721, %get3A_720 : vector<16xf32>
        %add3A_723 = arith.addf %add3A_681, %mul3A_722 : vector<16xf32>
        %get3A_724 = arith.index_cast %add3A_697 : i32 to index
        %get3A_725 = arith.constant 64 : index
        %get3A_726 = tpu.vector_load %arg6[%get3A_724, %get3A_725] {strides = array<i32>} : memref<256x96xf32, #tpu.memory_space<vmem>>, vector<16xf32>,
        %mul3A_727 = vector.broadcast %squeeze3A_699 : f32 to vector<16xf32>
        %mul3A_728 = arith.mulf %mul3A_727, %get3A_726 : vector<16xf32>
        %add3A_729 = arith.addf %add3A_687, %mul3A_728 : vector<16xf32>
        %get3A_730 = arith.index_cast %add3A_697 : i32 to index
        %get3A_731 = arith.constant 80 : index
        %get3A_732 = tpu.vector_load %arg6[%get3A_730, %get3A_731] {strides = array<i32>} : memref<256x96xf32, #tpu.memory_space<vmem>>, vector<16xf32>,
        %mul3A_733 = vector.broadcast %squeeze3A_699 : f32 to vector<16xf32>
        %mul3A_734 = arith.mulf %mul3A_733, %get3A_732 : vector<16xf32>
        %add3A_735 = arith.addf %add3A_693, %mul3A_734 : vector<16xf32>
        %mul3A_736 = arith.constant 16 : i32
        %mul3A_737 = arith.muli %scan3A_139, %mul3A_736 : i32
        %add3A_738 = arith.constant 14 : i32
        %add3A_739 = arith.addi %mul3A_737, %add3A_738 : i32
        %slice3A_740 = vector.extract_strided_slice %get3A_149 {offsets = [14], sizes = [1], strides = [1]} : vector<16xf32> to vector<1xf32>
        %squeeze3A_741 = vector.extract %slice3A_740[0] : f32 from vector<1xf32>
        %get3A_742 = arith.index_cast %add3A_739 : i32 to index
        %get3A_743 = arith.constant 0 : index
        %get3A_744 = tpu.vector_load %arg6[%get3A_742, %get3A_743] {strides = array<i32>} : memref<256x96xf32, #tpu.memory_space<vmem>>, vector<16xf32>,
        %mul3A_745 = vector.broadcast %squeeze3A_741 : f32 to vector<16xf32>
        %mul3A_746 = arith.mulf %mul3A_745, %get3A_744 : vector<16xf32>
        %add3A_747 = arith.addf %add3A_705, %mul3A_746 : vector<16xf32>
        %get3A_748 = arith.index_cast %add3A_739 : i32 to index
        %get3A_749 = arith.constant 16 : index
        %get3A_750 = tpu.vector_load %arg6[%get3A_748, %get3A_749] {strides = array<i32>} : memref<256x96xf32, #tpu.memory_space<vmem>>, vector<16xf32>,
        %mul3A_751 = vector.broadcast %squeeze3A_741 : f32 to vector<16xf32>
        %mul3A_752 = arith.mulf %mul3A_751, %get3A_750 : vector<16xf32>
        %add3A_753 = arith.addf %add3A_711, %mul3A_752 : vector<16xf32>
        %get3A_754 = arith.index_cast %add3A_739 : i32 to index
        %get3A_755 = arith.constant 32 : index
        %get3A_756 = tpu.vector_load %arg6[%get3A_754, %get3A_755] {strides = array<i32>} : memref<256x96xf32, #tpu.memory_space<vmem>>, vector<16xf32>,
        %mul3A_757 = vector.broadcast %squeeze3A_741 : f32 to vector<16xf32>
        %mul3A_758 = arith.mulf %mul3A_757, %get3A_756 : vector<16xf32>
        %add3A_759 = arith.addf %add3A_717, %mul3A_758 : vector<16xf32>
        %get3A_760 = arith.index_cast %add3A_739 : i32 to index
        %get3A_761 = arith.constant 48 : index
        %get3A_762 = tpu.vector_load %arg6[%get3A_760, %get3A_761] {strides = array<i32>} : memref<256x96xf32, #tpu.memory_space<vmem>>, vector<16xf32>,
        %mul3A_763 = vector.broadcast %squeeze3A_741 : f32 to vector<16xf32>
        %mul3A_764 = arith.mulf %mul3A_763, %get3A_762 : vector<16xf32>
        %add3A_765 = arith.addf %add3A_723, %mul3A_764 : vector<16xf32>
        %get3A_766 = arith.index_cast %add3A_739 : i32 to index
        %get3A_767 = arith.constant 64 : index
        %get3A_768 = tpu.vector_load %arg6[%get3A_766, %get3A_767] {strides = array<i32>} : memref<256x96xf32, #tpu.memory_space<vmem>>, vector<16xf32>,
        %mul3A_769 = vector.broadcast %squeeze3A_741 : f32 to vector<16xf32>
        %mul3A_770 = arith.mulf %mul3A_769, %get3A_768 : vector<16xf32>
        %add3A_771 = arith.addf %add3A_729, %mul3A_770 : vector<16xf32>
        %get3A_772 = arith.index_cast %add3A_739 : i32 to index
        %get3A_773 = arith.constant 80 : index
        %get3A_774 = tpu.vector_load %arg6[%get3A_772, %get3A_773] {strides = array<i32>} : memref<256x96xf32, #tpu.memory_space<vmem>>, vector<16xf32>,
        %mul3A_775 = vector.broadcast %squeeze3A_741 : f32 to vector<16xf32>
        %mul3A_776 = arith.mulf %mul3A_775, %get3A_774 : vector<16xf32>
        %add3A_777 = arith.addf %add3A_735, %mul3A_776 : vector<16xf32>
        %mul3A_778 = arith.constant 16 : i32
        %mul3A_779 = arith.muli %scan3A_139, %mul3A_778 : i32
        %add3A_780 = arith.constant 15 : i32
        %add3A_781 = arith.addi %mul3A_779, %add3A_780 : i32
        %slice3A_782 = vector.extract_strided_slice %get3A_149 {offsets = [15], sizes = [1], strides = [1]} : vector<16xf32> to vector<1xf32>
        %squeeze3A_783 = vector.extract %slice3A_782[0] : f32 from vector<1xf32>
        %get3A_784 = arith.index_cast %add3A_781 : i32 to index
        %get3A_785 = arith.constant 0 : index
        %get3A_786 = tpu.vector_load %arg6[%get3A_784, %get3A_785] {strides = array<i32>} : memref<256x96xf32, #tpu.memory_space<vmem>>, vector<16xf32>,
        %mul3A_787 = vector.broadcast %squeeze3A_783 : f32 to vector<16xf32>
        %mul3A_788 = arith.mulf %mul3A_787, %get3A_786 : vector<16xf32>
        %add3A_789 = arith.addf %add3A_747, %mul3A_788 : vector<16xf32>
        %get3A_790 = arith.index_cast %add3A_781 : i32 to index
        %get3A_791 = arith.constant 16 : index
        %get3A_792 = tpu.vector_load %arg6[%get3A_790, %get3A_791] {strides = array<i32>} : memref<256x96xf32, #tpu.memory_space<vmem>>, vector<16xf32>,
        %mul3A_793 = vector.broadcast %squeeze3A_783 : f32 to vector<16xf32>
        %mul3A_794 = arith.mulf %mul3A_793, %get3A_792 : vector<16xf32>
        %add3A_795 = arith.addf %add3A_753, %mul3A_794 : vector<16xf32>
        %get3A_796 = arith.index_cast %add3A_781 : i32 to index
        %get3A_797 = arith.constant 32 : index
        %get3A_798 = tpu.vector_load %arg6[%get3A_796, %get3A_797] {strides = array<i32>} : memref<256x96xf32, #tpu.memory_space<vmem>>, vector<16xf32>,
        %mul3A_799 = vector.broadcast %squeeze3A_783 : f32 to vector<16xf32>
        %mul3A_800 = arith.mulf %mul3A_799, %get3A_798 : vector<16xf32>
        %add3A_801 = arith.addf %add3A_759, %mul3A_800 : vector<16xf32>
        %get3A_802 = arith.index_cast %add3A_781 : i32 to index
        %get3A_803 = arith.constant 48 : index
        %get3A_804 = tpu.vector_load %arg6[%get3A_802, %get3A_803] {strides = array<i32>} : memref<256x96xf32, #tpu.memory_space<vmem>>, vector<16xf32>,
        %mul3A_805 = vector.broadcast %squeeze3A_783 : f32 to vector<16xf32>
        %mul3A_806 = arith.mulf %mul3A_805, %get3A_804 : vector<16xf32>
        %add3A_807 = arith.addf %add3A_765, %mul3A_806 : vector<16xf32>
        %get3A_808 = arith.index_cast %add3A_781 : i32 to index
        %get3A_809 = arith.constant 64 : index
        %get3A_810 = tpu.vector_load %arg6[%get3A_808, %get3A_809] {strides = array<i32>} : memref<256x96xf32, #tpu.memory_space<vmem>>, vector<16xf32>,
        %mul3A_811 = vector.broadcast %squeeze3A_783 : f32 to vector<16xf32>
        %mul3A_812 = arith.mulf %mul3A_811, %get3A_810 : vector<16xf32>
        %add3A_813 = arith.addf %add3A_771, %mul3A_812 : vector<16xf32>
        %get3A_814 = arith.index_cast %add3A_781 : i32 to index
        %get3A_815 = arith.constant 80 : index
        %get3A_816 = tpu.vector_load %arg6[%get3A_814, %get3A_815] {strides = array<i32>} : memref<256x96xf32, #tpu.memory_space<vmem>>, vector<16xf32>,
        %mul3A_817 = vector.broadcast %squeeze3A_783 : f32 to vector<16xf32>
        %mul3A_818 = arith.mulf %mul3A_817, %get3A_816 : vector<16xf32>
        %add3A_819 = arith.addf %add3A_777, %mul3A_818 : vector<16xf32>
        scf.yield %add3A_789, %add3A_795, %add3A_801, %add3A_807, %add3A_813, %add3A_819 : vector<16xf32>, vector<16xf32>, vector<16xf32>, vector<16xf32>, vector<16xf32>, vector<16xf32>
      }
      %scan3A_119 = arith.constant 16 : i32
      %mul3A_120 = arith.mulf %scan3A_118#0, %div3A_101 : vector<16xf32>
      %swap3A = arith.constant 0 : index
      %swap3A_121 = tpu.vector_load %arg9[%swap3A] {strides = array<i32>} : memref<96xf32, #tpu.memory_space<vmem>>, vector<16xf32>,
      tpu.vector_store %arg9[%swap3A], %mul3A_120 {strides = array<i32>} : memref<96xf32, #tpu.memory_space<vmem>>, vector<16xf32>,
      %mul3A_122 = arith.mulf %scan3A_118#1, %div3A_101 : vector<16xf32>
      %swap3A_123 = arith.constant 16 : index
      %swap3A_124 = tpu.vector_load %arg9[%swap3A_123] {strides = array<i32>} : memref<96xf32, #tpu.memory_space<vmem>>, vector<16xf32>,
      tpu.vector_store %arg9[%swap3A_123], %mul3A_122 {strides = array<i32>} : memref<96xf32, #tpu.memory_space<vmem>>, vector<16xf32>,
      %mul3A_125 = arith.mulf %scan3A_118#2, %div3A_101 : vector<16xf32>
      %swap3A_126 = arith.constant 32 : index
      %swap3A_127 = tpu.vector_load %arg9[%swap3A_126] {strides = array<i32>} : memref<96xf32, #tpu.memory_space<vmem>>, vector<16xf32>,
      tpu.vector_store %arg9[%swap3A_126], %mul3A_125 {strides = array<i32>} : memref<96xf32, #tpu.memory_space<vmem>>, vector<16xf32>,
      %mul3A_128 = arith.mulf %scan3A_118#3, %div3A_101 : vector<16xf32>
      %swap3A_129 = arith.constant 48 : index
      %swap3A_130 = tpu.vector_load %arg9[%swap3A_129] {strides = array<i32>} : memref<96xf32, #tpu.memory_space<vmem>>, vector<16xf32>,
      tpu.vector_store %arg9[%swap3A_129], %mul3A_128 {strides = array<i32>} : memref<96xf32, #tpu.memory_space<vmem>>, vector<16xf32>,
      %mul3A_131 = arith.mulf %scan3A_118#4, %div3A_101 : vector<16xf32>
      %swap3A_132 = arith.constant 64 : index
      %swap3A_133 = tpu.vector_load %arg9[%swap3A_132] {strides = array<i32>} : memref<96xf32, #tpu.memory_space<vmem>>, vector<16xf32>,
      tpu.vector_store %arg9[%swap3A_132], %mul3A_131 {strides = array<i32>} : memref<96xf32, #tpu.memory_space<vmem>>, vector<16xf32>,
      %mul3A_134 = arith.mulf %scan3A_118#5, %div3A_101 : vector<16xf32>
      %swap3A_135 = arith.constant 80 : index
      %swap3A_136 = tpu.vector_load %arg9[%swap3A_135] {strides = array<i32>} : memref<96xf32, #tpu.memory_space<vmem>>, vector<16xf32>,
      tpu.vector_store %arg9[%swap3A_135], %mul3A_134 {strides = array<i32>} : memref<96xf32, #tpu.memory_space<vmem>>, vector<16xf32>,
      %sub3A = arith.constant 1536 : i32
      %sub3A_137 = arith.subi %add3A_15, %sub3A : i32
      "tpu.region"() ({
        %run_scoped3A = tpu.sem_alloc : memref<!tpu.dma_semaphore, #tpu.memory_space<semaphore_mem>>
        %dma_start3A = arith.constant 0 : i32
        %dma_start3A_139 = tpu.memref_slice %arg4[%sub3A_137, %dma_start3A] : memref<512x96xf32, #tpu.memory_space<hbm>> -> memref<1x96xf32, #tpu.memory_space<hbm>>
        %dma_start3A_140 = tpu.memref_squeeze %dma_start3A_139 : memref<1x96xf32, #tpu.memory_space<hbm>> -> memref<96xf32, #tpu.memory_space<hbm>>
        %dma_start3A_141 = arith.constant 0 : i32
        %dma_start3A_142 = tpu.memref_slice %arg4[%sub3A_137, %dma_start3A_141] : memref<512x96xf32, #tpu.memory_space<hbm>> -> memref<1x96xf32, #tpu.memory_space<hbm>>
        %dma_start3A_143 = tpu.memref_squeeze %dma_start3A_142 : memref<1x96xf32, #tpu.memory_space<hbm>> -> memref<96xf32, #tpu.memory_space<hbm>>
        tpu.enqueue_dma source(%arg9 : memref<96xf32, #tpu.memory_space<vmem>>) target(%dma_start3A_143 : memref<96xf32, #tpu.memory_space<hbm>>) target_semaphore(%run_scoped3A : memref<!tpu.dma_semaphore, #tpu.memory_space<semaphore_mem>>)
        %dma_wait3A = arith.constant 0 : i32
        %dma_wait3A_144 = tpu.memref_slice %arg4[%sub3A_137, %dma_wait3A] : memref<512x96xf32, #tpu.memory_space<hbm>> -> memref<1x96xf32, #tpu.memory_space<hbm>>
        %dma_wait3A_145 = tpu.memref_squeeze %dma_wait3A_144 : memref<1x96xf32, #tpu.memory_space<hbm>> -> memref<96xf32, #tpu.memory_space<hbm>>
        %dma_wait3A_146 = arith.constant 0 : i32
        %dma_wait3A_147 = tpu.memref_slice %arg4[%sub3A_137, %dma_wait3A_146] : memref<512x96xf32, #tpu.memory_space<hbm>> -> memref<1x96xf32, #tpu.memory_space<hbm>>
        %dma_wait3A_148 = tpu.memref_squeeze %dma_wait3A_147 : memref<1x96xf32, #tpu.memory_space<hbm>> -> memref<96xf32, #tpu.memory_space<hbm>>
        tpu.wait_dma2 semaphore(%run_scoped3A : memref<!tpu.dma_semaphore, #tpu.memory_space<semaphore_mem>>) src(%arg9 : memref<96xf32, #tpu.memory_space<vmem>>) dst(%dma_wait3A_148 : memref<96xf32, #tpu.memory_space<hbm>>)
        tpu.yield
      }) : () -> ()
      %scan3A_138 = arith.constant 0 : i32
      scf.yield %scan3A_138 : i32
    }
    %scan3A_12 = arith.constant 16 : i32
    return
  }
}

module attributes {stable_mosaic.version = 14 : i64} {
  func.func @_tc_body(%arg0: i32, %arg1: memref<32x96xf32, #tpu.memory_space<vmem>>, %arg2: memref<32x256x96xf32, #tpu.memory_space<vmem>>, %arg3: memref<32x96xf32, #tpu.memory_space<vmem>>) attributes {dimension_semantics = [#tpu.dimension_semantics<arbitrary>], iteration_bounds = array<i64: 48>, scalar_prefetch = 0 : i64, scratch_operands = 0 : i64, tpu.core_type = #tpu.core_type<tc>, window_params = [{transform_indices = @transform_0, window_bounds = array<i64: 32, 96>}, {transform_indices = @transform_1, window_bounds = array<i64: 32, 256, 96>}, {transform_indices = @transform_2, window_bounds = array<i64: 32, 96>}]} {
    %get3A = arith.constant 0 : index
    %get3A_0 = arith.constant 0 : index
    %get3A_1 = vector.load %arg1[%get3A, %get3A_0] : memref<32x96xf32, #tpu.memory_space<vmem>>, vector<32x96xf32>
    %get3A_2 = arith.constant 0 : index
    %get3A_3 = arith.constant 0 : index
    %get3A_4 = arith.constant 0 : index
    %get3A_5 = vector.load %arg2[%get3A_2, %get3A_3, %get3A_4] : memref<32x256x96xf32, #tpu.memory_space<vmem>>, vector<32x256x96xf32>
    %slice3A = vector.extract_strided_slice %get3A_5 {offsets = [0, 0, 0], sizes = [8, 256, 96], strides = [1, 1, 1]} : vector<32x256x96xf32> to vector<8x256x96xf32>
    %slice3A_6 = vector.extract_strided_slice %get3A_1 {offsets = [0, 0], sizes = [8, 96], strides = [1, 1]} : vector<32x96xf32> to vector<8x96xf32>
    %reshape3A = vector.shape_cast %slice3A : vector<8x256x96xf32> to vector<2048x96xf32>
    %dot_general3A = arith.constant dense<0.000000e+00> : vector<2048x8xf32>
    %dot_general3A_7 = tpu.matmul %reshape3A, %slice3A_6, %dot_general3A {dimension_numbers = #tpu.dot_dimension_numbers<[1], [1], [0], [0], [0, 0, 1, 0], [], []>, transpose_lhs_hint = false} : vector<2048x96xf32>, vector<8x96xf32>, vector<2048x8xf32> -> vector<2048x8xf32>
    %reshape3A_8 = vector.shape_cast %dot_general3A_7 : vector<2048x8xf32> to vector<8x256x8xf32>
    %iota3A = tpu.iota {dimensions = array<i32: 0>} : vector<8x256x8xi32>
    %iota3A_9 = tpu.iota {dimensions = array<i32: 2>} : vector<8x256x8xi32>
    %eq3A = arith.cmpi eq, %iota3A, %iota3A_9 : vector<8x256x8xi32>
    %jit3A = arith.constant 0.000000e+00 : f32
    %broadcast_in_dim3A = vector.broadcast %jit3A : f32 to vector<8x256x8xf32>
    %select_n3A = arith.select %eq3A, %reshape3A_8, %broadcast_in_dim3A : vector<8x256x8xi1>, vector<8x256x8xf32>
    %reduce_sum3A = arith.constant dense<0.000000e+00> : vector<8x256xf32>
    %reduce_sum3A_10 = vector.multi_reduction <add>, %select_n3A, %reduce_sum3A [2] : vector<8x256x8xf32> to vector<8x256xf32>
    %slice3A_11 = vector.extract_strided_slice %get3A_5 {offsets = [8, 0, 0], sizes = [8, 256, 96], strides = [1, 1, 1]} : vector<32x256x96xf32> to vector<8x256x96xf32>
    %slice3A_12 = vector.extract_strided_slice %get3A_1 {offsets = [8, 0], sizes = [8, 96], strides = [1, 1]} : vector<32x96xf32> to vector<8x96xf32>
    %reshape3A_13 = vector.shape_cast %slice3A_11 : vector<8x256x96xf32> to vector<2048x96xf32>
    %dot_general3A_14 = arith.constant dense<0.000000e+00> : vector<2048x8xf32>
    %dot_general3A_15 = tpu.matmul %reshape3A_13, %slice3A_12, %dot_general3A_14 {dimension_numbers = #tpu.dot_dimension_numbers<[1], [1], [0], [0], [0, 0, 1, 0], [], []>, transpose_lhs_hint = false} : vector<2048x96xf32>, vector<8x96xf32>, vector<2048x8xf32> -> vector<2048x8xf32>
    %reshape3A_16 = vector.shape_cast %dot_general3A_15 : vector<2048x8xf32> to vector<8x256x8xf32>
    %iota3A_17 = tpu.iota {dimensions = array<i32: 0>} : vector<8x256x8xi32>
    %iota3A_18 = tpu.iota {dimensions = array<i32: 2>} : vector<8x256x8xi32>
    %eq3A_19 = arith.cmpi eq, %iota3A_17, %iota3A_18 : vector<8x256x8xi32>
    %jit3A_20 = arith.constant 0.000000e+00 : f32
    %broadcast_in_dim3A_21 = vector.broadcast %jit3A_20 : f32 to vector<8x256x8xf32>
    %select_n3A_22 = arith.select %eq3A_19, %reshape3A_16, %broadcast_in_dim3A_21 : vector<8x256x8xi1>, vector<8x256x8xf32>
    %reduce_sum3A_23 = arith.constant dense<0.000000e+00> : vector<8x256xf32>
    %reduce_sum3A_24 = vector.multi_reduction <add>, %select_n3A_22, %reduce_sum3A_23 [2] : vector<8x256x8xf32> to vector<8x256xf32>
    %slice3A_25 = vector.extract_strided_slice %get3A_5 {offsets = [16, 0, 0], sizes = [8, 256, 96], strides = [1, 1, 1]} : vector<32x256x96xf32> to vector<8x256x96xf32>
    %slice3A_26 = vector.extract_strided_slice %get3A_1 {offsets = [16, 0], sizes = [8, 96], strides = [1, 1]} : vector<32x96xf32> to vector<8x96xf32>
    %reshape3A_27 = vector.shape_cast %slice3A_25 : vector<8x256x96xf32> to vector<2048x96xf32>
    %dot_general3A_28 = arith.constant dense<0.000000e+00> : vector<2048x8xf32>
    %dot_general3A_29 = tpu.matmul %reshape3A_27, %slice3A_26, %dot_general3A_28 {dimension_numbers = #tpu.dot_dimension_numbers<[1], [1], [0], [0], [0, 0, 1, 0], [], []>, transpose_lhs_hint = false} : vector<2048x96xf32>, vector<8x96xf32>, vector<2048x8xf32> -> vector<2048x8xf32>
    %reshape3A_30 = vector.shape_cast %dot_general3A_29 : vector<2048x8xf32> to vector<8x256x8xf32>
    %iota3A_31 = tpu.iota {dimensions = array<i32: 0>} : vector<8x256x8xi32>
    %iota3A_32 = tpu.iota {dimensions = array<i32: 2>} : vector<8x256x8xi32>
    %eq3A_33 = arith.cmpi eq, %iota3A_31, %iota3A_32 : vector<8x256x8xi32>
    %jit3A_34 = arith.constant 0.000000e+00 : f32
    %broadcast_in_dim3A_35 = vector.broadcast %jit3A_34 : f32 to vector<8x256x8xf32>
    %select_n3A_36 = arith.select %eq3A_33, %reshape3A_30, %broadcast_in_dim3A_35 : vector<8x256x8xi1>, vector<8x256x8xf32>
    %reduce_sum3A_37 = arith.constant dense<0.000000e+00> : vector<8x256xf32>
    %reduce_sum3A_38 = vector.multi_reduction <add>, %select_n3A_36, %reduce_sum3A_37 [2] : vector<8x256x8xf32> to vector<8x256xf32>
    %slice3A_39 = vector.extract_strided_slice %get3A_5 {offsets = [24, 0, 0], sizes = [8, 256, 96], strides = [1, 1, 1]} : vector<32x256x96xf32> to vector<8x256x96xf32>
    %slice3A_40 = vector.extract_strided_slice %get3A_1 {offsets = [24, 0], sizes = [8, 96], strides = [1, 1]} : vector<32x96xf32> to vector<8x96xf32>
    %reshape3A_41 = vector.shape_cast %slice3A_39 : vector<8x256x96xf32> to vector<2048x96xf32>
    %dot_general3A_42 = arith.constant dense<0.000000e+00> : vector<2048x8xf32>
    %dot_general3A_43 = tpu.matmul %reshape3A_41, %slice3A_40, %dot_general3A_42 {dimension_numbers = #tpu.dot_dimension_numbers<[1], [1], [0], [0], [0, 0, 1, 0], [], []>, transpose_lhs_hint = false} : vector<2048x96xf32>, vector<8x96xf32>, vector<2048x8xf32> -> vector<2048x8xf32>
    %reshape3A_44 = vector.shape_cast %dot_general3A_43 : vector<2048x8xf32> to vector<8x256x8xf32>
    %iota3A_45 = tpu.iota {dimensions = array<i32: 0>} : vector<8x256x8xi32>
    %iota3A_46 = tpu.iota {dimensions = array<i32: 2>} : vector<8x256x8xi32>
    %eq3A_47 = arith.cmpi eq, %iota3A_45, %iota3A_46 : vector<8x256x8xi32>
    %jit3A_48 = arith.constant 0.000000e+00 : f32
    %broadcast_in_dim3A_49 = vector.broadcast %jit3A_48 : f32 to vector<8x256x8xf32>
    %select_n3A_50 = arith.select %eq3A_47, %reshape3A_44, %broadcast_in_dim3A_49 : vector<8x256x8xi1>, vector<8x256x8xf32>
    %reduce_sum3A_51 = arith.constant dense<0.000000e+00> : vector<8x256xf32>
    %reduce_sum3A_52 = vector.multi_reduction <add>, %select_n3A_50, %reduce_sum3A_51 [2] : vector<8x256x8xf32> to vector<8x256xf32>
    %concatenate3A = tpu.concatenate %reduce_sum3A_10, %reduce_sum3A_24, %reduce_sum3A_38, %reduce_sum3A_52 in 0 : vector<8x256xf32>, vector<8x256xf32>, vector<8x256xf32>, vector<8x256xf32> -> vector<32x256xf32>
    %mul3A = arith.constant 0.102062076 : f32
    %mul3A_53 = vector.broadcast %mul3A : f32 to vector<32x256xf32>
    %mul3A_54 = arith.mulf %concatenate3A, %mul3A_53 : vector<32x256xf32>
    %reduce_max3A = arith.constant dense<0xFF800000> : vector<32xf32>
    %reduce_max3A_55 = vector.multi_reduction <maximumf>, %mul3A_54, %reduce_max3A [1] : vector<32x256xf32> to vector<32xf32>
    %broadcast_in_dim3A_56 = vector.shape_cast %reduce_max3A_55 : vector<32xf32> to vector<32x1xf32>
    %bitcast_convert_type3A = tpu.bitcast %mul3A_54 : vector<32x256xf32> -> vector<32x256xi32>
    %ge3A = arith.constant 0 : i32
    %ge3A_57 = vector.broadcast %ge3A : i32 to vector<32x256xi32>
    %ge3A_58 = arith.cmpi sge, %bitcast_convert_type3A, %ge3A_57 : vector<32x256xi32>
    %xor3A = arith.constant 2147483647 : i32
    %xor3A_59 = vector.broadcast %xor3A : i32 to vector<32x256xi32>
    %xor3A_60 = arith.xori %bitcast_convert_type3A, %xor3A_59 : vector<32x256xi32>
    %select_n3A_61 = arith.select %ge3A_58, %bitcast_convert_type3A, %xor3A_60 : vector<32x256xi1>, vector<32x256xi32>
    %transpose3A = tpu.transpose %select_n3A_61, [1, 0] : vector<32x256xi32> -> vector<256x32xi32>
    %reduce_min3A = arith.constant dense<2147483647> : vector<32xi32>
    %reduce_min3A_62 = vector.multi_reduction <minsi>, %transpose3A, %reduce_min3A [0] : vector<256x32xi32> to vector<32xi32>
    %broadcast_in_dim3A_63 = vector.shape_cast %reduce_min3A_62 : vector<32xi32> to vector<1x32xi32>
    %reduce_max3A_64 = arith.constant dense<-2147483648> : vector<32xi32>
    %reduce_max3A_65 = vector.multi_reduction <maxsi>, %transpose3A, %reduce_max3A_64 [0] : vector<256x32xi32> to vector<32xi32>
    %broadcast_in_dim3A_66 = vector.shape_cast %reduce_max3A_65 : vector<32xi32> to vector<1x32xi32>
    %add3A = arith.constant 1 : i32
    %add3A_67 = vector.broadcast %add3A : i32 to vector<1x32xi32>
    %add3A_68 = arith.addi %broadcast_in_dim3A_66, %add3A_67 : vector<1x32xi32>
    %shift_right_arithmetic3A = arith.constant 1 : i32
    %shift_right_arithmetic3A_69 = vector.broadcast %shift_right_arithmetic3A : i32 to vector<1x32xi32>
    %shift_right_arithmetic3A_70 = arith.shrsi %broadcast_in_dim3A_63, %shift_right_arithmetic3A_69 : vector<1x32xi32>
    %shift_right_arithmetic3A_71 = arith.constant 1 : i32
    %shift_right_arithmetic3A_72 = vector.broadcast %shift_right_arithmetic3A_71 : i32 to vector<1x32xi32>
    %shift_right_arithmetic3A_73 = arith.shrsi %add3A_68, %shift_right_arithmetic3A_72 : vector<1x32xi32>
    %add3A_74 = arith.addi %shift_right_arithmetic3A_70, %shift_right_arithmetic3A_73 : vector<1x32xi32>
    %and3A = arith.andi %broadcast_in_dim3A_63, %add3A_68 : vector<1x32xi32>
    %and3A_75 = arith.constant 1 : i32
    %and3A_76 = vector.broadcast %and3A_75 : i32 to vector<1x32xi32>
    %and3A_77 = arith.andi %and3A, %and3A_76 : vector<1x32xi32>
    %add3A_78 = arith.addi %add3A_74, %and3A_77 : vector<1x32xi32>
    %ge3A_79 = vector.broadcast %add3A_78 : vector<1x32xi32> to vector<256x32xi32>
    %ge3A_80 = arith.cmpi sge, %transpose3A, %ge3A_79 : vector<256x32xi32>
    %convert_element_type3A = arith.extui %ge3A_80 : vector<256x32xi1> to vector<256x32xi32>
    %reduce_sum3A_81 = arith.constant dense<0> : vector<32xi32>
    %reduce_sum3A_82 = vector.multi_reduction <add>, %convert_element_type3A, %reduce_sum3A_81 [0] : vector<256x32xi32> to vector<32xi32>
    %broadcast_in_dim3A_83 = vector.shape_cast %reduce_sum3A_82 : vector<32xi32> to vector<1x32xi32>
    %ge3A_84 = arith.constant 128 : i32
    %ge3A_85 = vector.broadcast %ge3A_84 : i32 to vector<1x32xi32>
    %ge3A_86 = arith.cmpi sge, %broadcast_in_dim3A_83, %ge3A_85 : vector<1x32xi32>
    %select_n3A_87 = arith.select %ge3A_86, %add3A_78, %broadcast_in_dim3A_63 : vector<1x32xi1>, vector<1x32xi32>
    %select_n3A_88 = arith.select %ge3A_86, %add3A_68, %add3A_78 : vector<1x32xi1>, vector<1x32xi32>
    %shift_right_arithmetic3A_89 = arith.constant 1 : i32
    %shift_right_arithmetic3A_90 = vector.broadcast %shift_right_arithmetic3A_89 : i32 to vector<1x32xi32>
    %shift_right_arithmetic3A_91 = arith.shrsi %select_n3A_87, %shift_right_arithmetic3A_90 : vector<1x32xi32>
    %shift_right_arithmetic3A_92 = arith.constant 1 : i32
    %shift_right_arithmetic3A_93 = vector.broadcast %shift_right_arithmetic3A_92 : i32 to vector<1x32xi32>
    %shift_right_arithmetic3A_94 = arith.shrsi %select_n3A_88, %shift_right_arithmetic3A_93 : vector<1x32xi32>
    %add3A_95 = arith.addi %shift_right_arithmetic3A_91, %shift_right_arithmetic3A_94 : vector<1x32xi32>
    %and3A_96 = arith.andi %select_n3A_87, %select_n3A_88 : vector<1x32xi32>
    %and3A_97 = arith.constant 1 : i32
    %and3A_98 = vector.broadcast %and3A_97 : i32 to vector<1x32xi32>
    %and3A_99 = arith.andi %and3A_96, %and3A_98 : vector<1x32xi32>
    %add3A_100 = arith.addi %add3A_95, %and3A_99 : vector<1x32xi32>
    %ge3A_101 = vector.broadcast %add3A_100 : vector<1x32xi32> to vector<256x32xi32>
    %ge3A_102 = arith.cmpi sge, %transpose3A, %ge3A_101 : vector<256x32xi32>
    %convert_element_type3A_103 = arith.extui %ge3A_102 : vector<256x32xi1> to vector<256x32xi32>
    %reduce_sum3A_104 = arith.constant dense<0> : vector<32xi32>
    %reduce_sum3A_105 = vector.multi_reduction <add>, %convert_element_type3A_103, %reduce_sum3A_104 [0] : vector<256x32xi32> to vector<32xi32>
    %broadcast_in_dim3A_106 = vector.shape_cast %reduce_sum3A_105 : vector<32xi32> to vector<1x32xi32>
    %ge3A_107 = arith.constant 128 : i32
    %ge3A_108 = vector.broadcast %ge3A_107 : i32 to vector<1x32xi32>
    %ge3A_109 = arith.cmpi sge, %broadcast_in_dim3A_106, %ge3A_108 : vector<1x32xi32>
    %select_n3A_110 = arith.select %ge3A_109, %add3A_100, %select_n3A_87 : vector<1x32xi1>, vector<1x32xi32>
    %select_n3A_111 = arith.select %ge3A_109, %select_n3A_88, %add3A_100 : vector<1x32xi1>, vector<1x32xi32>
    %shift_right_arithmetic3A_112 = arith.constant 1 : i32
    %shift_right_arithmetic3A_113 = vector.broadcast %shift_right_arithmetic3A_112 : i32 to vector<1x32xi32>
    %shift_right_arithmetic3A_114 = arith.shrsi %select_n3A_110, %shift_right_arithmetic3A_113 : vector<1x32xi32>
    %shift_right_arithmetic3A_115 = arith.constant 1 : i32
    %shift_right_arithmetic3A_116 = vector.broadcast %shift_right_arithmetic3A_115 : i32 to vector<1x32xi32>
    %shift_right_arithmetic3A_117 = arith.shrsi %select_n3A_111, %shift_right_arithmetic3A_116 : vector<1x32xi32>
    %add3A_118 = arith.addi %shift_right_arithmetic3A_114, %shift_right_arithmetic3A_117 : vector<1x32xi32>
    %and3A_119 = arith.andi %select_n3A_110, %select_n3A_111 : vector<1x32xi32>
    %and3A_120 = arith.constant 1 : i32
    %and3A_121 = vector.broadcast %and3A_120 : i32 to vector<1x32xi32>
    %and3A_122 = arith.andi %and3A_119, %and3A_121 : vector<1x32xi32>
    %add3A_123 = arith.addi %add3A_118, %and3A_122 : vector<1x32xi32>
    %ge3A_124 = vector.broadcast %add3A_123 : vector<1x32xi32> to vector<256x32xi32>
    %ge3A_125 = arith.cmpi sge, %transpose3A, %ge3A_124 : vector<256x32xi32>
    %convert_element_type3A_126 = arith.extui %ge3A_125 : vector<256x32xi1> to vector<256x32xi32>
    %reduce_sum3A_127 = arith.constant dense<0> : vector<32xi32>
    %reduce_sum3A_128 = vector.multi_reduction <add>, %convert_element_type3A_126, %reduce_sum3A_127 [0] : vector<256x32xi32> to vector<32xi32>
    %broadcast_in_dim3A_129 = vector.shape_cast %reduce_sum3A_128 : vector<32xi32> to vector<1x32xi32>
    %ge3A_130 = arith.constant 128 : i32
    %ge3A_131 = vector.broadcast %ge3A_130 : i32 to vector<1x32xi32>
    %ge3A_132 = arith.cmpi sge, %broadcast_in_dim3A_129, %ge3A_131 : vector<1x32xi32>
    %select_n3A_133 = arith.select %ge3A_132, %add3A_123, %select_n3A_110 : vector<1x32xi1>, vector<1x32xi32>
    %select_n3A_134 = arith.select %ge3A_132, %select_n3A_111, %add3A_123 : vector<1x32xi1>, vector<1x32xi32>
    %shift_right_arithmetic3A_135 = arith.constant 1 : i32
    %shift_right_arithmetic3A_136 = vector.broadcast %shift_right_arithmetic3A_135 : i32 to vector<1x32xi32>
    %shift_right_arithmetic3A_137 = arith.shrsi %select_n3A_133, %shift_right_arithmetic3A_136 : vector<1x32xi32>
    %shift_right_arithmetic3A_138 = arith.constant 1 : i32
    %shift_right_arithmetic3A_139 = vector.broadcast %shift_right_arithmetic3A_138 : i32 to vector<1x32xi32>
    %shift_right_arithmetic3A_140 = arith.shrsi %select_n3A_134, %shift_right_arithmetic3A_139 : vector<1x32xi32>
    %add3A_141 = arith.addi %shift_right_arithmetic3A_137, %shift_right_arithmetic3A_140 : vector<1x32xi32>
    %and3A_142 = arith.andi %select_n3A_133, %select_n3A_134 : vector<1x32xi32>
    %and3A_143 = arith.constant 1 : i32
    %and3A_144 = vector.broadcast %and3A_143 : i32 to vector<1x32xi32>
    %and3A_145 = arith.andi %and3A_142, %and3A_144 : vector<1x32xi32>
    %add3A_146 = arith.addi %add3A_141, %and3A_145 : vector<1x32xi32>
    %ge3A_147 = vector.broadcast %add3A_146 : vector<1x32xi32> to vector<256x32xi32>
    %ge3A_148 = arith.cmpi sge, %transpose3A, %ge3A_147 : vector<256x32xi32>
    %convert_element_type3A_149 = arith.extui %ge3A_148 : vector<256x32xi1> to vector<256x32xi32>
    %reduce_sum3A_150 = arith.constant dense<0> : vector<32xi32>
    %reduce_sum3A_151 = vector.multi_reduction <add>, %convert_element_type3A_149, %reduce_sum3A_150 [0] : vector<256x32xi32> to vector<32xi32>
    %broadcast_in_dim3A_152 = vector.shape_cast %reduce_sum3A_151 : vector<32xi32> to vector<1x32xi32>
    %ge3A_153 = arith.constant 128 : i32
    %ge3A_154 = vector.broadcast %ge3A_153 : i32 to vector<1x32xi32>
    %ge3A_155 = arith.cmpi sge, %broadcast_in_dim3A_152, %ge3A_154 : vector<1x32xi32>
    %select_n3A_156 = arith.select %ge3A_155, %add3A_146, %select_n3A_133 : vector<1x32xi1>, vector<1x32xi32>
    %select_n3A_157 = arith.select %ge3A_155, %select_n3A_134, %add3A_146 : vector<1x32xi1>, vector<1x32xi32>
    %shift_right_arithmetic3A_158 = arith.constant 1 : i32
    %shift_right_arithmetic3A_159 = vector.broadcast %shift_right_arithmetic3A_158 : i32 to vector<1x32xi32>
    %shift_right_arithmetic3A_160 = arith.shrsi %select_n3A_156, %shift_right_arithmetic3A_159 : vector<1x32xi32>
    %shift_right_arithmetic3A_161 = arith.constant 1 : i32
    %shift_right_arithmetic3A_162 = vector.broadcast %shift_right_arithmetic3A_161 : i32 to vector<1x32xi32>
    %shift_right_arithmetic3A_163 = arith.shrsi %select_n3A_157, %shift_right_arithmetic3A_162 : vector<1x32xi32>
    %add3A_164 = arith.addi %shift_right_arithmetic3A_160, %shift_right_arithmetic3A_163 : vector<1x32xi32>
    %and3A_165 = arith.andi %select_n3A_156, %select_n3A_157 : vector<1x32xi32>
    %and3A_166 = arith.constant 1 : i32
    %and3A_167 = vector.broadcast %and3A_166 : i32 to vector<1x32xi32>
    %and3A_168 = arith.andi %and3A_165, %and3A_167 : vector<1x32xi32>
    %add3A_169 = arith.addi %add3A_164, %and3A_168 : vector<1x32xi32>
    %ge3A_170 = vector.broadcast %add3A_169 : vector<1x32xi32> to vector<256x32xi32>
    %ge3A_171 = arith.cmpi sge, %transpose3A, %ge3A_170 : vector<256x32xi32>
    %convert_element_type3A_172 = arith.extui %ge3A_171 : vector<256x32xi1> to vector<256x32xi32>
    %reduce_sum3A_173 = arith.constant dense<0> : vector<32xi32>
    %reduce_sum3A_174 = vector.multi_reduction <add>, %convert_element_type3A_172, %reduce_sum3A_173 [0] : vector<256x32xi32> to vector<32xi32>
    %broadcast_in_dim3A_175 = vector.shape_cast %reduce_sum3A_174 : vector<32xi32> to vector<1x32xi32>
    %ge3A_176 = arith.constant 128 : i32
    %ge3A_177 = vector.broadcast %ge3A_176 : i32 to vector<1x32xi32>
    %ge3A_178 = arith.cmpi sge, %broadcast_in_dim3A_175, %ge3A_177 : vector<1x32xi32>
    %select_n3A_179 = arith.select %ge3A_178, %add3A_169, %select_n3A_156 : vector<1x32xi1>, vector<1x32xi32>
    %select_n3A_180 = arith.select %ge3A_178, %select_n3A_157, %add3A_169 : vector<1x32xi1>, vector<1x32xi32>
    %shift_right_arithmetic3A_181 = arith.constant 1 : i32
    %shift_right_arithmetic3A_182 = vector.broadcast %shift_right_arithmetic3A_181 : i32 to vector<1x32xi32>
    %shift_right_arithmetic3A_183 = arith.shrsi %select_n3A_179, %shift_right_arithmetic3A_182 : vector<1x32xi32>
    %shift_right_arithmetic3A_184 = arith.constant 1 : i32
    %shift_right_arithmetic3A_185 = vector.broadcast %shift_right_arithmetic3A_184 : i32 to vector<1x32xi32>
    %shift_right_arithmetic3A_186 = arith.shrsi %select_n3A_180, %shift_right_arithmetic3A_185 : vector<1x32xi32>
    %add3A_187 = arith.addi %shift_right_arithmetic3A_183, %shift_right_arithmetic3A_186 : vector<1x32xi32>
    %and3A_188 = arith.andi %select_n3A_179, %select_n3A_180 : vector<1x32xi32>
    %and3A_189 = arith.constant 1 : i32
    %and3A_190 = vector.broadcast %and3A_189 : i32 to vector<1x32xi32>
    %and3A_191 = arith.andi %and3A_188, %and3A_190 : vector<1x32xi32>
    %add3A_192 = arith.addi %add3A_187, %and3A_191 : vector<1x32xi32>
    %ge3A_193 = vector.broadcast %add3A_192 : vector<1x32xi32> to vector<256x32xi32>
    %ge3A_194 = arith.cmpi sge, %transpose3A, %ge3A_193 : vector<256x32xi32>
    %convert_element_type3A_195 = arith.extui %ge3A_194 : vector<256x32xi1> to vector<256x32xi32>
    %reduce_sum3A_196 = arith.constant dense<0> : vector<32xi32>
    %reduce_sum3A_197 = vector.multi_reduction <add>, %convert_element_type3A_195, %reduce_sum3A_196 [0] : vector<256x32xi32> to vector<32xi32>
    %broadcast_in_dim3A_198 = vector.shape_cast %reduce_sum3A_197 : vector<32xi32> to vector<1x32xi32>
    %ge3A_199 = arith.constant 128 : i32
    %ge3A_200 = vector.broadcast %ge3A_199 : i32 to vector<1x32xi32>
    %ge3A_201 = arith.cmpi sge, %broadcast_in_dim3A_198, %ge3A_200 : vector<1x32xi32>
    %select_n3A_202 = arith.select %ge3A_201, %add3A_192, %select_n3A_179 : vector<1x32xi1>, vector<1x32xi32>
    %select_n3A_203 = arith.select %ge3A_201, %select_n3A_180, %add3A_192 : vector<1x32xi1>, vector<1x32xi32>
    %shift_right_arithmetic3A_204 = arith.constant 1 : i32
    %shift_right_arithmetic3A_205 = vector.broadcast %shift_right_arithmetic3A_204 : i32 to vector<1x32xi32>
    %shift_right_arithmetic3A_206 = arith.shrsi %select_n3A_202, %shift_right_arithmetic3A_205 : vector<1x32xi32>
    %shift_right_arithmetic3A_207 = arith.constant 1 : i32
    %shift_right_arithmetic3A_208 = vector.broadcast %shift_right_arithmetic3A_207 : i32 to vector<1x32xi32>
    %shift_right_arithmetic3A_209 = arith.shrsi %select_n3A_203, %shift_right_arithmetic3A_208 : vector<1x32xi32>
    %add3A_210 = arith.addi %shift_right_arithmetic3A_206, %shift_right_arithmetic3A_209 : vector<1x32xi32>
    %and3A_211 = arith.andi %select_n3A_202, %select_n3A_203 : vector<1x32xi32>
    %and3A_212 = arith.constant 1 : i32
    %and3A_213 = vector.broadcast %and3A_212 : i32 to vector<1x32xi32>
    %and3A_214 = arith.andi %and3A_211, %and3A_213 : vector<1x32xi32>
    %add3A_215 = arith.addi %add3A_210, %and3A_214 : vector<1x32xi32>
    %ge3A_216 = vector.broadcast %add3A_215 : vector<1x32xi32> to vector<256x32xi32>
    %ge3A_217 = arith.cmpi sge, %transpose3A, %ge3A_216 : vector<256x32xi32>
    %convert_element_type3A_218 = arith.extui %ge3A_217 : vector<256x32xi1> to vector<256x32xi32>
    %reduce_sum3A_219 = arith.constant dense<0> : vector<32xi32>
    %reduce_sum3A_220 = vector.multi_reduction <add>, %convert_element_type3A_218, %reduce_sum3A_219 [0] : vector<256x32xi32> to vector<32xi32>
    %broadcast_in_dim3A_221 = vector.shape_cast %reduce_sum3A_220 : vector<32xi32> to vector<1x32xi32>
    %ge3A_222 = arith.constant 128 : i32
    %ge3A_223 = vector.broadcast %ge3A_222 : i32 to vector<1x32xi32>
    %ge3A_224 = arith.cmpi sge, %broadcast_in_dim3A_221, %ge3A_223 : vector<1x32xi32>
    %select_n3A_225 = arith.select %ge3A_224, %add3A_215, %select_n3A_202 : vector<1x32xi1>, vector<1x32xi32>
    %select_n3A_226 = arith.select %ge3A_224, %select_n3A_203, %add3A_215 : vector<1x32xi1>, vector<1x32xi32>
    %shift_right_arithmetic3A_227 = arith.constant 1 : i32
    %shift_right_arithmetic3A_228 = vector.broadcast %shift_right_arithmetic3A_227 : i32 to vector<1x32xi32>
    %shift_right_arithmetic3A_229 = arith.shrsi %select_n3A_225, %shift_right_arithmetic3A_228 : vector<1x32xi32>
    %shift_right_arithmetic3A_230 = arith.constant 1 : i32
    %shift_right_arithmetic3A_231 = vector.broadcast %shift_right_arithmetic3A_230 : i32 to vector<1x32xi32>
    %shift_right_arithmetic3A_232 = arith.shrsi %select_n3A_226, %shift_right_arithmetic3A_231 : vector<1x32xi32>
    %add3A_233 = arith.addi %shift_right_arithmetic3A_229, %shift_right_arithmetic3A_232 : vector<1x32xi32>
    %and3A_234 = arith.andi %select_n3A_225, %select_n3A_226 : vector<1x32xi32>
    %and3A_235 = arith.constant 1 : i32
    %and3A_236 = vector.broadcast %and3A_235 : i32 to vector<1x32xi32>
    %and3A_237 = arith.andi %and3A_234, %and3A_236 : vector<1x32xi32>
    %add3A_238 = arith.addi %add3A_233, %and3A_237 : vector<1x32xi32>
    %ge3A_239 = vector.broadcast %add3A_238 : vector<1x32xi32> to vector<256x32xi32>
    %ge3A_240 = arith.cmpi sge, %transpose3A, %ge3A_239 : vector<256x32xi32>
    %convert_element_type3A_241 = arith.extui %ge3A_240 : vector<256x32xi1> to vector<256x32xi32>
    %reduce_sum3A_242 = arith.constant dense<0> : vector<32xi32>
    %reduce_sum3A_243 = vector.multi_reduction <add>, %convert_element_type3A_241, %reduce_sum3A_242 [0] : vector<256x32xi32> to vector<32xi32>
    %broadcast_in_dim3A_244 = vector.shape_cast %reduce_sum3A_243 : vector<32xi32> to vector<1x32xi32>
    %ge3A_245 = arith.constant 128 : i32
    %ge3A_246 = vector.broadcast %ge3A_245 : i32 to vector<1x32xi32>
    %ge3A_247 = arith.cmpi sge, %broadcast_in_dim3A_244, %ge3A_246 : vector<1x32xi32>
    %select_n3A_248 = arith.select %ge3A_247, %add3A_238, %select_n3A_225 : vector<1x32xi1>, vector<1x32xi32>
    %select_n3A_249 = arith.select %ge3A_247, %select_n3A_226, %add3A_238 : vector<1x32xi1>, vector<1x32xi32>
    %shift_right_arithmetic3A_250 = arith.constant 1 : i32
    %shift_right_arithmetic3A_251 = vector.broadcast %shift_right_arithmetic3A_250 : i32 to vector<1x32xi32>
    %shift_right_arithmetic3A_252 = arith.shrsi %select_n3A_248, %shift_right_arithmetic3A_251 : vector<1x32xi32>
    %shift_right_arithmetic3A_253 = arith.constant 1 : i32
    %shift_right_arithmetic3A_254 = vector.broadcast %shift_right_arithmetic3A_253 : i32 to vector<1x32xi32>
    %shift_right_arithmetic3A_255 = arith.shrsi %select_n3A_249, %shift_right_arithmetic3A_254 : vector<1x32xi32>
    %add3A_256 = arith.addi %shift_right_arithmetic3A_252, %shift_right_arithmetic3A_255 : vector<1x32xi32>
    %and3A_257 = arith.andi %select_n3A_248, %select_n3A_249 : vector<1x32xi32>
    %and3A_258 = arith.constant 1 : i32
    %and3A_259 = vector.broadcast %and3A_258 : i32 to vector<1x32xi32>
    %and3A_260 = arith.andi %and3A_257, %and3A_259 : vector<1x32xi32>
    %add3A_261 = arith.addi %add3A_256, %and3A_260 : vector<1x32xi32>
    %ge3A_262 = vector.broadcast %add3A_261 : vector<1x32xi32> to vector<256x32xi32>
    %ge3A_263 = arith.cmpi sge, %transpose3A, %ge3A_262 : vector<256x32xi32>
    %convert_element_type3A_264 = arith.extui %ge3A_263 : vector<256x32xi1> to vector<256x32xi32>
    %reduce_sum3A_265 = arith.constant dense<0> : vector<32xi32>
    %reduce_sum3A_266 = vector.multi_reduction <add>, %convert_element_type3A_264, %reduce_sum3A_265 [0] : vector<256x32xi32> to vector<32xi32>
    %broadcast_in_dim3A_267 = vector.shape_cast %reduce_sum3A_266 : vector<32xi32> to vector<1x32xi32>
    %ge3A_268 = arith.constant 128 : i32
    %ge3A_269 = vector.broadcast %ge3A_268 : i32 to vector<1x32xi32>
    %ge3A_270 = arith.cmpi sge, %broadcast_in_dim3A_267, %ge3A_269 : vector<1x32xi32>
    %select_n3A_271 = arith.select %ge3A_270, %add3A_261, %select_n3A_248 : vector<1x32xi1>, vector<1x32xi32>
    %select_n3A_272 = arith.select %ge3A_270, %select_n3A_249, %add3A_261 : vector<1x32xi1>, vector<1x32xi32>
    %shift_right_arithmetic3A_273 = arith.constant 1 : i32
    %shift_right_arithmetic3A_274 = vector.broadcast %shift_right_arithmetic3A_273 : i32 to vector<1x32xi32>
    %shift_right_arithmetic3A_275 = arith.shrsi %select_n3A_271, %shift_right_arithmetic3A_274 : vector<1x32xi32>
    %shift_right_arithmetic3A_276 = arith.constant 1 : i32
    %shift_right_arithmetic3A_277 = vector.broadcast %shift_right_arithmetic3A_276 : i32 to vector<1x32xi32>
    %shift_right_arithmetic3A_278 = arith.shrsi %select_n3A_272, %shift_right_arithmetic3A_277 : vector<1x32xi32>
    %add3A_279 = arith.addi %shift_right_arithmetic3A_275, %shift_right_arithmetic3A_278 : vector<1x32xi32>
    %and3A_280 = arith.andi %select_n3A_271, %select_n3A_272 : vector<1x32xi32>
    %and3A_281 = arith.constant 1 : i32
    %and3A_282 = vector.broadcast %and3A_281 : i32 to vector<1x32xi32>
    %and3A_283 = arith.andi %and3A_280, %and3A_282 : vector<1x32xi32>
    %add3A_284 = arith.addi %add3A_279, %and3A_283 : vector<1x32xi32>
    %ge3A_285 = vector.broadcast %add3A_284 : vector<1x32xi32> to vector<256x32xi32>
    %ge3A_286 = arith.cmpi sge, %transpose3A, %ge3A_285 : vector<256x32xi32>
    %convert_element_type3A_287 = arith.extui %ge3A_286 : vector<256x32xi1> to vector<256x32xi32>
    %reduce_sum3A_288 = arith.constant dense<0> : vector<32xi32>
    %reduce_sum3A_289 = vector.multi_reduction <add>, %convert_element_type3A_287, %reduce_sum3A_288 [0] : vector<256x32xi32> to vector<32xi32>
    %broadcast_in_dim3A_290 = vector.shape_cast %reduce_sum3A_289 : vector<32xi32> to vector<1x32xi32>
    %ge3A_291 = arith.constant 128 : i32
    %ge3A_292 = vector.broadcast %ge3A_291 : i32 to vector<1x32xi32>
    %ge3A_293 = arith.cmpi sge, %broadcast_in_dim3A_290, %ge3A_292 : vector<1x32xi32>
    %select_n3A_294 = arith.select %ge3A_293, %add3A_284, %select_n3A_271 : vector<1x32xi1>, vector<1x32xi32>
    %select_n3A_295 = arith.select %ge3A_293, %select_n3A_272, %add3A_284 : vector<1x32xi1>, vector<1x32xi32>
    %shift_right_arithmetic3A_296 = arith.constant 1 : i32
    %shift_right_arithmetic3A_297 = vector.broadcast %shift_right_arithmetic3A_296 : i32 to vector<1x32xi32>
    %shift_right_arithmetic3A_298 = arith.shrsi %select_n3A_294, %shift_right_arithmetic3A_297 : vector<1x32xi32>
    %shift_right_arithmetic3A_299 = arith.constant 1 : i32
    %shift_right_arithmetic3A_300 = vector.broadcast %shift_right_arithmetic3A_299 : i32 to vector<1x32xi32>
    %shift_right_arithmetic3A_301 = arith.shrsi %select_n3A_295, %shift_right_arithmetic3A_300 : vector<1x32xi32>
    %add3A_302 = arith.addi %shift_right_arithmetic3A_298, %shift_right_arithmetic3A_301 : vector<1x32xi32>
    %and3A_303 = arith.andi %select_n3A_294, %select_n3A_295 : vector<1x32xi32>
    %and3A_304 = arith.constant 1 : i32
    %and3A_305 = vector.broadcast %and3A_304 : i32 to vector<1x32xi32>
    %and3A_306 = arith.andi %and3A_303, %and3A_305 : vector<1x32xi32>
    %add3A_307 = arith.addi %add3A_302, %and3A_306 : vector<1x32xi32>
    %ge3A_308 = vector.broadcast %add3A_307 : vector<1x32xi32> to vector<256x32xi32>
    %ge3A_309 = arith.cmpi sge, %transpose3A, %ge3A_308 : vector<256x32xi32>
    %convert_element_type3A_310 = arith.extui %ge3A_309 : vector<256x32xi1> to vector<256x32xi32>
    %reduce_sum3A_311 = arith.constant dense<0> : vector<32xi32>
    %reduce_sum3A_312 = vector.multi_reduction <add>, %convert_element_type3A_310, %reduce_sum3A_311 [0] : vector<256x32xi32> to vector<32xi32>
    %broadcast_in_dim3A_313 = vector.shape_cast %reduce_sum3A_312 : vector<32xi32> to vector<1x32xi32>
    %ge3A_314 = arith.constant 128 : i32
    %ge3A_315 = vector.broadcast %ge3A_314 : i32 to vector<1x32xi32>
    %ge3A_316 = arith.cmpi sge, %broadcast_in_dim3A_313, %ge3A_315 : vector<1x32xi32>
    %select_n3A_317 = arith.select %ge3A_316, %add3A_307, %select_n3A_294 : vector<1x32xi1>, vector<1x32xi32>
    %select_n3A_318 = arith.select %ge3A_316, %select_n3A_295, %add3A_307 : vector<1x32xi1>, vector<1x32xi32>
    %shift_right_arithmetic3A_319 = arith.constant 1 : i32
    %shift_right_arithmetic3A_320 = vector.broadcast %shift_right_arithmetic3A_319 : i32 to vector<1x32xi32>
    %shift_right_arithmetic3A_321 = arith.shrsi %select_n3A_317, %shift_right_arithmetic3A_320 : vector<1x32xi32>
    %shift_right_arithmetic3A_322 = arith.constant 1 : i32
    %shift_right_arithmetic3A_323 = vector.broadcast %shift_right_arithmetic3A_322 : i32 to vector<1x32xi32>
    %shift_right_arithmetic3A_324 = arith.shrsi %select_n3A_318, %shift_right_arithmetic3A_323 : vector<1x32xi32>
    %add3A_325 = arith.addi %shift_right_arithmetic3A_321, %shift_right_arithmetic3A_324 : vector<1x32xi32>
    %and3A_326 = arith.andi %select_n3A_317, %select_n3A_318 : vector<1x32xi32>
    %and3A_327 = arith.constant 1 : i32
    %and3A_328 = vector.broadcast %and3A_327 : i32 to vector<1x32xi32>
    %and3A_329 = arith.andi %and3A_326, %and3A_328 : vector<1x32xi32>
    %add3A_330 = arith.addi %add3A_325, %and3A_329 : vector<1x32xi32>
    %ge3A_331 = vector.broadcast %add3A_330 : vector<1x32xi32> to vector<256x32xi32>
    %ge3A_332 = arith.cmpi sge, %transpose3A, %ge3A_331 : vector<256x32xi32>
    %convert_element_type3A_333 = arith.extui %ge3A_332 : vector<256x32xi1> to vector<256x32xi32>
    %reduce_sum3A_334 = arith.constant dense<0> : vector<32xi32>
    %reduce_sum3A_335 = vector.multi_reduction <add>, %convert_element_type3A_333, %reduce_sum3A_334 [0] : vector<256x32xi32> to vector<32xi32>
    %broadcast_in_dim3A_336 = vector.shape_cast %reduce_sum3A_335 : vector<32xi32> to vector<1x32xi32>
    %ge3A_337 = arith.constant 128 : i32
    %ge3A_338 = vector.broadcast %ge3A_337 : i32 to vector<1x32xi32>
    %ge3A_339 = arith.cmpi sge, %broadcast_in_dim3A_336, %ge3A_338 : vector<1x32xi32>
    %select_n3A_340 = arith.select %ge3A_339, %add3A_330, %select_n3A_317 : vector<1x32xi1>, vector<1x32xi32>
    %select_n3A_341 = arith.select %ge3A_339, %select_n3A_318, %add3A_330 : vector<1x32xi1>, vector<1x32xi32>
    %shift_right_arithmetic3A_342 = arith.constant 1 : i32
    %shift_right_arithmetic3A_343 = vector.broadcast %shift_right_arithmetic3A_342 : i32 to vector<1x32xi32>
    %shift_right_arithmetic3A_344 = arith.shrsi %select_n3A_340, %shift_right_arithmetic3A_343 : vector<1x32xi32>
    %shift_right_arithmetic3A_345 = arith.constant 1 : i32
    %shift_right_arithmetic3A_346 = vector.broadcast %shift_right_arithmetic3A_345 : i32 to vector<1x32xi32>
    %shift_right_arithmetic3A_347 = arith.shrsi %select_n3A_341, %shift_right_arithmetic3A_346 : vector<1x32xi32>
    %add3A_348 = arith.addi %shift_right_arithmetic3A_344, %shift_right_arithmetic3A_347 : vector<1x32xi32>
    %and3A_349 = arith.andi %select_n3A_340, %select_n3A_341 : vector<1x32xi32>
    %and3A_350 = arith.constant 1 : i32
    %and3A_351 = vector.broadcast %and3A_350 : i32 to vector<1x32xi32>
    %and3A_352 = arith.andi %and3A_349, %and3A_351 : vector<1x32xi32>
    %add3A_353 = arith.addi %add3A_348, %and3A_352 : vector<1x32xi32>
    %ge3A_354 = vector.broadcast %add3A_353 : vector<1x32xi32> to vector<256x32xi32>
    %ge3A_355 = arith.cmpi sge, %transpose3A, %ge3A_354 : vector<256x32xi32>
    %convert_element_type3A_356 = arith.extui %ge3A_355 : vector<256x32xi1> to vector<256x32xi32>
    %reduce_sum3A_357 = arith.constant dense<0> : vector<32xi32>
    %reduce_sum3A_358 = vector.multi_reduction <add>, %convert_element_type3A_356, %reduce_sum3A_357 [0] : vector<256x32xi32> to vector<32xi32>
    %broadcast_in_dim3A_359 = vector.shape_cast %reduce_sum3A_358 : vector<32xi32> to vector<1x32xi32>
    %ge3A_360 = arith.constant 128 : i32
    %ge3A_361 = vector.broadcast %ge3A_360 : i32 to vector<1x32xi32>
    %ge3A_362 = arith.cmpi sge, %broadcast_in_dim3A_359, %ge3A_361 : vector<1x32xi32>
    %select_n3A_363 = arith.select %ge3A_362, %add3A_353, %select_n3A_340 : vector<1x32xi1>, vector<1x32xi32>
    %select_n3A_364 = arith.select %ge3A_362, %select_n3A_341, %add3A_353 : vector<1x32xi1>, vector<1x32xi32>
    %shift_right_arithmetic3A_365 = arith.constant 1 : i32
    %shift_right_arithmetic3A_366 = vector.broadcast %shift_right_arithmetic3A_365 : i32 to vector<1x32xi32>
    %shift_right_arithmetic3A_367 = arith.shrsi %select_n3A_363, %shift_right_arithmetic3A_366 : vector<1x32xi32>
    %shift_right_arithmetic3A_368 = arith.constant 1 : i32
    %shift_right_arithmetic3A_369 = vector.broadcast %shift_right_arithmetic3A_368 : i32 to vector<1x32xi32>
    %shift_right_arithmetic3A_370 = arith.shrsi %select_n3A_364, %shift_right_arithmetic3A_369 : vector<1x32xi32>
    %add3A_371 = arith.addi %shift_right_arithmetic3A_367, %shift_right_arithmetic3A_370 : vector<1x32xi32>
    %and3A_372 = arith.andi %select_n3A_363, %select_n3A_364 : vector<1x32xi32>
    %and3A_373 = arith.constant 1 : i32
    %and3A_374 = vector.broadcast %and3A_373 : i32 to vector<1x32xi32>
    %and3A_375 = arith.andi %and3A_372, %and3A_374 : vector<1x32xi32>
    %add3A_376 = arith.addi %add3A_371, %and3A_375 : vector<1x32xi32>
    %ge3A_377 = vector.broadcast %add3A_376 : vector<1x32xi32> to vector<256x32xi32>
    %ge3A_378 = arith.cmpi sge, %transpose3A, %ge3A_377 : vector<256x32xi32>
    %convert_element_type3A_379 = arith.extui %ge3A_378 : vector<256x32xi1> to vector<256x32xi32>
    %reduce_sum3A_380 = arith.constant dense<0> : vector<32xi32>
    %reduce_sum3A_381 = vector.multi_reduction <add>, %convert_element_type3A_379, %reduce_sum3A_380 [0] : vector<256x32xi32> to vector<32xi32>
    %broadcast_in_dim3A_382 = vector.shape_cast %reduce_sum3A_381 : vector<32xi32> to vector<1x32xi32>
    %ge3A_383 = arith.constant 128 : i32
    %ge3A_384 = vector.broadcast %ge3A_383 : i32 to vector<1x32xi32>
    %ge3A_385 = arith.cmpi sge, %broadcast_in_dim3A_382, %ge3A_384 : vector<1x32xi32>
    %select_n3A_386 = arith.select %ge3A_385, %add3A_376, %select_n3A_363 : vector<1x32xi1>, vector<1x32xi32>
    %select_n3A_387 = arith.select %ge3A_385, %select_n3A_364, %add3A_376 : vector<1x32xi1>, vector<1x32xi32>
    %shift_right_arithmetic3A_388 = arith.constant 1 : i32
    %shift_right_arithmetic3A_389 = vector.broadcast %shift_right_arithmetic3A_388 : i32 to vector<1x32xi32>
    %shift_right_arithmetic3A_390 = arith.shrsi %select_n3A_386, %shift_right_arithmetic3A_389 : vector<1x32xi32>
    %shift_right_arithmetic3A_391 = arith.constant 1 : i32
    %shift_right_arithmetic3A_392 = vector.broadcast %shift_right_arithmetic3A_391 : i32 to vector<1x32xi32>
    %shift_right_arithmetic3A_393 = arith.shrsi %select_n3A_387, %shift_right_arithmetic3A_392 : vector<1x32xi32>
    %add3A_394 = arith.addi %shift_right_arithmetic3A_390, %shift_right_arithmetic3A_393 : vector<1x32xi32>
    %and3A_395 = arith.andi %select_n3A_386, %select_n3A_387 : vector<1x32xi32>
    %and3A_396 = arith.constant 1 : i32
    %and3A_397 = vector.broadcast %and3A_396 : i32 to vector<1x32xi32>
    %and3A_398 = arith.andi %and3A_395, %and3A_397 : vector<1x32xi32>
    %add3A_399 = arith.addi %add3A_394, %and3A_398 : vector<1x32xi32>
    %ge3A_400 = vector.broadcast %add3A_399 : vector<1x32xi32> to vector<256x32xi32>
    %ge3A_401 = arith.cmpi sge, %transpose3A, %ge3A_400 : vector<256x32xi32>
    %convert_element_type3A_402 = arith.extui %ge3A_401 : vector<256x32xi1> to vector<256x32xi32>
    %reduce_sum3A_403 = arith.constant dense<0> : vector<32xi32>
    %reduce_sum3A_404 = vector.multi_reduction <add>, %convert_element_type3A_402, %reduce_sum3A_403 [0] : vector<256x32xi32> to vector<32xi32>
    %broadcast_in_dim3A_405 = vector.shape_cast %reduce_sum3A_404 : vector<32xi32> to vector<1x32xi32>
    %ge3A_406 = arith.constant 128 : i32
    %ge3A_407 = vector.broadcast %ge3A_406 : i32 to vector<1x32xi32>
    %ge3A_408 = arith.cmpi sge, %broadcast_in_dim3A_405, %ge3A_407 : vector<1x32xi32>
    %select_n3A_409 = arith.select %ge3A_408, %add3A_399, %select_n3A_386 : vector<1x32xi1>, vector<1x32xi32>
    %select_n3A_410 = arith.select %ge3A_408, %select_n3A_387, %add3A_399 : vector<1x32xi1>, vector<1x32xi32>
    %shift_right_arithmetic3A_411 = arith.constant 1 : i32
    %shift_right_arithmetic3A_412 = vector.broadcast %shift_right_arithmetic3A_411 : i32 to vector<1x32xi32>
    %shift_right_arithmetic3A_413 = arith.shrsi %select_n3A_409, %shift_right_arithmetic3A_412 : vector<1x32xi32>
    %shift_right_arithmetic3A_414 = arith.constant 1 : i32
    %shift_right_arithmetic3A_415 = vector.broadcast %shift_right_arithmetic3A_414 : i32 to vector<1x32xi32>
    %shift_right_arithmetic3A_416 = arith.shrsi %select_n3A_410, %shift_right_arithmetic3A_415 : vector<1x32xi32>
    %add3A_417 = arith.addi %shift_right_arithmetic3A_413, %shift_right_arithmetic3A_416 : vector<1x32xi32>
    %and3A_418 = arith.andi %select_n3A_409, %select_n3A_410 : vector<1x32xi32>
    %and3A_419 = arith.constant 1 : i32
    %and3A_420 = vector.broadcast %and3A_419 : i32 to vector<1x32xi32>
    %and3A_421 = arith.andi %and3A_418, %and3A_420 : vector<1x32xi32>
    %add3A_422 = arith.addi %add3A_417, %and3A_421 : vector<1x32xi32>
    %ge3A_423 = vector.broadcast %add3A_422 : vector<1x32xi32> to vector<256x32xi32>
    %ge3A_424 = arith.cmpi sge, %transpose3A, %ge3A_423 : vector<256x32xi32>
    %convert_element_type3A_425 = arith.extui %ge3A_424 : vector<256x32xi1> to vector<256x32xi32>
    %reduce_sum3A_426 = arith.constant dense<0> : vector<32xi32>
    %reduce_sum3A_427 = vector.multi_reduction <add>, %convert_element_type3A_425, %reduce_sum3A_426 [0] : vector<256x32xi32> to vector<32xi32>
    %broadcast_in_dim3A_428 = vector.shape_cast %reduce_sum3A_427 : vector<32xi32> to vector<1x32xi32>
    %ge3A_429 = arith.constant 128 : i32
    %ge3A_430 = vector.broadcast %ge3A_429 : i32 to vector<1x32xi32>
    %ge3A_431 = arith.cmpi sge, %broadcast_in_dim3A_428, %ge3A_430 : vector<1x32xi32>
    %select_n3A_432 = arith.select %ge3A_431, %add3A_422, %select_n3A_409 : vector<1x32xi1>, vector<1x32xi32>
    %select_n3A_433 = arith.select %ge3A_431, %select_n3A_410, %add3A_422 : vector<1x32xi1>, vector<1x32xi32>
    %shift_right_arithmetic3A_434 = arith.constant 1 : i32
    %shift_right_arithmetic3A_435 = vector.broadcast %shift_right_arithmetic3A_434 : i32 to vector<1x32xi32>
    %shift_right_arithmetic3A_436 = arith.shrsi %select_n3A_432, %shift_right_arithmetic3A_435 : vector<1x32xi32>
    %shift_right_arithmetic3A_437 = arith.constant 1 : i32
    %shift_right_arithmetic3A_438 = vector.broadcast %shift_right_arithmetic3A_437 : i32 to vector<1x32xi32>
    %shift_right_arithmetic3A_439 = arith.shrsi %select_n3A_433, %shift_right_arithmetic3A_438 : vector<1x32xi32>
    %add3A_440 = arith.addi %shift_right_arithmetic3A_436, %shift_right_arithmetic3A_439 : vector<1x32xi32>
    %and3A_441 = arith.andi %select_n3A_432, %select_n3A_433 : vector<1x32xi32>
    %and3A_442 = arith.constant 1 : i32
    %and3A_443 = vector.broadcast %and3A_442 : i32 to vector<1x32xi32>
    %and3A_444 = arith.andi %and3A_441, %and3A_443 : vector<1x32xi32>
    %add3A_445 = arith.addi %add3A_440, %and3A_444 : vector<1x32xi32>
    %ge3A_446 = vector.broadcast %add3A_445 : vector<1x32xi32> to vector<256x32xi32>
    %ge3A_447 = arith.cmpi sge, %transpose3A, %ge3A_446 : vector<256x32xi32>
    %convert_element_type3A_448 = arith.extui %ge3A_447 : vector<256x32xi1> to vector<256x32xi32>
    %reduce_sum3A_449 = arith.constant dense<0> : vector<32xi32>
    %reduce_sum3A_450 = vector.multi_reduction <add>, %convert_element_type3A_448, %reduce_sum3A_449 [0] : vector<256x32xi32> to vector<32xi32>
    %broadcast_in_dim3A_451 = vector.shape_cast %reduce_sum3A_450 : vector<32xi32> to vector<1x32xi32>
    %ge3A_452 = arith.constant 128 : i32
    %ge3A_453 = vector.broadcast %ge3A_452 : i32 to vector<1x32xi32>
    %ge3A_454 = arith.cmpi sge, %broadcast_in_dim3A_451, %ge3A_453 : vector<1x32xi32>
    %select_n3A_455 = arith.select %ge3A_454, %add3A_445, %select_n3A_432 : vector<1x32xi1>, vector<1x32xi32>
    %select_n3A_456 = arith.select %ge3A_454, %select_n3A_433, %add3A_445 : vector<1x32xi1>, vector<1x32xi32>
    %shift_right_arithmetic3A_457 = arith.constant 1 : i32
    %shift_right_arithmetic3A_458 = vector.broadcast %shift_right_arithmetic3A_457 : i32 to vector<1x32xi32>
    %shift_right_arithmetic3A_459 = arith.shrsi %select_n3A_455, %shift_right_arithmetic3A_458 : vector<1x32xi32>
    %shift_right_arithmetic3A_460 = arith.constant 1 : i32
    %shift_right_arithmetic3A_461 = vector.broadcast %shift_right_arithmetic3A_460 : i32 to vector<1x32xi32>
    %shift_right_arithmetic3A_462 = arith.shrsi %select_n3A_456, %shift_right_arithmetic3A_461 : vector<1x32xi32>
    %add3A_463 = arith.addi %shift_right_arithmetic3A_459, %shift_right_arithmetic3A_462 : vector<1x32xi32>
    %and3A_464 = arith.andi %select_n3A_455, %select_n3A_456 : vector<1x32xi32>
    %and3A_465 = arith.constant 1 : i32
    %and3A_466 = vector.broadcast %and3A_465 : i32 to vector<1x32xi32>
    %and3A_467 = arith.andi %and3A_464, %and3A_466 : vector<1x32xi32>
    %add3A_468 = arith.addi %add3A_463, %and3A_467 : vector<1x32xi32>
    %ge3A_469 = vector.broadcast %add3A_468 : vector<1x32xi32> to vector<256x32xi32>
    %ge3A_470 = arith.cmpi sge, %transpose3A, %ge3A_469 : vector<256x32xi32>
    %convert_element_type3A_471 = arith.extui %ge3A_470 : vector<256x32xi1> to vector<256x32xi32>
    %reduce_sum3A_472 = arith.constant dense<0> : vector<32xi32>
    %reduce_sum3A_473 = vector.multi_reduction <add>, %convert_element_type3A_471, %reduce_sum3A_472 [0] : vector<256x32xi32> to vector<32xi32>
    %broadcast_in_dim3A_474 = vector.shape_cast %reduce_sum3A_473 : vector<32xi32> to vector<1x32xi32>
    %ge3A_475 = arith.constant 128 : i32
    %ge3A_476 = vector.broadcast %ge3A_475 : i32 to vector<1x32xi32>
    %ge3A_477 = arith.cmpi sge, %broadcast_in_dim3A_474, %ge3A_476 : vector<1x32xi32>
    %select_n3A_478 = arith.select %ge3A_477, %add3A_468, %select_n3A_455 : vector<1x32xi1>, vector<1x32xi32>
    %select_n3A_479 = arith.select %ge3A_477, %select_n3A_456, %add3A_468 : vector<1x32xi1>, vector<1x32xi32>
    %shift_right_arithmetic3A_480 = arith.constant 1 : i32
    %shift_right_arithmetic3A_481 = vector.broadcast %shift_right_arithmetic3A_480 : i32 to vector<1x32xi32>
    %shift_right_arithmetic3A_482 = arith.shrsi %select_n3A_478, %shift_right_arithmetic3A_481 : vector<1x32xi32>
    %shift_right_arithmetic3A_483 = arith.constant 1 : i32
    %shift_right_arithmetic3A_484 = vector.broadcast %shift_right_arithmetic3A_483 : i32 to vector<1x32xi32>
    %shift_right_arithmetic3A_485 = arith.shrsi %select_n3A_479, %shift_right_arithmetic3A_484 : vector<1x32xi32>
    %add3A_486 = arith.addi %shift_right_arithmetic3A_482, %shift_right_arithmetic3A_485 : vector<1x32xi32>
    %and3A_487 = arith.andi %select_n3A_478, %select_n3A_479 : vector<1x32xi32>
    %and3A_488 = arith.constant 1 : i32
    %and3A_489 = vector.broadcast %and3A_488 : i32 to vector<1x32xi32>
    %and3A_490 = arith.andi %and3A_487, %and3A_489 : vector<1x32xi32>
    %add3A_491 = arith.addi %add3A_486, %and3A_490 : vector<1x32xi32>
    %ge3A_492 = vector.broadcast %add3A_491 : vector<1x32xi32> to vector<256x32xi32>
    %ge3A_493 = arith.cmpi sge, %transpose3A, %ge3A_492 : vector<256x32xi32>
    %convert_element_type3A_494 = arith.extui %ge3A_493 : vector<256x32xi1> to vector<256x32xi32>
    %reduce_sum3A_495 = arith.constant dense<0> : vector<32xi32>
    %reduce_sum3A_496 = vector.multi_reduction <add>, %convert_element_type3A_494, %reduce_sum3A_495 [0] : vector<256x32xi32> to vector<32xi32>
    %broadcast_in_dim3A_497 = vector.shape_cast %reduce_sum3A_496 : vector<32xi32> to vector<1x32xi32>
    %ge3A_498 = arith.constant 128 : i32
    %ge3A_499 = vector.broadcast %ge3A_498 : i32 to vector<1x32xi32>
    %ge3A_500 = arith.cmpi sge, %broadcast_in_dim3A_497, %ge3A_499 : vector<1x32xi32>
    %select_n3A_501 = arith.select %ge3A_500, %add3A_491, %select_n3A_478 : vector<1x32xi1>, vector<1x32xi32>
    %select_n3A_502 = arith.select %ge3A_500, %select_n3A_479, %add3A_491 : vector<1x32xi1>, vector<1x32xi32>
    %shift_right_arithmetic3A_503 = arith.constant 1 : i32
    %shift_right_arithmetic3A_504 = vector.broadcast %shift_right_arithmetic3A_503 : i32 to vector<1x32xi32>
    %shift_right_arithmetic3A_505 = arith.shrsi %select_n3A_501, %shift_right_arithmetic3A_504 : vector<1x32xi32>
    %shift_right_arithmetic3A_506 = arith.constant 1 : i32
    %shift_right_arithmetic3A_507 = vector.broadcast %shift_right_arithmetic3A_506 : i32 to vector<1x32xi32>
    %shift_right_arithmetic3A_508 = arith.shrsi %select_n3A_502, %shift_right_arithmetic3A_507 : vector<1x32xi32>
    %add3A_509 = arith.addi %shift_right_arithmetic3A_505, %shift_right_arithmetic3A_508 : vector<1x32xi32>
    %and3A_510 = arith.andi %select_n3A_501, %select_n3A_502 : vector<1x32xi32>
    %and3A_511 = arith.constant 1 : i32
    %and3A_512 = vector.broadcast %and3A_511 : i32 to vector<1x32xi32>
    %and3A_513 = arith.andi %and3A_510, %and3A_512 : vector<1x32xi32>
    %add3A_514 = arith.addi %add3A_509, %and3A_513 : vector<1x32xi32>
    %ge3A_515 = vector.broadcast %add3A_514 : vector<1x32xi32> to vector<256x32xi32>
    %ge3A_516 = arith.cmpi sge, %transpose3A, %ge3A_515 : vector<256x32xi32>
    %convert_element_type3A_517 = arith.extui %ge3A_516 : vector<256x32xi1> to vector<256x32xi32>
    %reduce_sum3A_518 = arith.constant dense<0> : vector<32xi32>
    %reduce_sum3A_519 = vector.multi_reduction <add>, %convert_element_type3A_517, %reduce_sum3A_518 [0] : vector<256x32xi32> to vector<32xi32>
    %broadcast_in_dim3A_520 = vector.shape_cast %reduce_sum3A_519 : vector<32xi32> to vector<1x32xi32>
    %ge3A_521 = arith.constant 128 : i32
    %ge3A_522 = vector.broadcast %ge3A_521 : i32 to vector<1x32xi32>
    %ge3A_523 = arith.cmpi sge, %broadcast_in_dim3A_520, %ge3A_522 : vector<1x32xi32>
    %select_n3A_524 = arith.select %ge3A_523, %add3A_514, %select_n3A_501 : vector<1x32xi1>, vector<1x32xi32>
    %select_n3A_525 = arith.select %ge3A_523, %select_n3A_502, %add3A_514 : vector<1x32xi1>, vector<1x32xi32>
    %shift_right_arithmetic3A_526 = arith.constant 1 : i32
    %shift_right_arithmetic3A_527 = vector.broadcast %shift_right_arithmetic3A_526 : i32 to vector<1x32xi32>
    %shift_right_arithmetic3A_528 = arith.shrsi %select_n3A_524, %shift_right_arithmetic3A_527 : vector<1x32xi32>
    %shift_right_arithmetic3A_529 = arith.constant 1 : i32
    %shift_right_arithmetic3A_530 = vector.broadcast %shift_right_arithmetic3A_529 : i32 to vector<1x32xi32>
    %shift_right_arithmetic3A_531 = arith.shrsi %select_n3A_525, %shift_right_arithmetic3A_530 : vector<1x32xi32>
    %add3A_532 = arith.addi %shift_right_arithmetic3A_528, %shift_right_arithmetic3A_531 : vector<1x32xi32>
    %and3A_533 = arith.andi %select_n3A_524, %select_n3A_525 : vector<1x32xi32>
    %and3A_534 = arith.constant 1 : i32
    %and3A_535 = vector.broadcast %and3A_534 : i32 to vector<1x32xi32>
    %and3A_536 = arith.andi %and3A_533, %and3A_535 : vector<1x32xi32>
    %add3A_537 = arith.addi %add3A_532, %and3A_536 : vector<1x32xi32>
    %ge3A_538 = vector.broadcast %add3A_537 : vector<1x32xi32> to vector<256x32xi32>
    %ge3A_539 = arith.cmpi sge, %transpose3A, %ge3A_538 : vector<256x32xi32>
    %convert_element_type3A_540 = arith.extui %ge3A_539 : vector<256x32xi1> to vector<256x32xi32>
    %reduce_sum3A_541 = arith.constant dense<0> : vector<32xi32>
    %reduce_sum3A_542 = vector.multi_reduction <add>, %convert_element_type3A_540, %reduce_sum3A_541 [0] : vector<256x32xi32> to vector<32xi32>
    %broadcast_in_dim3A_543 = vector.shape_cast %reduce_sum3A_542 : vector<32xi32> to vector<1x32xi32>
    %ge3A_544 = arith.constant 128 : i32
    %ge3A_545 = vector.broadcast %ge3A_544 : i32 to vector<1x32xi32>
    %ge3A_546 = arith.cmpi sge, %broadcast_in_dim3A_543, %ge3A_545 : vector<1x32xi32>
    %select_n3A_547 = arith.select %ge3A_546, %add3A_537, %select_n3A_524 : vector<1x32xi1>, vector<1x32xi32>
    %select_n3A_548 = arith.select %ge3A_546, %select_n3A_525, %add3A_537 : vector<1x32xi1>, vector<1x32xi32>
    %shift_right_arithmetic3A_549 = arith.constant 1 : i32
    %shift_right_arithmetic3A_550 = vector.broadcast %shift_right_arithmetic3A_549 : i32 to vector<1x32xi32>
    %shift_right_arithmetic3A_551 = arith.shrsi %select_n3A_547, %shift_right_arithmetic3A_550 : vector<1x32xi32>
    %shift_right_arithmetic3A_552 = arith.constant 1 : i32
    %shift_right_arithmetic3A_553 = vector.broadcast %shift_right_arithmetic3A_552 : i32 to vector<1x32xi32>
    %shift_right_arithmetic3A_554 = arith.shrsi %select_n3A_548, %shift_right_arithmetic3A_553 : vector<1x32xi32>
    %add3A_555 = arith.addi %shift_right_arithmetic3A_551, %shift_right_arithmetic3A_554 : vector<1x32xi32>
    %and3A_556 = arith.andi %select_n3A_547, %select_n3A_548 : vector<1x32xi32>
    %and3A_557 = arith.constant 1 : i32
    %and3A_558 = vector.broadcast %and3A_557 : i32 to vector<1x32xi32>
    %and3A_559 = arith.andi %and3A_556, %and3A_558 : vector<1x32xi32>
    %add3A_560 = arith.addi %add3A_555, %and3A_559 : vector<1x32xi32>
    %ge3A_561 = vector.broadcast %add3A_560 : vector<1x32xi32> to vector<256x32xi32>
    %ge3A_562 = arith.cmpi sge, %transpose3A, %ge3A_561 : vector<256x32xi32>
    %convert_element_type3A_563 = arith.extui %ge3A_562 : vector<256x32xi1> to vector<256x32xi32>
    %reduce_sum3A_564 = arith.constant dense<0> : vector<32xi32>
    %reduce_sum3A_565 = vector.multi_reduction <add>, %convert_element_type3A_563, %reduce_sum3A_564 [0] : vector<256x32xi32> to vector<32xi32>
    %broadcast_in_dim3A_566 = vector.shape_cast %reduce_sum3A_565 : vector<32xi32> to vector<1x32xi32>
    %ge3A_567 = arith.constant 128 : i32
    %ge3A_568 = vector.broadcast %ge3A_567 : i32 to vector<1x32xi32>
    %ge3A_569 = arith.cmpi sge, %broadcast_in_dim3A_566, %ge3A_568 : vector<1x32xi32>
    %select_n3A_570 = arith.select %ge3A_569, %add3A_560, %select_n3A_547 : vector<1x32xi1>, vector<1x32xi32>
    %select_n3A_571 = arith.select %ge3A_569, %select_n3A_548, %add3A_560 : vector<1x32xi1>, vector<1x32xi32>
    %shift_right_arithmetic3A_572 = arith.constant 1 : i32
    %shift_right_arithmetic3A_573 = vector.broadcast %shift_right_arithmetic3A_572 : i32 to vector<1x32xi32>
    %shift_right_arithmetic3A_574 = arith.shrsi %select_n3A_570, %shift_right_arithmetic3A_573 : vector<1x32xi32>
    %shift_right_arithmetic3A_575 = arith.constant 1 : i32
    %shift_right_arithmetic3A_576 = vector.broadcast %shift_right_arithmetic3A_575 : i32 to vector<1x32xi32>
    %shift_right_arithmetic3A_577 = arith.shrsi %select_n3A_571, %shift_right_arithmetic3A_576 : vector<1x32xi32>
    %add3A_578 = arith.addi %shift_right_arithmetic3A_574, %shift_right_arithmetic3A_577 : vector<1x32xi32>
    %and3A_579 = arith.andi %select_n3A_570, %select_n3A_571 : vector<1x32xi32>
    %and3A_580 = arith.constant 1 : i32
    %and3A_581 = vector.broadcast %and3A_580 : i32 to vector<1x32xi32>
    %and3A_582 = arith.andi %and3A_579, %and3A_581 : vector<1x32xi32>
    %add3A_583 = arith.addi %add3A_578, %and3A_582 : vector<1x32xi32>
    %ge3A_584 = vector.broadcast %add3A_583 : vector<1x32xi32> to vector<256x32xi32>
    %ge3A_585 = arith.cmpi sge, %transpose3A, %ge3A_584 : vector<256x32xi32>
    %convert_element_type3A_586 = arith.extui %ge3A_585 : vector<256x32xi1> to vector<256x32xi32>
    %reduce_sum3A_587 = arith.constant dense<0> : vector<32xi32>
    %reduce_sum3A_588 = vector.multi_reduction <add>, %convert_element_type3A_586, %reduce_sum3A_587 [0] : vector<256x32xi32> to vector<32xi32>
    %broadcast_in_dim3A_589 = vector.shape_cast %reduce_sum3A_588 : vector<32xi32> to vector<1x32xi32>
    %ge3A_590 = arith.constant 128 : i32
    %ge3A_591 = vector.broadcast %ge3A_590 : i32 to vector<1x32xi32>
    %ge3A_592 = arith.cmpi sge, %broadcast_in_dim3A_589, %ge3A_591 : vector<1x32xi32>
    %select_n3A_593 = arith.select %ge3A_592, %add3A_583, %select_n3A_570 : vector<1x32xi1>, vector<1x32xi32>
    %select_n3A_594 = arith.select %ge3A_592, %select_n3A_571, %add3A_583 : vector<1x32xi1>, vector<1x32xi32>
    %shift_right_arithmetic3A_595 = arith.constant 1 : i32
    %shift_right_arithmetic3A_596 = vector.broadcast %shift_right_arithmetic3A_595 : i32 to vector<1x32xi32>
    %shift_right_arithmetic3A_597 = arith.shrsi %select_n3A_593, %shift_right_arithmetic3A_596 : vector<1x32xi32>
    %shift_right_arithmetic3A_598 = arith.constant 1 : i32
    %shift_right_arithmetic3A_599 = vector.broadcast %shift_right_arithmetic3A_598 : i32 to vector<1x32xi32>
    %shift_right_arithmetic3A_600 = arith.shrsi %select_n3A_594, %shift_right_arithmetic3A_599 : vector<1x32xi32>
    %add3A_601 = arith.addi %shift_right_arithmetic3A_597, %shift_right_arithmetic3A_600 : vector<1x32xi32>
    %and3A_602 = arith.andi %select_n3A_593, %select_n3A_594 : vector<1x32xi32>
    %and3A_603 = arith.constant 1 : i32
    %and3A_604 = vector.broadcast %and3A_603 : i32 to vector<1x32xi32>
    %and3A_605 = arith.andi %and3A_602, %and3A_604 : vector<1x32xi32>
    %add3A_606 = arith.addi %add3A_601, %and3A_605 : vector<1x32xi32>
    %ge3A_607 = vector.broadcast %add3A_606 : vector<1x32xi32> to vector<256x32xi32>
    %ge3A_608 = arith.cmpi sge, %transpose3A, %ge3A_607 : vector<256x32xi32>
    %convert_element_type3A_609 = arith.extui %ge3A_608 : vector<256x32xi1> to vector<256x32xi32>
    %reduce_sum3A_610 = arith.constant dense<0> : vector<32xi32>
    %reduce_sum3A_611 = vector.multi_reduction <add>, %convert_element_type3A_609, %reduce_sum3A_610 [0] : vector<256x32xi32> to vector<32xi32>
    %broadcast_in_dim3A_612 = vector.shape_cast %reduce_sum3A_611 : vector<32xi32> to vector<1x32xi32>
    %ge3A_613 = arith.constant 128 : i32
    %ge3A_614 = vector.broadcast %ge3A_613 : i32 to vector<1x32xi32>
    %ge3A_615 = arith.cmpi sge, %broadcast_in_dim3A_612, %ge3A_614 : vector<1x32xi32>
    %select_n3A_616 = arith.select %ge3A_615, %add3A_606, %select_n3A_593 : vector<1x32xi1>, vector<1x32xi32>
    %select_n3A_617 = arith.select %ge3A_615, %select_n3A_594, %add3A_606 : vector<1x32xi1>, vector<1x32xi32>
    %shift_right_arithmetic3A_618 = arith.constant 1 : i32
    %shift_right_arithmetic3A_619 = vector.broadcast %shift_right_arithmetic3A_618 : i32 to vector<1x32xi32>
    %shift_right_arithmetic3A_620 = arith.shrsi %select_n3A_616, %shift_right_arithmetic3A_619 : vector<1x32xi32>
    %shift_right_arithmetic3A_621 = arith.constant 1 : i32
    %shift_right_arithmetic3A_622 = vector.broadcast %shift_right_arithmetic3A_621 : i32 to vector<1x32xi32>
    %shift_right_arithmetic3A_623 = arith.shrsi %select_n3A_617, %shift_right_arithmetic3A_622 : vector<1x32xi32>
    %add3A_624 = arith.addi %shift_right_arithmetic3A_620, %shift_right_arithmetic3A_623 : vector<1x32xi32>
    %and3A_625 = arith.andi %select_n3A_616, %select_n3A_617 : vector<1x32xi32>
    %and3A_626 = arith.constant 1 : i32
    %and3A_627 = vector.broadcast %and3A_626 : i32 to vector<1x32xi32>
    %and3A_628 = arith.andi %and3A_625, %and3A_627 : vector<1x32xi32>
    %add3A_629 = arith.addi %add3A_624, %and3A_628 : vector<1x32xi32>
    %ge3A_630 = vector.broadcast %add3A_629 : vector<1x32xi32> to vector<256x32xi32>
    %ge3A_631 = arith.cmpi sge, %transpose3A, %ge3A_630 : vector<256x32xi32>
    %convert_element_type3A_632 = arith.extui %ge3A_631 : vector<256x32xi1> to vector<256x32xi32>
    %reduce_sum3A_633 = arith.constant dense<0> : vector<32xi32>
    %reduce_sum3A_634 = vector.multi_reduction <add>, %convert_element_type3A_632, %reduce_sum3A_633 [0] : vector<256x32xi32> to vector<32xi32>
    %broadcast_in_dim3A_635 = vector.shape_cast %reduce_sum3A_634 : vector<32xi32> to vector<1x32xi32>
    %ge3A_636 = arith.constant 128 : i32
    %ge3A_637 = vector.broadcast %ge3A_636 : i32 to vector<1x32xi32>
    %ge3A_638 = arith.cmpi sge, %broadcast_in_dim3A_635, %ge3A_637 : vector<1x32xi32>
    %select_n3A_639 = arith.select %ge3A_638, %add3A_629, %select_n3A_616 : vector<1x32xi1>, vector<1x32xi32>
    %select_n3A_640 = arith.select %ge3A_638, %select_n3A_617, %add3A_629 : vector<1x32xi1>, vector<1x32xi32>
    %shift_right_arithmetic3A_641 = arith.constant 1 : i32
    %shift_right_arithmetic3A_642 = vector.broadcast %shift_right_arithmetic3A_641 : i32 to vector<1x32xi32>
    %shift_right_arithmetic3A_643 = arith.shrsi %select_n3A_639, %shift_right_arithmetic3A_642 : vector<1x32xi32>
    %shift_right_arithmetic3A_644 = arith.constant 1 : i32
    %shift_right_arithmetic3A_645 = vector.broadcast %shift_right_arithmetic3A_644 : i32 to vector<1x32xi32>
    %shift_right_arithmetic3A_646 = arith.shrsi %select_n3A_640, %shift_right_arithmetic3A_645 : vector<1x32xi32>
    %add3A_647 = arith.addi %shift_right_arithmetic3A_643, %shift_right_arithmetic3A_646 : vector<1x32xi32>
    %and3A_648 = arith.andi %select_n3A_639, %select_n3A_640 : vector<1x32xi32>
    %and3A_649 = arith.constant 1 : i32
    %and3A_650 = vector.broadcast %and3A_649 : i32 to vector<1x32xi32>
    %and3A_651 = arith.andi %and3A_648, %and3A_650 : vector<1x32xi32>
    %add3A_652 = arith.addi %add3A_647, %and3A_651 : vector<1x32xi32>
    %ge3A_653 = vector.broadcast %add3A_652 : vector<1x32xi32> to vector<256x32xi32>
    %ge3A_654 = arith.cmpi sge, %transpose3A, %ge3A_653 : vector<256x32xi32>
    %convert_element_type3A_655 = arith.extui %ge3A_654 : vector<256x32xi1> to vector<256x32xi32>
    %reduce_sum3A_656 = arith.constant dense<0> : vector<32xi32>
    %reduce_sum3A_657 = vector.multi_reduction <add>, %convert_element_type3A_655, %reduce_sum3A_656 [0] : vector<256x32xi32> to vector<32xi32>
    %broadcast_in_dim3A_658 = vector.shape_cast %reduce_sum3A_657 : vector<32xi32> to vector<1x32xi32>
    %ge3A_659 = arith.constant 128 : i32
    %ge3A_660 = vector.broadcast %ge3A_659 : i32 to vector<1x32xi32>
    %ge3A_661 = arith.cmpi sge, %broadcast_in_dim3A_658, %ge3A_660 : vector<1x32xi32>
    %select_n3A_662 = arith.select %ge3A_661, %add3A_652, %select_n3A_639 : vector<1x32xi1>, vector<1x32xi32>
    %select_n3A_663 = arith.select %ge3A_661, %select_n3A_640, %add3A_652 : vector<1x32xi1>, vector<1x32xi32>
    %shift_right_arithmetic3A_664 = arith.constant 1 : i32
    %shift_right_arithmetic3A_665 = vector.broadcast %shift_right_arithmetic3A_664 : i32 to vector<1x32xi32>
    %shift_right_arithmetic3A_666 = arith.shrsi %select_n3A_662, %shift_right_arithmetic3A_665 : vector<1x32xi32>
    %shift_right_arithmetic3A_667 = arith.constant 1 : i32
    %shift_right_arithmetic3A_668 = vector.broadcast %shift_right_arithmetic3A_667 : i32 to vector<1x32xi32>
    %shift_right_arithmetic3A_669 = arith.shrsi %select_n3A_663, %shift_right_arithmetic3A_668 : vector<1x32xi32>
    %add3A_670 = arith.addi %shift_right_arithmetic3A_666, %shift_right_arithmetic3A_669 : vector<1x32xi32>
    %and3A_671 = arith.andi %select_n3A_662, %select_n3A_663 : vector<1x32xi32>
    %and3A_672 = arith.constant 1 : i32
    %and3A_673 = vector.broadcast %and3A_672 : i32 to vector<1x32xi32>
    %and3A_674 = arith.andi %and3A_671, %and3A_673 : vector<1x32xi32>
    %add3A_675 = arith.addi %add3A_670, %and3A_674 : vector<1x32xi32>
    %ge3A_676 = vector.broadcast %add3A_675 : vector<1x32xi32> to vector<256x32xi32>
    %ge3A_677 = arith.cmpi sge, %transpose3A, %ge3A_676 : vector<256x32xi32>
    %convert_element_type3A_678 = arith.extui %ge3A_677 : vector<256x32xi1> to vector<256x32xi32>
    %reduce_sum3A_679 = arith.constant dense<0> : vector<32xi32>
    %reduce_sum3A_680 = vector.multi_reduction <add>, %convert_element_type3A_678, %reduce_sum3A_679 [0] : vector<256x32xi32> to vector<32xi32>
    %broadcast_in_dim3A_681 = vector.shape_cast %reduce_sum3A_680 : vector<32xi32> to vector<1x32xi32>
    %ge3A_682 = arith.constant 128 : i32
    %ge3A_683 = vector.broadcast %ge3A_682 : i32 to vector<1x32xi32>
    %ge3A_684 = arith.cmpi sge, %broadcast_in_dim3A_681, %ge3A_683 : vector<1x32xi32>
    %select_n3A_685 = arith.select %ge3A_684, %add3A_675, %select_n3A_662 : vector<1x32xi1>, vector<1x32xi32>
    %select_n3A_686 = arith.select %ge3A_684, %select_n3A_663, %add3A_675 : vector<1x32xi1>, vector<1x32xi32>
    %shift_right_arithmetic3A_687 = arith.constant 1 : i32
    %shift_right_arithmetic3A_688 = vector.broadcast %shift_right_arithmetic3A_687 : i32 to vector<1x32xi32>
    %shift_right_arithmetic3A_689 = arith.shrsi %select_n3A_685, %shift_right_arithmetic3A_688 : vector<1x32xi32>
    %shift_right_arithmetic3A_690 = arith.constant 1 : i32
    %shift_right_arithmetic3A_691 = vector.broadcast %shift_right_arithmetic3A_690 : i32 to vector<1x32xi32>
    %shift_right_arithmetic3A_692 = arith.shrsi %select_n3A_686, %shift_right_arithmetic3A_691 : vector<1x32xi32>
    %add3A_693 = arith.addi %shift_right_arithmetic3A_689, %shift_right_arithmetic3A_692 : vector<1x32xi32>
    %and3A_694 = arith.andi %select_n3A_685, %select_n3A_686 : vector<1x32xi32>
    %and3A_695 = arith.constant 1 : i32
    %and3A_696 = vector.broadcast %and3A_695 : i32 to vector<1x32xi32>
    %and3A_697 = arith.andi %and3A_694, %and3A_696 : vector<1x32xi32>
    %add3A_698 = arith.addi %add3A_693, %and3A_697 : vector<1x32xi32>
    %ge3A_699 = vector.broadcast %add3A_698 : vector<1x32xi32> to vector<256x32xi32>
    %ge3A_700 = arith.cmpi sge, %transpose3A, %ge3A_699 : vector<256x32xi32>
    %convert_element_type3A_701 = arith.extui %ge3A_700 : vector<256x32xi1> to vector<256x32xi32>
    %reduce_sum3A_702 = arith.constant dense<0> : vector<32xi32>
    %reduce_sum3A_703 = vector.multi_reduction <add>, %convert_element_type3A_701, %reduce_sum3A_702 [0] : vector<256x32xi32> to vector<32xi32>
    %broadcast_in_dim3A_704 = vector.shape_cast %reduce_sum3A_703 : vector<32xi32> to vector<1x32xi32>
    %ge3A_705 = arith.constant 128 : i32
    %ge3A_706 = vector.broadcast %ge3A_705 : i32 to vector<1x32xi32>
    %ge3A_707 = arith.cmpi sge, %broadcast_in_dim3A_704, %ge3A_706 : vector<1x32xi32>
    %select_n3A_708 = arith.select %ge3A_707, %add3A_698, %select_n3A_685 : vector<1x32xi1>, vector<1x32xi32>
    %select_n3A_709 = arith.select %ge3A_707, %select_n3A_686, %add3A_698 : vector<1x32xi1>, vector<1x32xi32>
    %shift_right_arithmetic3A_710 = arith.constant 1 : i32
    %shift_right_arithmetic3A_711 = vector.broadcast %shift_right_arithmetic3A_710 : i32 to vector<1x32xi32>
    %shift_right_arithmetic3A_712 = arith.shrsi %select_n3A_708, %shift_right_arithmetic3A_711 : vector<1x32xi32>
    %shift_right_arithmetic3A_713 = arith.constant 1 : i32
    %shift_right_arithmetic3A_714 = vector.broadcast %shift_right_arithmetic3A_713 : i32 to vector<1x32xi32>
    %shift_right_arithmetic3A_715 = arith.shrsi %select_n3A_709, %shift_right_arithmetic3A_714 : vector<1x32xi32>
    %add3A_716 = arith.addi %shift_right_arithmetic3A_712, %shift_right_arithmetic3A_715 : vector<1x32xi32>
    %and3A_717 = arith.andi %select_n3A_708, %select_n3A_709 : vector<1x32xi32>
    %and3A_718 = arith.constant 1 : i32
    %and3A_719 = vector.broadcast %and3A_718 : i32 to vector<1x32xi32>
    %and3A_720 = arith.andi %and3A_717, %and3A_719 : vector<1x32xi32>
    %add3A_721 = arith.addi %add3A_716, %and3A_720 : vector<1x32xi32>
    %ge3A_722 = vector.broadcast %add3A_721 : vector<1x32xi32> to vector<256x32xi32>
    %ge3A_723 = arith.cmpi sge, %transpose3A, %ge3A_722 : vector<256x32xi32>
    %convert_element_type3A_724 = arith.extui %ge3A_723 : vector<256x32xi1> to vector<256x32xi32>
    %reduce_sum3A_725 = arith.constant dense<0> : vector<32xi32>
    %reduce_sum3A_726 = vector.multi_reduction <add>, %convert_element_type3A_724, %reduce_sum3A_725 [0] : vector<256x32xi32> to vector<32xi32>
    %broadcast_in_dim3A_727 = vector.shape_cast %reduce_sum3A_726 : vector<32xi32> to vector<1x32xi32>
    %ge3A_728 = arith.constant 128 : i32
    %ge3A_729 = vector.broadcast %ge3A_728 : i32 to vector<1x32xi32>
    %ge3A_730 = arith.cmpi sge, %broadcast_in_dim3A_727, %ge3A_729 : vector<1x32xi32>
    %select_n3A_731 = arith.select %ge3A_730, %add3A_721, %select_n3A_708 : vector<1x32xi1>, vector<1x32xi32>
    %select_n3A_732 = arith.select %ge3A_730, %select_n3A_709, %add3A_721 : vector<1x32xi1>, vector<1x32xi32>
    %shift_right_arithmetic3A_733 = arith.constant 1 : i32
    %shift_right_arithmetic3A_734 = vector.broadcast %shift_right_arithmetic3A_733 : i32 to vector<1x32xi32>
    %shift_right_arithmetic3A_735 = arith.shrsi %select_n3A_731, %shift_right_arithmetic3A_734 : vector<1x32xi32>
    %shift_right_arithmetic3A_736 = arith.constant 1 : i32
    %shift_right_arithmetic3A_737 = vector.broadcast %shift_right_arithmetic3A_736 : i32 to vector<1x32xi32>
    %shift_right_arithmetic3A_738 = arith.shrsi %select_n3A_732, %shift_right_arithmetic3A_737 : vector<1x32xi32>
    %add3A_739 = arith.addi %shift_right_arithmetic3A_735, %shift_right_arithmetic3A_738 : vector<1x32xi32>
    %and3A_740 = arith.andi %select_n3A_731, %select_n3A_732 : vector<1x32xi32>
    %and3A_741 = arith.constant 1 : i32
    %and3A_742 = vector.broadcast %and3A_741 : i32 to vector<1x32xi32>
    %and3A_743 = arith.andi %and3A_740, %and3A_742 : vector<1x32xi32>
    %add3A_744 = arith.addi %add3A_739, %and3A_743 : vector<1x32xi32>
    %ge3A_745 = vector.broadcast %add3A_744 : vector<1x32xi32> to vector<256x32xi32>
    %ge3A_746 = arith.cmpi sge, %transpose3A, %ge3A_745 : vector<256x32xi32>
    %convert_element_type3A_747 = arith.extui %ge3A_746 : vector<256x32xi1> to vector<256x32xi32>
    %reduce_sum3A_748 = arith.constant dense<0> : vector<32xi32>
    %reduce_sum3A_749 = vector.multi_reduction <add>, %convert_element_type3A_747, %reduce_sum3A_748 [0] : vector<256x32xi32> to vector<32xi32>
    %broadcast_in_dim3A_750 = vector.shape_cast %reduce_sum3A_749 : vector<32xi32> to vector<1x32xi32>
    %ge3A_751 = arith.constant 128 : i32
    %ge3A_752 = vector.broadcast %ge3A_751 : i32 to vector<1x32xi32>
    %ge3A_753 = arith.cmpi sge, %broadcast_in_dim3A_750, %ge3A_752 : vector<1x32xi32>
    %select_n3A_754 = arith.select %ge3A_753, %add3A_744, %select_n3A_731 : vector<1x32xi1>, vector<1x32xi32>
    %select_n3A_755 = arith.select %ge3A_753, %select_n3A_732, %add3A_744 : vector<1x32xi1>, vector<1x32xi32>
    %shift_right_arithmetic3A_756 = arith.constant 1 : i32
    %shift_right_arithmetic3A_757 = vector.broadcast %shift_right_arithmetic3A_756 : i32 to vector<1x32xi32>
    %shift_right_arithmetic3A_758 = arith.shrsi %select_n3A_754, %shift_right_arithmetic3A_757 : vector<1x32xi32>
    %shift_right_arithmetic3A_759 = arith.constant 1 : i32
    %shift_right_arithmetic3A_760 = vector.broadcast %shift_right_arithmetic3A_759 : i32 to vector<1x32xi32>
    %shift_right_arithmetic3A_761 = arith.shrsi %select_n3A_755, %shift_right_arithmetic3A_760 : vector<1x32xi32>
    %add3A_762 = arith.addi %shift_right_arithmetic3A_758, %shift_right_arithmetic3A_761 : vector<1x32xi32>
    %and3A_763 = arith.andi %select_n3A_754, %select_n3A_755 : vector<1x32xi32>
    %and3A_764 = arith.constant 1 : i32
    %and3A_765 = vector.broadcast %and3A_764 : i32 to vector<1x32xi32>
    %and3A_766 = arith.andi %and3A_763, %and3A_765 : vector<1x32xi32>
    %add3A_767 = arith.addi %add3A_762, %and3A_766 : vector<1x32xi32>
    %ge3A_768 = vector.broadcast %add3A_767 : vector<1x32xi32> to vector<256x32xi32>
    %ge3A_769 = arith.cmpi sge, %transpose3A, %ge3A_768 : vector<256x32xi32>
    %convert_element_type3A_770 = arith.extui %ge3A_769 : vector<256x32xi1> to vector<256x32xi32>
    %reduce_sum3A_771 = arith.constant dense<0> : vector<32xi32>
    %reduce_sum3A_772 = vector.multi_reduction <add>, %convert_element_type3A_770, %reduce_sum3A_771 [0] : vector<256x32xi32> to vector<32xi32>
    %broadcast_in_dim3A_773 = vector.shape_cast %reduce_sum3A_772 : vector<32xi32> to vector<1x32xi32>
    %ge3A_774 = arith.constant 128 : i32
    %ge3A_775 = vector.broadcast %ge3A_774 : i32 to vector<1x32xi32>
    %ge3A_776 = arith.cmpi sge, %broadcast_in_dim3A_773, %ge3A_775 : vector<1x32xi32>
    %select_n3A_777 = arith.select %ge3A_776, %add3A_767, %select_n3A_754 : vector<1x32xi1>, vector<1x32xi32>
    %select_n3A_778 = arith.select %ge3A_776, %select_n3A_755, %add3A_767 : vector<1x32xi1>, vector<1x32xi32>
    %shift_right_arithmetic3A_779 = arith.constant 1 : i32
    %shift_right_arithmetic3A_780 = vector.broadcast %shift_right_arithmetic3A_779 : i32 to vector<1x32xi32>
    %shift_right_arithmetic3A_781 = arith.shrsi %select_n3A_777, %shift_right_arithmetic3A_780 : vector<1x32xi32>
    %shift_right_arithmetic3A_782 = arith.constant 1 : i32
    %shift_right_arithmetic3A_783 = vector.broadcast %shift_right_arithmetic3A_782 : i32 to vector<1x32xi32>
    %shift_right_arithmetic3A_784 = arith.shrsi %select_n3A_778, %shift_right_arithmetic3A_783 : vector<1x32xi32>
    %add3A_785 = arith.addi %shift_right_arithmetic3A_781, %shift_right_arithmetic3A_784 : vector<1x32xi32>
    %and3A_786 = arith.andi %select_n3A_777, %select_n3A_778 : vector<1x32xi32>
    %and3A_787 = arith.constant 1 : i32
    %and3A_788 = vector.broadcast %and3A_787 : i32 to vector<1x32xi32>
    %and3A_789 = arith.andi %and3A_786, %and3A_788 : vector<1x32xi32>
    %add3A_790 = arith.addi %add3A_785, %and3A_789 : vector<1x32xi32>
    %ge3A_791 = vector.broadcast %add3A_790 : vector<1x32xi32> to vector<256x32xi32>
    %ge3A_792 = arith.cmpi sge, %transpose3A, %ge3A_791 : vector<256x32xi32>
    %convert_element_type3A_793 = arith.extui %ge3A_792 : vector<256x32xi1> to vector<256x32xi32>
    %reduce_sum3A_794 = arith.constant dense<0> : vector<32xi32>
    %reduce_sum3A_795 = vector.multi_reduction <add>, %convert_element_type3A_793, %reduce_sum3A_794 [0] : vector<256x32xi32> to vector<32xi32>
    %broadcast_in_dim3A_796 = vector.shape_cast %reduce_sum3A_795 : vector<32xi32> to vector<1x32xi32>
    %ge3A_797 = arith.constant 128 : i32
    %ge3A_798 = vector.broadcast %ge3A_797 : i32 to vector<1x32xi32>
    %ge3A_799 = arith.cmpi sge, %broadcast_in_dim3A_796, %ge3A_798 : vector<1x32xi32>
    %select_n3A_800 = arith.select %ge3A_799, %add3A_790, %select_n3A_777 : vector<1x32xi1>, vector<1x32xi32>
    %transpose3A_801 = tpu.transpose %select_n3A_800, [1, 0] : vector<1x32xi32> -> vector<32x1xi32>
    %ge3A_802 = vector.broadcast %transpose3A_801 : vector<32x1xi32> to vector<32x256xi32>
    %ge3A_803 = arith.cmpi sge, %select_n3A_61, %ge3A_802 : vector<32x256xi32>
    %sub3A = vector.broadcast %broadcast_in_dim3A_56 : vector<32x1xf32> to vector<32x256xf32>
    %sub3A_804 = arith.subf %mul3A_54, %sub3A : vector<32x256xf32>
    %exp3A = math.exp %sub3A_804 : vector<32x256xf32>
    %jit3A_805 = arith.constant 0.000000e+00 : f32
    %broadcast_in_dim3A_806 = vector.broadcast %jit3A_805 : f32 to vector<32x256xf32>
    %select_n3A_807 = arith.select %ge3A_803, %exp3A, %broadcast_in_dim3A_806 : vector<32x256xi1>, vector<32x256xf32>
    %reduce_sum3A_808 = arith.constant dense<0.000000e+00> : vector<32xf32>
    %reduce_sum3A_809 = vector.multi_reduction <add>, %select_n3A_807, %reduce_sum3A_808 [1] : vector<32x256xf32> to vector<32xf32>
    %broadcast_in_dim3A_810 = vector.shape_cast %reduce_sum3A_809 : vector<32xf32> to vector<32x1xf32>
    %broadcast_in_dim3A_811 = vector.shape_cast %select_n3A_807 : vector<32x256xf32> to vector<32x256x1xf32>
    %mul3A_812 = vector.broadcast %broadcast_in_dim3A_811 : vector<32x256x1xf32> to vector<32x256x96xf32>
    %mul3A_813 = arith.mulf %get3A_5, %mul3A_812 : vector<32x256x96xf32>
    %reduce_sum3A_814 = arith.constant dense<0.000000e+00> : vector<32x96xf32>
    %reduce_sum3A_815 = vector.multi_reduction <add>, %mul3A_813, %reduce_sum3A_814 [1] : vector<32x256x96xf32> to vector<32x96xf32>
    %div3A = vector.broadcast %broadcast_in_dim3A_810 : vector<32x1xf32> to vector<32x96xf32>
    %div3A_816 = arith.divf %reduce_sum3A_815, %div3A : vector<32x96xf32>
    %swap3A = arith.constant 0 : index
    %swap3A_817 = arith.constant 0 : index
    %swap3A_818 = vector.load %arg3[%swap3A, %swap3A_817] : memref<32x96xf32, #tpu.memory_space<vmem>>, vector<32x96xf32>
    tpu.vector_store %arg3[%swap3A, %swap3A_817], %div3A_816 {strides = array<i32>} : memref<32x96xf32, #tpu.memory_space<vmem>>, vector<32x96xf32>,
    return
  }
  func.func @transform_0(%arg0: i32) -> (i32, i32) {
    %c0_i32 = arith.constant 0 : i32
    %c0_i32_0 = arith.constant 0 : i32
    return %arg0, %c0_i32 : i32, i32
  }
  func.func @transform_1(%arg0: i32) -> (i32, i32, i32) {
    %c0_i32 = arith.constant 0 : i32
    %c0_i32_0 = arith.constant 0 : i32
    %c0_i32_1 = arith.constant 0 : i32
    return %arg0, %c0_i32, %c0_i32_0 : i32, i32, i32
  }
  func.func @transform_2(%arg0: i32) -> (i32, i32) {
    %c0_i32 = arith.constant 0 : i32
    %c0_i32_0 = arith.constant 0 : i32
    return %arg0, %c0_i32 : i32, i32
  }
}

</mosaic_0001>

<sc_bundles>
// kernel: kernel.4.cloned.1.call-start
scs
__scs_entry_jumppad:
0x0: {  	(pc) =	sbr.rel $0x88, $3  }
0x1: {  	(tag) =	ssettag $0x0;
	lr =	simm.s32 $0x1  }
0x2: {  	[smem:$0x3F9F] =	sst lr;
	_ =	strace $0xD0000000  }
0x3: {  	_ = 	snop  }
0x4: {  	_ = 	snop  }
0x5: {  	_ = 	snop  }
0x6: {  	_ = 	snop  }
0x7: {  	_ = 	snop  }
__scs_overlays_trampoline_lowered:
0x8: {  	[smem:$0x3FAE] =	sst s0  }
0x9: {  	[smem:$0x3FAF] =	sst s1  }
0xa: {  	[smem:$0x3FB0] =	sst s2  }
0xb: {  	[smem:$0x3FB1] =	sst s3  }
0xc: {  	[smem:$0x3FB2] =	sst s4  }
0xd: {  	[smem:$0x3FB3] =	sst s5  }
0xe: {  	[smem:$0x3FB4] =	sst s6  }
0xf: {  	[smem:$0x3FB5] =	sst s7  }
0x10: {  	[smem:$0x3FB6] =	sst s8  }
0x11: {  	[smem:$0x3FB7] =	sst s9;
	s0 =	simm.s32 @!p0 $0x0  }
0x12: {  	s1 =	sld [smem:$0x3F9D];
	s0 =	simm.s32 @p0 $0x1  }
0x13: {  	[smem:$0x3FB8] =	sst s0;
	s0 =	simm.s32 @!p1 $0x0  }
0x14: {  	s2 =	sld [smem:$0x3F9C];
	s0 =	simm.s32 @p1 $0x1  }
0x15: {  	[smem:$0x3FB9] =	sst s0;
	s0 =	simm.s32 @!p2 $0x0  }
0x16: {  	s3 =	sld [smem:$0x3FDB];
	s0 =	simm.s32 @p2 $0x1  }
0x17: {  	s4 =	simm.s32 $0x1BF5;
	[smem:$0x3FBB] =	sst s0  }
0x18: {  	s0 =	sld [smem:$0x3F9E];
	_ =	swait.ge [sflag:s4], $0x0  }
0x19: {  	s7 =	sld [smem:$0x3F9F]  }
0x1a: {  	s8 =	sadd.s32 $0xFFFFE003, lr  }
0x1b: {  	s9 =	sadd.s32 $0xFFFFFEF7, lr;
	s5 =	simm.s32 $0xFFFFFFFF;
	p2 =	slt.u32 s8, $0xFFFFF086  }
0x1c: {  	p1 =	slt.u32 s9, $0xF7A;
	s5 =	simm.s32 @!p2 $0x0  }
0x1d: {  	s5 =	simm.s32 @p1 $0x1;
	p0 =	seq.s32 s7, s2  }
0x1e: {  	s7 =	smul.u32 @!p0 $0xF7A, s2;
	p2 =	seq.s32 @!p0 s5, $0x0  }
0x1f: {  	s9 =	smul.u32 $0xF7A, s1;
	s8 =	simm.s32 @!p0 $0x1BF5;
	p2 =	por !p2, p0  }
0x20: {  	[sflag:s8] =	ssyncset.s32 @!p0 $0xFFFFF086;
	s6 =	sadd.s32 @!p0 s3, s7;
	s7 =	simm.s32 @!p0 $0x108  }
0x21: {  	s3 =	sadd.s32 s3, s9;
	s6 =	sadd.s32 @!p0 $0x88, s6;
	s7 =	simm.s32 @p2 $0x1082  }
0x22: {  	[simem:s7], [sflag:s8] =	dma.local @!p0 [hbm:s6], $0xF7A  }
0x23: {  	s9 =	sor.u32 $0xD0000000, s2;
	s6 =	simm.s32 $0x108;
	_ =	swait.ge @!p0 [sflag:s8], $0x0  }
0x24: {  	s3 =	sadd.s32 $0x88, s3;
	s6 =	simm.s32 @!p1 $0x1082;
	[sflag:s4] =	ssyncset.s32 $0xFFFFF086  }
0x25: {  	[simem:s6], [sflag:s4] =	dma.local [hbm:s3], $0xF7A  }
0x26: {  	[smem:$0x3F9F] =	sst s1;
	(tag) =	ssettag s2;
	_ =	strace s9  }
0x27: {  	s1 =	sld [smem:$0x3FAF]  }
0x28: {  	s2 =	sld [smem:$0x3FB0]  }
0x29: {  	s4 =	sld [smem:$0x3FB2]  }
0x2a: {  	p0 =	seq.s32 s5, $0x0;
	s5 =	sld [smem:$0x3FB3]  }
0x2b: {  	s6 =	sld [smem:$0x3FB4]  }
0x2c: {  	s7 =	sld [smem:$0x3FB5]  }
0x2d: {  	s3 =	simm.s32 $0x108;
	s8 =	sld [smem:$0x3FB6]  }
0x2e: {  	s3 =	simm.s32 @!p0 $0x1082;
	s9 =	sld [smem:$0x3FB7]  }
0x2f: {  	lr =	sadd.s32 s0, s3;
	s0 =	sld [smem:$0x3FAE]  }
0x30: {  	s3 =	sld [smem:$0x3FB1]  }
0x31: {  	[smem:$0x3FBA] =	sst s10  }
0x32: {  	s10 =	sld [smem:$0x3FB8];
	_ =	sdelay $0x3  }
0x33: {  	p0 =	seq.s32 s10, $0x1;
	s10 =	sld [smem:$0x3FBA];
	_ =	sdelay $0x3  }
0x34: {  	[smem:$0x3FBA] =	sst s10  }
0x35: {  	s10 =	sld [smem:$0x3FB9];
	_ =	sdelay $0x3  }
0x36: {  	p1 =	seq.s32 s10, $0x1;
	s10 =	sld [smem:$0x3FBA];
	_ =	sdelay $0x3  }
0x37: {  	[smem:$0x3FBA] =	sst s10  }
0x38: {  	s10 =	sld [smem:$0x3FBB]  }
0x39: {  	_ = 	snop;
	(pc) =	sbr.ind lr, $3  }
0x3a: {  	_ = 	snop  }
0x3b: {  	_ = 	snop  }
0x3c: {  	p2 =	seq.s32 s10, $0x1;
	s10 =	sld [smem:$0x3FBA]  }
0x3d: {  	_ =	shalt  }
0x3e: {  	_ =	shalt  }
0x3f: {  	_ =	shalt  }
0x40: {  	_ =	shalt  }
0x41: {  	_ =	shalt  }
0x42: {  	_ =	shalt  }
0x43: {  	_ =	shalt  }
0x44: {  	_ =	shalt  }
0x45: {  	_ =	shalt  }
0x46: {  	_ =	shalt  }
0x47: {  	_ =	shalt  }
0x48: {  	_ =	shalt  }
0x49: {  	_ =	shalt  }
0x4a: {  	_ =	shalt  }
0x4b: {  	_ =	shalt  }
0x4c: {  	_ =	shalt  }
0x4d: {  	_ =	shalt  }
0x4e: {  	_ =	shalt  }
0x4f: {  	_ =	shalt  }
0x50: {  	_ =	shalt  }
0x51: {  	_ =	shalt  }
0x52: {  	_ =	shalt  }
0x53: {  	_ =	shalt  }
0x54: {  	_ =	shalt  }
0x55: {  	_ =	shalt  }
0x56: {  	_ =	shalt  }
0x57: {  	_ =	shalt  }
0x58: {  	_ =	shalt  }
0x59: {  	_ =	shalt  }
0x5a: {  	_ =	shalt  }
0x5b: {  	_ =	shalt  }
0x5c: {  	_ =	shalt  }
0x5d: {  	_ =	shalt  }
0x5e: {  	_ =	shalt  }
0x5f: {  	_ =	shalt  }
0x60: {  	_ =	shalt  }
0x61: {  	_ =	shalt  }
0x62: {  	_ =	shalt  }
0x63: {  	_ =	shalt  }
0x64: {  	_ =	shalt  }
0x65: {  	_ =	shalt  }
0x66: {  	_ =	shalt  }
0x67: {  	_ =	shalt  }
0x68: {  	_ =	shalt  }
0x69: {  	_ =	shalt  }
0x6a: {  	_ =	shalt  }
0x6b: {  	_ =	shalt  }
0x6c: {  	_ =	shalt  }
0x6d: {  	_ =	shalt  }
0x6e: {  	_ =	shalt  }
0x6f: {  	_ =	shalt  }
0x70: {  	_ =	shalt  }
0x71: {  	_ =	shalt  }
0x72: {  	_ =	shalt  }
0x73: {  	_ =	shalt  }
0x74: {  	_ =	shalt  }
0x75: {  	_ =	shalt  }
0x76: {  	_ =	shalt  }
0x77: {  	_ =	shalt  }
0x78: {  	_ =	shalt  }
0x79: {  	_ =	shalt  }
0x7a: {  	_ =	shalt  }
0x7b: {  	_ =	shalt  }
0x7c: {  	_ =	shalt  }
0x7d: {  	_ =	shalt  }
0x7e: {  	_ =	shalt  }
0x7f: {  	_ =	shalt  }
0x80: {  	_ =	shalt  }
0x81: {  	_ =	shalt  }
0x82: {  	_ =	shalt  }
0x83: {  	_ =	shalt  }
0x84: {  	_ =	shalt  }
0x85: {  	_ =	shalt  }
0x86: {  	_ =	shalt  }
0x87: {  	_ =	shalt  }
.Lfunc_end0:
.L_simem_size_0:
called_computation_lowered:
.L_overlay_start_0:
0x88: {  	s2 =	sld [smem:$0x3FD9]  }
0x89: {  	s3 =	sld [smem:$0x3FFE];
	_ =	sdelay $0x1  }
0x8a: {  	s1 =	srdreg.scid  }
0x8b: {  	s0 =	sand.u32 $0x1, s1  }
0x8c: {  	s17 =	sshll.u32 s0, $0xA;
	s2 =	sadd.s32 s3, s2  }
0x8d: {  	s2 =	sadd.s32 s2, s17  }
0x8e: {  	[smem:$0x3FC6] =	sst s2  }
0x8f: {  	_ = 	snop  }
0x90: {  	s2 =	sld [smem:$0x3FC9];
	(tm) =	ssettm $0x1  }
0x91: {  	s18 =	sld [smem:$0x3FFB];
	_ =	sdelay $0x3  }
0x92: {  	_ =	strace s18  }
0x93: {  	s3 =	sld [smem:$0x3FFC];
	_ =	sdelay $0x3  }
0x94: {  	_ =	strace s3  }
0x95: {  	s3 =	sld [smem:$0x3FFD];
	_ =	sdelay $0x3  }
0x96: {  	_ =	strace s3  }
0x97: {  	_ =	strace $0x8FFFFFFF  }
0x98: {  	s19 =	sld [smem:$0x3FDB];
	_ =	sdelay $0x1  }
0x99: {  	s4 =	simm.s32 $_scs_section_size  }
0x9a: {  	s5 =	simm.s32 $_size__tile_overlayer_lowered;
	s6 =	simm.s32 $_tile_overlayer_lowered  }
0x9b: {  	s22 =	simm.s32 $0x1BFF;
	s21 =	sshll.u32 s6, $0x1;
	s3 =	sadd.s32 s4, s19  }
0x9c: {  	s7 =	simm.s32 $0x0;
	s20 =	sshll.u32 s5, $0x1;
	s5 =	sadd.s32 s21, s3  }
0x9d: {  	[timem:s7], [sflag:s22] =	dma.local [hbm:s5], s20  }
0x9e: {  	_ =	swait.ge [sflag:s22], s20  }
0x9f: {  	s4 =	ssub.s32 $0x0, s20;
	[sflag:s22] =	ssyncset.done $0x0  }
0xa0: {  	[sflag:s22] =	ssyncadd.s32 s4;
	_ =	sdelay $0x1  }
0xa1: {  	s23 =	simm.s32 $0x1B8B  }
0xa2: {  	_ =	swait.ge [sflag:s23], $0x1  }
0xa3: {  	[sflag:s23] =	ssyncset.done $0x0  }
0xa4: {  	s25 =	simm.s32 $0x1B8E;
	s24 =	sld [smem:$0x3FFE];
	[sflag:s23] =	ssyncadd.s32 $0xFFFFFFFF  }
0xa5: {  	s26 =	simm.s32 $execute0_lowered;
	[smem:$0x3FD2] =	sst s25  }
0xa6: {  	s5 =	sshll.u32 s26, $0x1;
	_ =	strace $0x80000046;
	[dreg:$0x1] =	wrdreg $0xFFFFFFFF  }
0xa7: {  	s28 =	simm.s32 $_size_execute0_lowered;
	s3 =	sadd.s32 s3, s5;
	[dreg:$0x0] =	wrdreg $0x0  }
0xa8: {  	s5 =	sshll.u32 s28, $0x1;
	[dreg:$0x2] =	wrdreg s3  }
0xa9: {  	[dreg:$0x3] =	wrdreg s5  }
0xaa: {  	[dreg:$0x4] =	wrdreg $0xC0  }
0xab: {  	_ =	task [dreg:s7], $0x5FFFF  }
0xac: {  	[dreg:$0x1] =	wrdreg $0xFFFFFFFF  }
0xad: {  	[dreg:$0x0] =	wrdreg $0x60  }
0xae: {  	[dreg:$0x2] =	wrdreg s2  }
0xaf: {  	[dreg:$0x3] =	wrdreg s24  }
0xb0: {  	[dreg:$0x4] =	wrdreg $0x9  }
0xb1: {  	_ =	task.clear_ibuf [dreg:s7], $0x5FFFF;
	_ =	strace $0x90000046  }
0xb2: {  	s29 =	simm.s32 $0x9;
	_ =	strace $0x80000048  }
0xb3: {  	_ =	swait.ge [sflag:s29], $0x1  }
0xb4: {  	[sflag:s29] =	ssyncadd.s32 $0xFFFFFFFF  }
0xb5: {  	_ =	strace $0x90000048  }
0xb6: {  	_ =	sfence  }
0xb7: {  	s30 =	sld [smem:$0x0];
	_ =	sdelay $0x2  }
0xb8: {  	s31 =	sshll.u32 s1, $0xD;
	s1 =	sshrl.u32 s1, $0x2  }
0xb9: {  	s3 =	sand.u32 $0x4000, s31;
	s1 =	sadd.s32 s1, s30  }
0xba: {  	s0 =	sor.u32 s3, s0;
	s1 =	sshll.u32 s1, $0x11  }
0xbb: {  	s0 =	sor.u32 s1, s0  }
0xbc: {  	s0 =	sadd.s32 $0x8F2B, s0  }
0xbd: {  	[sflag:s0] =	ssyncadd.remote.s32 $0x1  }
0xbe: {  	_ =	sfence.sel $0xFFFF  }
0xbf: {  	[dreg:$0x0] =	wrdreg $0xFFFFFFFF;
	(pc) =	sbr.abs _section_cstart, $3  }
0xc0: {  	[dreg:$0x1] =	wrdreg $0xFFFFFFFF  }
0xc1: {  	_ =	task.clear_ibuf [dreg:s7], $0x2FFFF;
	_ =	strace $0x9FFFFFFF  }
0xc2: {  	(tm) =	ssettm $0x7FFFFFFF  }
0xc3: {  	_ =	shalt  }
tec
execute0_lowered:
.L_overlay_start_1:
0x0: {  	(tag) =	ssettag $0x1  }
0x1: {  	s7 =	rddreg [dreg:$0x0]  }
0x2: {  	s6 =	rddreg [dreg:$0x1];
	s2 =	srdreg.scid  }
0x3: {  	s0 =	rddreg [dreg:$0x2];
	s1 =	stileid.u32  }
0x4: {  	s11 =	simm.s32 $0x8800;
	s12 =	simm.s32 $0x8A00;
	s13 =	simm.s32 $0x0  }
0x5: {  	s4 =	sand.u32 $0x1, s2;
	s2 =	simm.s32 $0x0;
	s3 =	sshll.u32 s1, $0x5  }
0x6: {  	s5 =	sshll.u32 s4, $0x4;
	[smem:$0x7FF] =	sst s2;
	s8 =	ssub.s32 $0x2, s4  }
0x7: {  	s3 =	sor.u32 s5, s3;
	_ =	strace $0x80000047;
	s5 =	sadd.s32 $0x600, s6  }
0x8: {  	s9 =	sshrl.u32 s8, $0x1;
	s6 =	sadd.s32 $0x800600, s6;
	s4 =	sor.u32 $0x600, s3  }
0x9: {  	s8 =	ssub.s32 s8, s9;
	s9 =	simm.s32 $0x1;
	s10 =	sshll.u32 s4, $0x4  }
0xa: {  	s8 =	smax.u32 s8, $0x1;
	s7 =	sadd.s32 s7, s10;
	s10 =	simm.s32 $0x800  }
.LBB2_1:
0xb: {  	[tilespmem:s2], [sflag:$0x1] =	stream.linear.gather [hbm4b:s7+s2], $0x800, $0x38;
	[tilespmem:$0x8A80] =	vst v63  }
0xc: {  	_ =	swait.ge [sflag:s9], $0x800  }
0xd: {  	[sflag:s9] =	ssyncset.done $0x0  }
0xe: {  	s14 =	simm.s32 $0x0;
	[sflag:s9] =	ssyncadd.s32 $0xFFFFF800  }
.LBB2_2:
0xf: {  	s15 =	sadd.s32 s4, s14  }
0x10: {  	s15 =	sshll.u32 s15, $0xC  }
0x11: {  	s15 =	sand.u32 $0x1FFFF000, s15  }
0x12: {  	s16 =	sadd.s32 s5, s15;
	s15 =	simm.s32 $0x0  }
0x13: {  	[tilespmem:s10], [sflag:$0x1] =	stream.linear.gather [hbm4b:s16+s15], $0x8000, $0x38;
	[tilespmem:$0x8A80] =	vst v63  }
0x14: {  	_ =	swait.ge [sflag:s9], $0x8000  }
0x15: {  	s31 =	sshll.u32 s14, $0x7;
	[sflag:s9] =	ssyncset.done $0x0  }
0x16: {  	s16 =	sand.u32 $0x3FFFFF80, s31;
	[sflag:s9] =	ssyncadd.s32 $0xFFFF8000  }
0x17: {  	v4 =	vld [tilespmem:s16+$0x0]  }
0x18: {  	v5 =	vld [tilespmem:s16+$0x10]  }
0x19: {  	v3 =	vld [tilespmem:s16+$0x20]  }
0x1a: {  	v2 =	vld [tilespmem:s16+$0x30]  }
0x1b: {  	v1 =	vld [tilespmem:s16+$0x40]  }
0x1c: {  	v0 =	vld [tilespmem:s16+$0x50];
	s16 =	simm.s32 $0x830  }
0x1d: {  	v6 =	vld [tilespmem:s16+$0xFFFFFFD0]  }
0x1e: {  	s17 =	simm.s32 $0x1;
	v7 =	vld [tilespmem:s16+$0xFFFFFFE0]  }
.LBB2_3:
0x1f: {  	p0 =	sne.s32 s17, $0xFF  }
0x20: {  	v8 =	vld [tilespmem:s16+$0xFFFFFFF0];
	_ =	sdelay $0x1  }
0x21: {  	v9 =	vld [tilespmem:s16+$0x0]  }
0x22: {  	v6 =	vmul.f32 v6, v4;
	v7 =	vmul.f32 v7, v5  }
0x23: {  	v10 =	vld [tilespmem:s16+$0x10]  }
0x24: {  	v6 =	vadd.f32 v7, v6;
	v7 =	vmul.f32 v8, v3  }
0x25: {  	v8 =	vld [tilespmem:s16+$0x20]  }
0x26: {  	v6 =	vadd.f32 v7, v6;
	v7 =	vmul.f32 v9, v2;
	_ =	sdelay $0x1  }
0x27: {  	v6 =	vadd.f32 v7, v6;
	v7 =	vmul.f32 v10, v1;
	_ =	sdelay $0x1  }
0x28: {  	v6 =	vadd.f32 v7, v6;
	v7 =	vmul.f32 v8, v0;
	_ =	sdelay $0x1  }
0x29: {  	v6 =	vadd.f32 v7, v6;
	_ =	sdelay $0x1  }
0x2a: {  	(xrf2) =	vadd.scan.msk.f32 $0xffff, v6;
	_ =	sdelay $0x9  }
0x2b: {  	v6, _, _ =	vpop (xrf2)  }
0x2c: {  	(v2sf) =	vpush v6, $0xF;
	_ =	sdelay $0xd  }
0x2d: {  	v6 =	vmov s15;
	s15 =	smov.u32 s17  }
0x2e: {  	s18 =	spop (v2sf)  }
0x2f: {  	s18 =	smul.f32 $1.020620760e-01, s18  }
.Ltmp0:
0x30: {  	(pc) =	sbr.rel @p0 .LBB2_3-.Ltmp0, $4  }
0x31: {  	v7 =	vmov s18  }
0x32: {  	s16 =	sadd.s32 $0x80, s16;
	[tilespmem:v6+s11+$0x0] =	vst.idx.msk $0x1, v7  }
0x33: {  	v6 =	vld [tilespmem:s16+$0xFFFFFFD0]  }
0x34: {  	s17 =	sadd.s32 $0x1, s17;
	v7 =	vld [tilespmem:s16+$0xFFFFFFE0]  }
0x35: {  	_ = 	snop  }
0x36: {  	v8 =	vld [tilespmem:s16+$0xFFFFFFF0];
	_ =	sdelay $0x1  }
0x37: {  	v9 =	vld [tilespmem:s16+$0x0]  }
0x38: {  	v4 =	vmul.f32 v6, v4;
	v5 =	vmul.f32 v7, v5  }
0x39: {  	v6 =	vld [tilespmem:s16+$0x10]  }
0x3a: {  	v3 =	vmul.f32 v8, v3;
	v4 =	vadd.f32 v5, v4  }
0x3b: {  	v5 =	vld [tilespmem:s16+$0x20]  }
0x3c: {  	v2 =	vmul.f32 v9, v2;
	v3 =	vadd.f32 v3, v4;
	_ =	sdelay $0x1  }
0x3d: {  	v1 =	vmul.f32 v6, v1;
	v2 =	vadd.f32 v2, v3;
	_ =	sdelay $0x1  }
0x3e: {  	v0 =	vmul.f32 v5, v0;
	v1 =	vadd.f32 v1, v2;
	_ =	sdelay $0x1  }
0x3f: {  	v0 =	vadd.f32 v0, v1;
	_ =	sdelay $0x1  }
0x40: {  	(xrf2) =	vadd.scan.msk.f32 $0xffff, v0;
	_ =	sdelay $0x9  }
0x41: {  	v0, _, _ =	vpop (xrf2)  }
0x42: {  	(v2sf) =	vpush v0, $0xF;
	_ =	sdelay $0xd  }
0x43: {  	v0 =	vmov s15  }
0x44: {  	s29 =	spop (v2sf)  }
0x45: {  	s15 =	smul.f32 $1.020620760e-01, s29;
	_ =	sdelay $0x1  }
0x46: {  	v1 =	vmov s15  }
0x47: {  	[tilespmem:v0+s11+$0x0] =	vst.idx.msk $0x1, v1  }
0x48: {  	v0 =	vld [tilespmem:$0x8800]  }
0x49: {  	v1 =	vld [tilespmem:$0x8810]  }
0x4a: {  	v2 =	vld [tilespmem:$0x8820]  }
0x4b: {  	v3 =	vld [tilespmem:$0x8830]  }
0x4c: {  	v4 =	vld [tilespmem:$0x8840]  }
0x4d: {  	v5 =	vld [tilespmem:$0x8850]  }
0x4e: {  	v9 =	vld [tilespmem:$0x8860];
	_ =	sdelay $0x1  }
0x4f: {  	v6 =	vxor.u32 $0x7FFFFFFF, v0;
	vm0 =	vlt.s32 v0, $0x0;
	v7 =	vxor.u32 $0x7FFFFFFF, v1  }
0x50: {  	vm1 =	vlt.s32 v1, $0x0;
	v8 =	vxor.u32 $0x7FFFFFFF, v2;
	vm2 =	vlt.s32 v2, $0x0  }
0x51: {  	vm6 =	vlt.s32 v3, $0x0;
	vm7 =	vlt.s32 v4, $0x0;
	vm8 =	vlt.s32 v5, $0x0  }
0x52: {  	vm9 =	vlt.s32 v9, $0x0;
	v12 =	vsel vm0, v6, v0;
	v14 =	vsel vm2, v8, v2;
	v2 =	vld [tilespmem:$0x8870]  }
0x53: {  	v13 =	vsel vm1, v7, v1;
	v1 =	vxor.u32 $0x7FFFFFFF, v3;
	v6 =	vxor.u32 $0x7FFFFFFF, v4  }
0x54: {  	v7 =	vxor.u32 $0x7FFFFFFF, v5;
	v15 =	vsel vm6, v1, v3;
	vm10 =	vgt.s32 v12, v13  }
0x55: {  	v16 =	vsel vm7, v6, v4;
	v17 =	vsel vm8, v7, v5;
	v3 =	vld [tilespmem:$0x8880];
	v5 =	vsel vm10, v13, v12  }
0x56: {  	v1 =	vxor.u32 $0x7FFFFFFF, v9;
	v7 =	vsel vm10, v12, v13;
	vm12 =	vlt.s32 v5, v14  }
0x57: {  	v6 =	vld [tilespmem:$0x8890];
	vm13 =	vgt.s32 v7, v14;
	v4 =	vxor.u32 $0x7FFFFFFF, v2;
	vm11 =	vlt.s32 v2, $0x0  }
0x58: {  	v7 =	vsel vm13, v7, v14;
	v2 =	vsel vm11, v4, v2;
	v4 =	vsel vm12, v5, v14  }
0x59: {  	v1 =	vsel vm9, v1, v9;
	vm4 =	vgt.s32 v7, v15;
	vm14 =	vlt.s32 v4, v15  }
0x5a: {  	v8 =	vld [tilespmem:$0x88A0];
	v5 =	vxor.u32 $0x7FFFFFFF, v3;
	vm15 =	vlt.s32 v3, $0x0;
	v4 =	vsel vm14, v4, v15  }
0x5b: {  	v3 =	vsel vm15, v5, v3;
	v5 =	vsel vm4, v7, v15;
	vm5 =	vlt.s32 v4, v16  }
0x5c: {  	vm7 =	vlt.s32 v6, $0x0;
	vm6 =	vgt.s32 v5, v16;
	v9 =	vsel vm5, v4, v16  }
0x5d: {  	v10 =	vld [tilespmem:$0x88B0];
	v7 =	vxor.u32 $0x7FFFFFFF, v6;
	v5 =	vsel vm6, v5, v16;
	vm8 =	vlt.s32 v9, v17  }
0x5e: {  	v4 =	vsel vm7, v7, v6;
	vm9 =	vgt.s32 v5, v17;
	v6 =	vsel vm8, v9, v17  }
0x5f: {  	vm11 =	vlt.s32 v8, $0x0;
	v9 =	vsel vm9, v5, v17;
	vm10 =	vlt.s32 v6, v1  }
0x60: {  	v11 =	vld [tilespmem:$0x88C0];
	v7 =	vxor.u32 $0x7FFFFFFF, v8;
	vm12 =	vgt.s32 v9, v1;
	v6 =	vsel vm10, v6, v1  }
0x61: {  	v5 =	vsel vm11, v7, v8;
	v7 =	vsel vm12, v9, v1;
	vm13 =	vlt.s32 v6, v2  }
0x62: {  	vm15 =	vlt.s32 v10, $0x0;
	vm14 =	vgt.s32 v7, v2;
	v9 =	vsel vm13, v6, v2  }
0x63: {  	v18 =	vld [tilespmem:$0x88D0];
	v8 =	vxor.u32 $0x7FFFFFFF, v10;
	v7 =	vsel vm14, v7, v2;
	vm4 =	vlt.s32 v9, v3  }
0x64: {  	v6 =	vsel vm15, v8, v10;
	vm5 =	vgt.s32 v7, v3;
	v8 =	vsel vm4, v9, v3  }
0x65: {  	vm7 =	vlt.s32 v11, $0x0;
	v10 =	vsel vm5, v7, v3;
	vm6 =	vlt.s32 v8, v4  }
0x66: {  	v19 =	vld [tilespmem:$0x88E0];
	v9 =	vxor.u32 $0x7FFFFFFF, v11;
	vm8 =	vgt.s32 v10, v4;
	v8 =	vsel vm6, v8, v4  }
0x67: {  	v7 =	vsel vm7, v9, v11;
	v9 =	vsel vm8, v10, v4;
	vm9 =	vlt.s32 v8, v5  }
0x68: {  	vm11 =	vlt.s32 v18, $0x0;
	vm10 =	vgt.s32 v9, v5;
	v11 =	vsel vm9, v8, v5  }
0x69: {  	v20 =	vld [tilespmem:$0x88F0];
	v10 =	vxor.u32 $0x7FFFFFFF, v18;
	v9 =	vsel vm10, v9, v5;
	vm12 =	vlt.s32 v11, v6  }
0x6a: {  	v8 =	vsel vm11, v10, v18;
	vm13 =	vgt.s32 v9, v6;
	v10 =	vsel vm12, v11, v6  }
0x6b: {  	vm15 =	vlt.s32 v19, $0x0;
	v18 =	vsel vm13, v9, v6;
	vm14 =	vlt.s32 v10, v7  }
0x6c: {  	v11 =	vxor.u32 $0x7FFFFFFF, v19;
	vm4 =	vgt.s32 v18, v7;
	v10 =	vsel vm14, v10, v7  }
0x6d: {  	v9 =	vsel vm15, v11, v19;
	v11 =	vsel vm4, v18, v7;
	vm5 =	vlt.s32 v10, v8  }
0x6e: {  	vm7 =	vlt.s32 v20, $0x0;
	vm6 =	vgt.s32 v11, v8;
	v19 =	vsel vm5, v10, v8  }
0x6f: {  	v18 =	vxor.u32 $0x7FFFFFFF, v20;
	v11 =	vsel vm6, v11, v8;
	vm8 =	vlt.s32 v19, v9  }
0x70: {  	v10 =	vsel vm7, v18, v20;
	vm9 =	vgt.s32 v11, v9;
	v18 =	vsel vm8, v19, v9  }
0x71: {  	v11 =	vsel vm9, v11, v9;
	vm10 =	vlt.s32 v18, v10  }
0x72: {  	vm11 =	vgt.s32 v11, v10;
	v18 =	vsel vm10, v18, v10  }
0x73: {  	v11 =	vsel vm11, v11, v10;
	v18 =	vxor.u32 $0x80000000, v18  }
0x74: {  	v11 =	vxor.u32 $0x80000000, v11;
	(xrf0) =	vmin.scan.msk.u32 $0xffff, v18  }
0x75: {  	(xrf0) =	vmax.scan.msk.u32 $0xffff, v11;
	_ =	sdelay $0x4  }
0x76: {  	v11, _, _ =	vpop (xrf0)  }
0x77: {  	(v2sf) =	vpush v11, $0xF;
	v11, _, _ =	vpop (xrf0)  }
0x78: {  	(v2sf) =	vpush v11, $0xF;
	_ =	sdelay $0xc  }
0x79: {  	[tilespmem:$0x8900] =	vst v12  }
0x7a: {  	[tilespmem:$0x8910] =	vst v13;
	v26 =	vld [tilespmem:$0x8900];
	s30 =	spop (v2sf)  }
0x7b: {  	[tilespmem:$0x8920] =	vst v14;
	v27 =	vld [tilespmem:$0x8910];
	s31 =	spop (v2sf)  }
0x7c: {  	[tilespmem:$0x8930] =	vst v15;
	v28 =	vld [tilespmem:$0x8920];
	s15 =	sxor.u32 $0x80000000, s30;
	s16 =	sadd.s32 $0x80000001, s31  }
0x7d: {  	[tilespmem:$0x8940] =	vst v16;
	v29 =	vld [tilespmem:$0x8930];
	s17 =	sxor.u32 s16, s15  }
0x7e: {  	[tilespmem:$0x8950] =	vst v17;
	v30 =	vld [tilespmem:$0x8940];
	s18 =	sand.u32 s16, s15;
	s17 =	sshra.s32 s17, $0x1  }
0x7f: {  	v31 =	vld [tilespmem:$0x8950];
	s17 =	sadd.s32 s17, s18  }
0x80: {  	vm12 =	vge.s32 v26, s17;
	vm13 =	vge.s32 v27, s17  }
0x81: {  	vm14 =	vge.s32 v28, s17;
	v27 =	vmpcnt.ones.xlane vm12;
	v32 =	vmpcnt.ones.xlane vm13  }
0x82: {  	vm15 =	vge.s32 v29, s17;
	v28 =	vmpcnt.ones.xlane vm14  }
0x83: {  	vm4 =	vge.s32 v30, s17;
	v29 =	vmpcnt.ones.xlane vm15;
	v27 =	vadd.s32 v27, v32  }
0x84: {  	vm5 =	vge.s32 v31, s17;
	v27 =	vadd.s32 v27, v28;
	v28 =	vmpcnt.ones.xlane vm4  }
0x85: {  	vm6 =	vge.s32 v1, s17;
	v27 =	vadd.s32 v27, v29;
	v29 =	vmpcnt.ones.xlane vm5  }
0x86: {  	vm7 =	vge.s32 v2, s17;
	v27 =	vadd.s32 v27, v28;
	v28 =	vmpcnt.ones.xlane vm6  }
0x87: {  	vm8 =	vge.s32 v3, s17;
	v27 =	vadd.s32 v27, v29;
	v29 =	vmpcnt.ones.xlane vm7  }
0x88: {  	vm9 =	vge.s32 v4, s17;
	v27 =	vadd.s32 v27, v28;
	v28 =	vmpcnt.ones.xlane vm8  }
0x89: {  	vm10 =	vge.s32 v5, s17;
	v27 =	vadd.s32 v27, v29;
	v29 =	vmpcnt.ones.xlane vm9  }
0x8a: {  	vm11 =	vge.s32 v6, s17;
	v27 =	vadd.s32 v27, v28;
	v28 =	vmpcnt.ones.xlane vm10  }
0x8b: {  	vm12 =	vge.s32 v7, s17;
	v27 =	vadd.s32 v27, v29;
	v29 =	vmpcnt.ones.xlane vm11  }
0x8c: {  	vm13 =	vge.s32 v8, s17;
	v27 =	vadd.s32 v27, v28;
	v28 =	vmpcnt.ones.xlane vm12  }
0x8d: {  	vm14 =	vge.s32 v9, s17;
	v27 =	vadd.s32 v27, v29;
	v29 =	vmpcnt.ones.xlane vm13  }
0x8e: {  	vm15 =	vge.s32 v10, s17;
	v27 =	vadd.s32 v27, v28;
	v28 =	vmpcnt.ones.xlane vm14  }
0x8f: {  	v27 =	vadd.s32 v27, v29;
	v29 =	vmpcnt.ones.xlane vm15  }
0x90: {  	v27 =	vadd.s32 v27, v28  }
0x91: {  	v27 =	vadd.s32 v27, v29  }
0x92: {  	v27 =	vxor.u32 $0x80000000, v27  }
0x93: {  	(xrf0) =	vmax.scan.msk.u32 $0xffff, v27;
	_ =	sdelay $0x5  }
0x94: {  	v27, _, _ =	vpop (xrf0)  }
0x95: {  	(v2sf) =	vpush v27, $0xF  }
0x96: {  	v21 =	vld [tilespmem:$0x88B0]  }
0x97: {  	v22 =	vld [tilespmem:$0x88C0]  }
0x98: {  	v23 =	vld [tilespmem:$0x88D0]  }
0x99: {  	v24 =	vld [tilespmem:$0x88E0]  }
0x9a: {  	v25 =	vld [tilespmem:$0x88F0]  }
0x9b: {  	v12 =	vld [tilespmem:$0x8820]  }
0x9c: {  	v13 =	vld [tilespmem:$0x8830];
	[tilespmem:$0x8960] =	vst v1  }
0x9d: {  	v14 =	vld [tilespmem:$0x8840];
	[tilespmem:$0x8970] =	vst v2  }
0x9e: {  	v15 =	vld [tilespmem:$0x8850];
	[tilespmem:$0x8980] =	vst v3  }
0x9f: {  	v16 =	vld [tilespmem:$0x8860];
	[tilespmem:$0x8990] =	vst v4  }
0xa0: {  	v17 =	vld [tilespmem:$0x8870];
	[tilespmem:$0x89A0] =	vst v5  }
0xa1: {  	[tilespmem:$0x89B0] =	vst v6;
	v20 =	vld [tilespmem:$0x88A0]  }
0xa2: {  	[tilespmem:$0x89C0] =	vst v7;
	v19 =	vld [tilespmem:$0x8890]  }
0xa3: {  	[tilespmem:$0x89D0] =	vst v8;
	v18 =	vld [tilespmem:$0x8880]  }
0xa4: {  	[tilespmem:$0x89E0] =	vst v9;
	v11 =	vld [tilespmem:$0x8810];
	s19 =	spop (v2sf)  }
0xa5: {  	[tilespmem:$0x89F0] =	vst v10;
	s18 =	simm.s32 $0x1E;
	v27 =	vld [tilespmem:$0x8910];
	p1 =	sgt.u32 s19, $0x8000007F  }
.LBB2_5:
0xa6: {  	s19 =	smov.u32 s16;
	s16 =	smov.u32 s17  }
0xa7: {  	p0 =	seq.s32 s18, $0x1;
	s15 =	smov.u32 @p1 s17;
	v28 =	vld [tilespmem:$0x8920];
	s16 =	smov.u32 @p1 s19  }
0xa8: {  	s17 =	sand.u32 s16, s15;
	s19 =	sxor.u32 s16, s15;
	v29 =	vld [tilespmem:$0x8930]  }
0xa9: {  	s19 =	sshra.s32 s19, $0x1;
	v30 =	vld [tilespmem:$0x8940]  }
0xaa: {  	s17 =	sadd.s32 s19, s17;
	v31 =	vld [tilespmem:$0x8950]  }
0xab: {  	vm0 =	vge.s32 v26, s17;
	vm1 =	vge.s32 v27, s17  }
0xac: {  	v27 =	vmpcnt.ones.xlane vm0;
	v32 =	vmpcnt.ones.xlane vm1;
	vm0 =	vge.s32 v28, s17  }
0xad: {  	v28 =	vmpcnt.ones.xlane vm0;
	vm0 =	vge.s32 v29, s17  }
0xae: {  	v27 =	vadd.s32 v27, v32;
	v29 =	vmpcnt.ones.xlane vm0;
	vm0 =	vge.s32 v30, s17  }
0xaf: {  	v27 =	vadd.s32 v27, v28;
	v28 =	vmpcnt.ones.xlane vm0;
	vm0 =	vge.s32 v31, s17  }
0xb0: {  	v27 =	vadd.s32 v27, v29;
	v29 =	vmpcnt.ones.xlane vm0;
	vm0 =	vge.s32 v1, s17  }
0xb1: {  	v27 =	vadd.s32 v27, v28;
	v28 =	vmpcnt.ones.xlane vm0;
	vm0 =	vge.s32 v2, s17  }
0xb2: {  	v27 =	vadd.s32 v27, v29;
	v29 =	vmpcnt.ones.xlane vm0;
	vm0 =	vge.s32 v3, s17  }
0xb3: {  	v27 =	vadd.s32 v27, v28;
	v28 =	vmpcnt.ones.xlane vm0;
	vm0 =	vge.s32 v4, s17  }
0xb4: {  	v27 =	vadd.s32 v27, v29;
	v29 =	vmpcnt.ones.xlane vm0;
	vm0 =	vge.s32 v5, s17  }
0xb5: {  	v27 =	vadd.s32 v27, v28;
	v28 =	vmpcnt.ones.xlane vm0;
	vm0 =	vge.s32 v6, s17  }
0xb6: {  	v27 =	vadd.s32 v27, v29;
	v29 =	vmpcnt.ones.xlane vm0;
	vm0 =	vge.s32 v7, s17  }
0xb7: {  	v27 =	vadd.s32 v27, v28;
	v28 =	vmpcnt.ones.xlane vm0;
	vm0 =	vge.s32 v8, s17  }
0xb8: {  	v27 =	vadd.s32 v27, v29;
	v29 =	vmpcnt.ones.xlane vm0;
	vm0 =	vge.s32 v9, s17  }
0xb9: {  	v27 =	vadd.s32 v27, v28;
	v28 =	vmpcnt.ones.xlane vm0;
	vm0 =	vge.s32 v10, s17  }
0xba: {  	v27 =	vadd.s32 v27, v29;
	v29 =	vmpcnt.ones.xlane vm0  }
0xbb: {  	v27 =	vadd.s32 v27, v28  }
0xbc: {  	v27 =	vadd.s32 v27, v29  }
0xbd: {  	v27 =	vxor.u32 $0x80000000, v27  }
0xbe: {  	(xrf0) =	vmax.scan.msk.u32 $0xffff, v27;
	_ =	sdelay $0x5  }
0xbf: {  	v27, _, _ =	vpop (xrf0)  }
0xc0: {  	(v2sf) =	vpush v27, $0xF;
	_ =	sdelay $0xb  }
.Ltmp1:
0xc1: {  	(pc) =	sbr.rel @!p0 .LBB2_5-.Ltmp1, $3  }
0xc2: {  	_ =	sdelay $0x1  }
0xc3: {  	s19 =	spop (v2sf)  }
0xc4: {  	s18 =	sadd.s32 $0xFFFFFFFF, s18;
	v27 =	vld [tilespmem:$0x8910];
	p1 =	sgt.u32 s19, $0x8000007F  }
0xc5: {  	s15 =	smov.u32 @p1 s17;
	v28 =	vld [tilespmem:$0x8920];
	s17 =	smov.u32 @p1 s16  }
0xc6: {  	v29 =	vld [tilespmem:$0x8930];
	s16 =	sxor.u32 s17, s15  }
0xc7: {  	v30 =	vld [tilespmem:$0x8940];
	s17 =	sand.u32 s17, s15;
	s16 =	sshra.s32 s16, $0x1  }
0xc8: {  	v31 =	vld [tilespmem:$0x8950];
	s16 =	sadd.s32 s16, s17  }
0xc9: {  	vm0 =	vge.s32 v26, s16;
	vm1 =	vge.s32 v27, s16  }
0xca: {  	v26 =	vmpcnt.ones.xlane vm0;
	v27 =	vmpcnt.ones.xlane vm1;
	vm14 =	vge.s32 v28, s16  }
0xcb: {  	vm15 =	vge.s32 v29, s16;
	v28 =	vmpcnt.ones.xlane vm14  }
0xcc: {  	vm4 =	vge.s32 v30, s16;
	v60 =	vmpcnt.ones.xlane vm15;
	v26 =	vadd.s32 v26, v27  }
0xcd: {  	vm5 =	vge.s32 v31, s16;
	v61 =	vmpcnt.ones.xlane vm4;
	v26 =	vadd.s32 v26, v28  }
0xce: {  	vm6 =	vge.s32 v1, s16;
	v62 =	vmpcnt.ones.xlane vm5;
	v26 =	vadd.s32 v26, v60  }
0xcf: {  	vm7 =	vge.s32 v2, s16;
	v63 =	vmpcnt.ones.xlane vm6;
	v1 =	vadd.s32 v26, v61  }
0xd0: {  	vm8 =	vge.s32 v3, s16;
	v2 =	vmpcnt.ones.xlane vm7;
	v1 =	vadd.s32 v1, v62  }
0xd1: {  	vm9 =	vge.s32 v4, s16;
	v3 =	vmpcnt.ones.xlane vm8;
	v1 =	vadd.s32 v1, v63  }
0xd2: {  	vm10 =	vge.s32 v5, s16;
	v1 =	vadd.s32 v1, v2;
	v2 =	vmpcnt.ones.xlane vm9  }
0xd3: {  	vm11 =	vge.s32 v6, s16;
	v1 =	vadd.s32 v1, v3;
	v3 =	vmpcnt.ones.xlane vm10  }
0xd4: {  	vm12 =	vge.s32 v7, s16;
	v1 =	vadd.s32 v1, v2;
	v2 =	vmpcnt.ones.xlane vm11  }
0xd5: {  	vm13 =	vge.s32 v8, s16;
	v1 =	vadd.s32 v1, v3;
	v3 =	vmpcnt.ones.xlane vm12  }
0xd6: {  	vm14 =	vge.s32 v9, s16;
	v1 =	vadd.s32 v1, v2;
	v2 =	vmpcnt.ones.xlane vm13  }
0xd7: {  	vm15 =	vge.s32 v10, s16;
	v1 =	vadd.s32 v1, v3;
	v3 =	vmpcnt.ones.xlane vm14  }
0xd8: {  	v1 =	vadd.s32 v1, v2;
	v2 =	vmpcnt.ones.xlane vm15  }
0xd9: {  	v1 =	vadd.s32 v1, v3  }
0xda: {  	v1 =	vadd.s32 v1, v2  }
0xdb: {  	v1 =	vxor.u32 $0x80000000, v1  }
0xdc: {  	(xrf0) =	vmax.scan.msk.u32 $0xffff, v1;
	_ =	sdelay $0x2  }
0xdd: {  	v0 =	vmax.f32 v0, v11  }
0xde: {  	v0 =	vmax.f32 v0, v12  }
0xdf: {  	v0 =	vmax.f32 v0, v13  }
0xe0: {  	v0 =	vmax.f32 v0, v14;
	v1, _, _ =	vpop (xrf0)  }
0xe1: {  	v0 =	vmax.f32 v0, v15;
	(v2sf) =	vpush v1, $0xF  }
0xe2: {  	v0 =	vmax.f32 v0, v16  }
0xe3: {  	v0 =	vmax.f32 v0, v17  }
0xe4: {  	v0 =	vmax.f32 v0, v18  }
0xe5: {  	v0 =	vmax.f32 v0, v19  }
0xe6: {  	v0 =	vmax.f32 v0, v20  }
0xe7: {  	v0 =	vmax.f32 v0, v21  }
0xe8: {  	v0 =	vmax.f32 v0, v22  }
0xe9: {  	v0 =	vmax.f32 v0, v23  }
0xea: {  	v0 =	vmax.f32 v0, v24  }
0xeb: {  	v0 =	vmax.f32 v0, v25  }
0xec: {  	(xrf0) =	vmax.scan.msk.f32 $0xffff, v0;
	_ =	sdelay $0x3  }
0xed: {  	s31 =	spop (v2sf)  }
0xee: {  	p0 =	sgt.u32 s31, $0x8000007F  }
0xef: {  	v14 =	vimm.f32 $0.0e+00;
	v1, _, _ =	vpop (xrf0);
	s15 =	smov.u32 @p0 s16  }
0xf0: {  	v17 =	vimm.f32 $0.0e+00;
	v1 =	vbroadcast v1, $0xF;
	s16 =	simm.s32 $0x40;
	v0 =	vmov s15;
	s15 =	simm.s32 $0x0  }
.LBB2_7:
0xf1: {  	p0 =	sne.s32 s16, $0x3C0;
	v2 =	vld [tilespmem:s15+$0x8800];
	_ =	sdelay $0x4  }
0xf2: {  	v2 =	vsub.f32 v2, v1;
	_ =	sdelay $0x1  }
0xf3: {  	v2 =	vmul.f32 $1.442695020e+00, v2;
	_ =	sdelay $0x1  }
0xf4: {  	(erf) = vpow2.f32 v2;
	_ =	sdelay $0x3  }
0xf5: {  	v2 =	vld [tilespmem:s15+$0x8900];
	_ =	sdelay $0x2  }
.Ltmp2:
0xf6: {  	(pc) =	sbr.rel @p0 .LBB2_7-.Ltmp2, $4  }
0xf7: {  	_ = 	snop  }
0xf8: {  	vm0 =	vlt.s32 v2, v0;
	v2 =	vpop (erf)  }
0xf9: {  	v2 =	vsel vm0, $0x0, v2  }
0xfa: {  	[tilespmem:s15+$0x8800] =	vst v2;
	s15 =	sshra.s32 s16, $0x2;
	s16 =	sadd.s32 $0x40, s16;
	v17 =	vadd.f32 v2, v17  }
0xfb: {  	v2 =	vld [tilespmem:s15+$0x8800];
	_ =	sdelay $0x4  }
0xfc: {  	v1 =	vsub.f32 v2, v1;
	_ =	sdelay $0x1  }
0xfd: {  	v1 =	vmul.f32 $1.442695020e+00, v1;
	_ =	sdelay $0x1  }
0xfe: {  	(erf) = vpow2.f32 v1;
	_ =	sdelay $0x3  }
0xff: {  	v1 =	vld [tilespmem:s15+$0x8900];
	_ =	sdelay $0x4  }
0x100: {  	vm0 =	vlt.s32 v1, v0;
	v0 =	vpop (erf)  }
0x101: {  	v0 =	vsel vm0, $0x0, v0  }
0x102: {  	[tilespmem:s15+$0x8800] =	vst v0;
	s15 =	simm.s32 $0xC00  }
0x103: {  	v3 =	vld [tilespmem:s15+$0x380]  }
0x104: {  	v5 =	vld [tilespmem:s15+$0x390]  }
0x105: {  	v7 =	vld [tilespmem:s15+$0x3A0]  }
0x106: {  	v8 =	vld [tilespmem:s15+$0x3B0]  }
0x107: {  	v10 =	vld [tilespmem:s15+$0x300]  }
0x108: {  	v11 =	vld [tilespmem:s15+$0x310]  }
0x109: {  	v15 =	vld [tilespmem:s15+$0x320]  }
0x10a: {  	v16 =	vld [tilespmem:s15+$0x330]  }
0x10b: {  	v21 =	vld [tilespmem:s15+$0x280]  }
0x10c: {  	v22 =	vld [tilespmem:s15+$0x290]  }
0x10d: {  	v26 =	vld [tilespmem:s15+$0x2A0]  }
0x10e: {  	v28 =	vld [tilespmem:s15+$0x2B0]  }
0x10f: {  	v35 =	vld [tilespmem:s15+$0x200]  }
0x110: {  	v36 =	vld [tilespmem:s15+$0x210]  }
0x111: {  	v37 =	vld [tilespmem:s15+$0x220]  }
0x112: {  	v38 =	vld [tilespmem:s15+$0x230]  }
0x113: {  	s16 =	simm.s32 $0x0;
	v39 =	vld [tilespmem:s15+$0x180]  }
0x114: {  	v27 =	vld [tilespmem:s16+$0x8800]  }
0x115: {  	v40 =	vld [tilespmem:s15+$0x190]  }
0x116: {  	v41 =	vld [tilespmem:s15+$0x1A0]  }
0x117: {  	v44 =	vld [tilespmem:s15+$0x1B0]  }
0x118: {  	v47 =	vld [tilespmem:s15+$0x100]  }
0x119: {  	v48 =	vld [tilespmem:s15+$0x110]  }
0x11a: {  	v49 =	vld [tilespmem:s15+$0x120]  }
0x11b: {  	v52 =	vld [tilespmem:s15+$0x130]  }
0x11c: {  	v34 =	vld [tilespmem:s15+$0x80];
	v1 =	vbroadcast v27, $0xE  }
0x11d: {  	[tilespmem:$0x1FFE0] =	vst v0;
	v20 =	vld [tilespmem:s15+$0xA0];
	v0 =	vbroadcast v27, $0xF;
	v4 =	vbroadcast v27, $0xC  }
0x11e: {  	v53 =	vld [tilespmem:s15+$0x90];
	v2 =	vbroadcast v27, $0xD;
	v9 =	vbroadcast v27, $0xA  }
0x11f: {  	v55 =	vld [tilespmem:s15+$0xB0];
	v6 =	vbroadcast v27, $0xB;
	v13 =	vbroadcast v27, $0x8  }
0x120: {  	v54 =	vld [tilespmem:s15+$0x0];
	v12 =	vbroadcast v27, $0x9;
	v19 =	vbroadcast v27, $0x6  }
0x121: {  	v56 =	vld [tilespmem:s15+$0x10];
	v18 =	vbroadcast v27, $0x7;
	v23 =	vbroadcast v27, $0x4  }
0x122: {  	v57 =	vld [tilespmem:s15+$0x20];
	[tilespmem:$0x1FFD0] =	vst v20;
	v20 =	vbroadcast v27, $0x5;
	v25 =	vbroadcast v27, $0x2  }
0x123: {  	v59 =	vld [tilespmem:s15+$0xFFFFFC10];
	v30 =	vmul.f32 v3, v0;
	v3 =	vmul.f32 v7, v0  }
0x124: {  	v58 =	vld [tilespmem:s15+$0xFFFFFC00];
	v24 =	vbroadcast v27, $0x3;
	v29 =	vbroadcast v27, $0x0  }
0x125: {  	v60 =	vld [tilespmem:s15+$0xFFFFFC80];
	v27 =	vbroadcast v27, $0x1;
	[tilespmem:$0x1FF80] =	vst v3;
	v3 =	vmul.f32 v8, v0  }
0x126: {  	v33 =	vmul.f32 v11, v1;
	v42 =	vmul.f32 v21, v2;
	v21 =	vld [tilespmem:s15+$0xFFFFFC90]  }
0x127: {  	v43 =	vmul.f32 v22, v2;
	v22 =	vld [tilespmem:s15+$0xFFFFFD00];
	[tilespmem:$0x1FF90] =	vst v3;
	v3 =	vmul.f32 v15, v1  }
0x128: {  	v46 =	vmul.f32 v36, v4;
	v50 =	vmul.f32 v59, v29;
	v36 =	vld [tilespmem:s15+$0xFFFFFD80]  }
0x129: {  	v59 =	vmul.f32 v39, v6;
	v39 =	vld [tilespmem:s15+$0xFFFFFE00];
	[tilespmem:$0x1FFA0] =	vst v3;
	v3 =	vmul.f32 v16, v1  }
0x12a: {  	v11 =	vmul.f32 v28, v2;
	v51 =	vmul.f32 v60, v27;
	v60 =	vld [tilespmem:s15+$0xFFFFFE90]  }
0x12b: {  	v28 =	vmul.f32 v58, v29;
	[tilespmem:$0x1FFB0] =	vst v3;
	v3 =	vmul.f32 v26, v2;
	v26 =	vld [tilespmem:s15+$0xFFFFFD10]  }
0x12c: {  	v58 =	vld [tilespmem:s15+$0xFFFFFF80]  }
0x12d: {  	v28 =	vadd.f32 v28, v14;
	v16 =	vmul.f32 v38, v4;
	v38 =	vld [tilespmem:s15+$0xFFFFFD90]  }
0x12e: {  	v45 =	vmul.f32 v35, v4;
	v35 =	vadd.f32 v50, v14;
	v50 =	vld [tilespmem:s15+$0xFFFFFE10];
	v21 =	vmul.f32 v21, v27  }
0x12f: {  	v61 =	vmul.f32 v40, v6;
	v28 =	vadd.f32 v51, v28;
	v51 =	vld [tilespmem:s15+$0xFFFFFE80];
	v22 =	vmul.f32 v22, v25  }
0x130: {  	v40 =	vmul.f32 v60, v20;
	v60 =	vld [tilespmem:s15+$0xFFFFFFA0];
	v35 =	vadd.f32 v21, v35;
	v26 =	vmul.f32 v26, v25  }
0x131: {  	v36 =	vmul.f32 v36, v24;
	v21 =	vmul.f32 v41, v6;
	v28 =	vadd.f32 v22, v28;
	v41 =	vld [tilespmem:s15+$0xFFFFFF10]  }
0x132: {  	v62 =	vmul.f32 v38, v24;
	v38 =	vld [tilespmem:s15+$0xFFFFFF00];
	v26 =	vadd.f32 v26, v35  }
0x133: {  	v39 =	vmul.f32 v39, v23;
	v22 =	vmul.f32 v44, v6;
	v44 =	vld [tilespmem:s15+$0xFFFFFF90];
	v28 =	vadd.f32 v36, v28  }
0x134: {  	v15 =	vmul.f32 v37, v4;
	v63 =	vmul.f32 v50, v23;
	v50 =	vld [tilespmem:s15+$0xFFFFFEA0];
	v26 =	vadd.f32 v62, v26  }
0x135: {  	v37 =	vmul.f32 v51, v20;
	v51 =	vmul.f32 v47, v9;
	v47 =	vld [tilespmem:s15+$0x30];
	v28 =	vadd.f32 v39, v28  }
0x136: {  	v36 =	vmul.f32 v58, v18;
	v58 =	vld [tilespmem:s15+$0xFFFFFF30];
	v26 =	vadd.f32 v63, v26  }
0x137: {  	[tilespmem:$0x1FFC0] =	vst v3;
	v3 =	vld [tilespmem:$0x1FFD0];
	v28 =	vadd.f32 v37, v28;
	v38 =	vmul.f32 v38, v19  }
0x138: {  	v39 =	vld [tilespmem:s15+$0xFFFFFE20];
	v41 =	vmul.f32 v41, v19;
	v35 =	vadd.f32 v40, v26  }
0x139: {  	v31 =	vmul.f32 v5, v0;
	v62 =	vmul.f32 v48, v9;
	v48 =	vld [tilespmem:s15+$0xFFFFFFB0];
	v38 =	vadd.f32 v38, v28  }
0x13a: {  	v44 =	vmul.f32 v44, v18;
	v28 =	vmul.f32 v52, v9;
	v52 =	vld [tilespmem:s15+$0xFFFFFEB0];
	v35 =	vadd.f32 v41, v35  }
0x13b: {  	v63 =	vld [tilespmem:s15+$0xFFFFFF20];
	v36 =	vadd.f32 v36, v38;
	v38 =	vmul.f32 v55, v12;
	v41 =	vmul.f32 v54, v13  }
0x13c: {  	v55 =	vld [tilespmem:s15+$0xFFFFFD20];
	v26 =	vmul.f32 v49, v9;
	v35 =	vadd.f32 v44, v35;
	v44 =	vmul.f32 v56, v13  }
0x13d: {  	v49 =	vmul.f32 v34, v12;
	v34 =	vadd.f32 v41, v36;
	v36 =	vmul.f32 v3, v12;
	v3 =	vld [tilespmem:$0x1FFE0]  }
0x13e: {  	v32 =	vmul.f32 v10, v1;
	v40 =	vld [tilespmem:s15+$0xFFFFFE30];
	v56 =	vmul.f32 v53, v12;
	v35 =	vadd.f32 v44, v35  }
0x13f: {  	v37 =	vimm.f32 $0.0e+00;
	v48 =	vmul.f32 v48, v18;
	v54 =	vld [tilespmem:s15+$0xFFFFFDA0];
	v34 =	vadd.f32 v49, v34  }
0x140: {  	v52 =	vmul.f32 v52, v20;
	v41 =	vmul.f32 v57, v13;
	v53 =	vld [tilespmem:s15+$0xFFFFFDB0];
	v35 =	vadd.f32 v56, v35  }
0x141: {  	v57 =	vld [tilespmem:s15+$0xFFFFFCA0];
	v44 =	vmul.f32 v47, v13;
	v47 =	vmul.f32 v60, v18;
	v34 =	vadd.f32 v51, v34  }
0x142: {  	v49 =	vmul.f32 v63, v19;
	v56 =	vld [tilespmem:s15+$0xFFFFFD30];
	v3 =	vadd.f32 v3, v17;
	v35 =	vadd.f32 v62, v35  }
0x143: {  	v51 =	vmul.f32 v50, v20;
	v50 =	vmul.f32 v58, v19;
	v58 =	vld [tilespmem:s15+$0xFFFFFCB0];
	v60 =	vadd.f32 v59, v34  }
0x144: {  	s16 =	simm.s32 $0x40;
	v59 =	vld [tilespmem:s15+$0xFFFFFC20];
	v34 =	vimm.f32 $0.0e+00;
	[tilespmem:$0x1FFF0] =	vst v3;
	v61 =	vadd.f32 v61, v35;
	v35 =	vimm.f32 $0.0e+00  }
.LBB2_9:
0x145: {  	v62 =	vld [tilespmem:s15+$0xFFFFFC30]  }
0x146: {  	v3 =	vld [tilespmem:$0x1FFC0];
	v63 =	vmul.f32 v39, v23  }
0x147: {  	v17 =	vmul.f32 v40, v23;
	v39 =	vld [tilespmem:s15+$0xFFFFFC40];
	v40 =	vadd.f32 v45, v60;
	v45 =	vadd.f32 v46, v61  }
0x148: {  	v54 =	vmul.f32 v54, v24;
	v46 =	vld [tilespmem:s15+$0xFFFFFC50];
	v55 =	vmul.f32 v55, v25  }
0x149: {  	v60 =	vld [tilespmem:s15+$0xFFFFFCC0];
	v40 =	vadd.f32 v42, v40;
	v61 =	vadd.f32 v43, v45;
	v43 =	vmul.f32 v57, v27  }
0x14a: {  	v45 =	vmul.f32 v58, v27;
	v57 =	vld [tilespmem:s15+$0xFFFFFCD0];
	v58 =	vmul.f32 v59, v29  }
0x14b: {  	v53 =	vmul.f32 v53, v24;
	v56 =	vmul.f32 v56, v25;
	v59 =	vld [tilespmem:s15+$0xFFFFFD40];
	v32 =	vadd.f32 v32, v40  }
0x14c: {  	v42 =	vmul.f32 v62, v29;
	v62 =	vld [tilespmem:s15+$0xFFFFFD50];
	v33 =	vadd.f32 v33, v61;
	v14 =	vadd.f32 v58, v14  }
0x14d: {  	v61 =	vmul.f32 v39, v29;
	v29 =	vmul.f32 v46, v29;
	v46 =	vld [tilespmem:s15+$0xFFFFFDC0];
	v39 =	vadd.f32 v30, v32  }
0x14e: {  	v40 =	vadd.f32 v31, v33;
	v30 =	vadd.f32 v42, v37;
	v31 =	vmul.f32 v60, v27;
	v32 =	vld [tilespmem:s15+$0xFFFFFDD0]  }
0x14f: {  	v58 =	vld [tilespmem:s15+$0xFFFFFE40];
	v14 =	vadd.f32 v43, v14;
	v29 =	vadd.f32 v29, v35;
	v27 =	vmul.f32 v57, v27  }
0x150: {  	v42 =	vadd.f32 v61, v34;
	v60 =	vmul.f32 v59, v25;
	v61 =	vld [tilespmem:s15+$0xFFFFFE50];
	v30 =	vadd.f32 v45, v30  }
0x151: {  	v25 =	vmul.f32 v62, v25;
	v14 =	vadd.f32 v55, v14;
	v27 =	vadd.f32 v27, v29;
	v29 =	vld [tilespmem:s15+$0xFFFFFEC0]  }
0x152: {  	v45 =	vld [tilespmem:s15+$0xFFFFFED0];
	v31 =	vadd.f32 v31, v42;
	v30 =	vadd.f32 v56, v30;
	v62 =	vmul.f32 v46, v24  }
0x153: {  	v14 =	vadd.f32 v54, v14;
	v25 =	vadd.f32 v25, v27;
	v24 =	vmul.f32 v32, v24;
	v27 =	vld [tilespmem:s15+$0xFFFFFF40]  }
0x154: {  	v46 =	vmul.f32 v58, v23;
	v31 =	vadd.f32 v60, v31;
	v30 =	vadd.f32 v53, v30;
	v53 =	vld [tilespmem:s15+$0xFFFFFF50]  }
0x155: {  	v23 =	vmul.f32 v61, v23;
	v14 =	vadd.f32 v63, v14;
	v24 =	vadd.f32 v24, v25;
	v25 =	vld [tilespmem:s15+$0xFFFFFFC0]  }
0x156: {  	v31 =	vadd.f32 v62, v31;
	v17 =	vadd.f32 v17, v30;
	v29 =	vmul.f32 v29, v20;
	v30 =	vld [tilespmem:s15+$0xFFFFFFD0]  }
0x157: {  	v20 =	vmul.f32 v45, v20;
	v14 =	vadd.f32 v51, v14;
	v23 =	vadd.f32 v23, v24;
	v24 =	vld [tilespmem:s15+$0x40]  }
0x158: {  	v54 =	vld [tilespmem:s15+$0x50];
	v31 =	vadd.f32 v46, v31;
	v17 =	vadd.f32 v52, v17;
	v27 =	vmul.f32 v27, v19  }
0x159: {  	v14 =	vadd.f32 v49, v14;
	v20 =	vadd.f32 v20, v23;
	v19 =	vmul.f32 v53, v19;
	v23 =	vld [tilespmem:s15+$0xC0]  }
0x15a: {  	v29 =	vadd.f32 v29, v31;
	v31 =	vld [tilespmem:s15+$0xD0];
	v17 =	vadd.f32 v50, v17;
	v25 =	vmul.f32 v25, v18  }
0x15b: {  	v14 =	vadd.f32 v47, v14;
	v19 =	vadd.f32 v19, v20;
	v18 =	vmul.f32 v30, v18;
	v20 =	vld [tilespmem:s15+$0x140]  }
0x15c: {  	v27 =	vadd.f32 v27, v29;
	v29 =	vld [tilespmem:s15+$0x150];
	v17 =	vadd.f32 v48, v17;
	v24 =	vmul.f32 v24, v13  }
0x15d: {  	v13 =	vmul.f32 v54, v13;
	v14 =	vadd.f32 v41, v14;
	v18 =	vadd.f32 v18, v19;
	v19 =	vld [tilespmem:s15+$0x1C0]  }
0x15e: {  	v25 =	vadd.f32 v25, v27;
	v27 =	vld [tilespmem:s15+$0x1D0];
	v17 =	vadd.f32 v44, v17;
	v23 =	vmul.f32 v23, v12  }
0x15f: {  	v12 =	vmul.f32 v31, v12;
	v14 =	vadd.f32 v36, v14;
	v13 =	vadd.f32 v13, v18;
	v18 =	vld [tilespmem:s15+$0x240]  }
0x160: {  	v24 =	vadd.f32 v24, v25;
	v25 =	vld [tilespmem:s15+$0x250];
	v17 =	vadd.f32 v38, v17;
	v20 =	vmul.f32 v20, v9  }
0x161: {  	v9 =	vmul.f32 v29, v9;
	v14 =	vadd.f32 v26, v14;
	v12 =	vadd.f32 v12, v13;
	v13 =	vld [tilespmem:s15+$0x2C0]  }
0x162: {  	v23 =	vadd.f32 v23, v24;
	v24 =	vld [tilespmem:s15+$0x2D0];
	v17 =	vadd.f32 v28, v17;
	v19 =	vmul.f32 v19, v6  }
0x163: {  	v6 =	vmul.f32 v27, v6;
	v14 =	vadd.f32 v21, v14;
	v21 =	vld [tilespmem:s15+$0x350];
	v9 =	vadd.f32 v9, v12  }
0x164: {  	v12 =	vld [tilespmem:s15+$0x340];
	v17 =	vadd.f32 v22, v17  }
0x165: {  	v6 =	vadd.f32 v6, v9;
	v9 =	vld [tilespmem:s15+$0x3C0]  }
0x166: {  	v14 =	vadd.f32 v15, v14;
	v15 =	vadd.f32 v16, v17;
	v16 =	vld [tilespmem:s15+$0x3D0];
	s15 =	sadd.s32 $0x800, s15  }
0x167: {  	v18 =	vmul.f32 v18, v4;
	v4 =	vmul.f32 v25, v4;
	v17 =	vld [tilespmem:s15+$0x380]  }
0x168: {  	v22 =	vld [tilespmem:s15+$0x390]  }
0x169: {  	v4 =	vadd.f32 v4, v6;
	v6 =	vadd.f32 v3, v14;
	v3 =	vld [tilespmem:$0x1FFA0]  }
0x16a: {  	v8 =	vld [tilespmem:s15+$0x300]  }
0x16b: {  	v26 =	vld [tilespmem:s15+$0x280]  }
0x16c: {  	v41 =	vld [tilespmem:s15+$0x290]  }
0x16d: {  	v45 =	vld [tilespmem:s15+$0x2A0]  }
0x16e: {  	v46 =	vld [tilespmem:s15+$0x2B0]  }
0x16f: {  	v47 =	vld [tilespmem:s15+$0x200]  }
0x170: {  	v48 =	vld [tilespmem:s15+$0x210]  }
0x171: {  	v49 =	vld [tilespmem:s15+$0x220]  }
0x172: {  	v50 =	vld [tilespmem:s15+$0x230]  }
0x173: {  	v51 =	vld [tilespmem:s15+$0x180]  }
0x174: {  	v52 =	vld [tilespmem:s15+$0x190]  }
0x175: {  	v13 =	vmul.f32 v13, v2;
	v2 =	vmul.f32 v24, v2;
	v53 =	vld [tilespmem:s15+$0x1A0]  }
0x176: {  	v54 =	vld [tilespmem:s15+$0x1B0];
	v10 =	vadd.f32 v11, v15;
	v11 =	vmul.f32 v12, v1  }
0x177: {  	v1 =	vmul.f32 v21, v1;
	v2 =	vadd.f32 v2, v4;
	v4 =	vadd.f32 v3, v6;
	v3 =	vld [tilespmem:$0x1FFB0]  }
0x178: {  	v20 =	vadd.f32 v20, v23;
	v55 =	vld [tilespmem:s15+$0x100]  }
0x179: {  	v1 =	vadd.f32 v1, v2;
	v2 =	vld [tilespmem:$0x1FF80]  }
0x17a: {  	v19 =	vadd.f32 v19, v20;
	v56 =	vld [tilespmem:s15+$0x110]  }
0x17b: {  	s17 =	sshra.s32 s16, $0x2;
	v57 =	vld [tilespmem:s15+$0x120]  }
0x17c: {  	v18 =	vadd.f32 v18, v19;
	v6 =	vadd.f32 v3, v10;
	v3 =	vld [tilespmem:s17+$0x8800]  }
0x17d: {  	v28 =	vld [tilespmem:s15+$0x130]  }
0x17e: {  	v12 =	vadd.f32 v13, v18;
	v14 =	vadd.f32 v2, v4;
	v2 =	vld [tilespmem:$0x1FF90]  }
0x17f: {  	v36 =	vld [tilespmem:s15+$0x80];
	v7 =	vmul.f32 v9, v0;
	v0 =	vmul.f32 v16, v0  }
0x180: {  	v58 =	vld [tilespmem:s15+$0x90];
	v9 =	vadd.f32 v11, v12  }
0x181: {  	v38 =	vld [tilespmem:s15+$0xA0];
	v35 =	vadd.f32 v0, v1;
	v1 =	vbroadcast v3, $0xE  }
0x182: {  	v44 =	vld [tilespmem:s15+$0xB0];
	v34 =	vadd.f32 v7, v9;
	v0 =	vbroadcast v3, $0xF;
	v4 =	vbroadcast v3, $0xC  }
0x183: {  	v59 =	vld [tilespmem:s15+$0x0];
	v37 =	vadd.f32 v2, v6;
	v2 =	vbroadcast v3, $0xD;
	v9 =	vbroadcast v3, $0xA  }
0x184: {  	v15 =	vld [tilespmem:s15+$0x3A0];
	v6 =	vbroadcast v3, $0xB;
	v13 =	vbroadcast v3, $0x8  }
0x185: {  	v60 =	vld [tilespmem:s15+$0x10];
	v12 =	vbroadcast v3, $0x9;
	v19 =	vbroadcast v3, $0x6  }
0x186: {  	v21 =	vld [tilespmem:s15+$0x3B0];
	v18 =	vbroadcast v3, $0x7;
	v23 =	vbroadcast v3, $0x4  }
0x187: {  	v10 =	vld [tilespmem:s15+$0x310];
	v20 =	vbroadcast v3, $0x5;
	v25 =	vbroadcast v3, $0x2  }
0x188: {  	v11 =	vld [tilespmem:s15+$0x320];
	v24 =	vbroadcast v3, $0x3;
	v29 =	vbroadcast v3, $0x0  }
0x189: {  	v62 =	vld [tilespmem:s15+$0xFFFFFC80];
	v27 =	vbroadcast v3, $0x1;
	v3 =	vmul.f32 v15, v0  }
0x18a: {  	v16 =	vld [tilespmem:s15+$0x330];
	v30 =	vmul.f32 v17, v0  }
0x18b: {  	v61 =	vld [tilespmem:s15+$0x20];
	v31 =	vmul.f32 v22, v0;
	[tilespmem:$0x1FF80] =	vst v3;
	v3 =	vmul.f32 v21, v0  }
0x18c: {  	v32 =	vmul.f32 v8, v1;
	v33 =	vmul.f32 v10, v1;
	v22 =	vld [tilespmem:s15+$0xFFFFFC10]  }
0x18d: {  	v42 =	vmul.f32 v26, v2;
	v21 =	vld [tilespmem:s15+$0xFFFFFC00];
	[tilespmem:$0x1FF90] =	vst v3;
	v3 =	vmul.f32 v11, v1  }
0x18e: {  	v43 =	vmul.f32 v41, v2;
	v26 =	vld [tilespmem:s15+$0xFFFFFC90];
	v15 =	vmul.f32 v49, v4  }
0x18f: {  	v41 =	vld [tilespmem:s15+$0xFFFFFD00];
	v49 =	vmul.f32 v62, v27;
	[tilespmem:$0x1FFA0] =	vst v3;
	v3 =	vmul.f32 v16, v1  }
0x190: {  	v7 =	vld [tilespmem:s15+$0xFFFFFF30];
	v11 =	vmul.f32 v46, v2;
	v46 =	vmul.f32 v48, v4  }
0x191: {  	[tilespmem:$0x1FFB0] =	vst v3;
	v3 =	vmul.f32 v45, v2;
	v45 =	vmul.f32 v47, v4;
	v47 =	vld [tilespmem:s15+$0xFFFFFD10]  }
0x192: {  	v48 =	vld [tilespmem:s15+$0xFFFFFD80];
	v22 =	vmul.f32 v22, v29;
	v21 =	vmul.f32 v21, v29  }
0x193: {  	v26 =	vmul.f32 v26, v27;
	v16 =	vmul.f32 v50, v4;
	v50 =	vld [tilespmem:s15+$0xFFFFFD90]  }
0x194: {  	v22 =	vadd.f32 v22, v40;
	v40 =	vmul.f32 v41, v25;
	v41 =	vld [tilespmem:s15+$0xFFFFFE10];
	v21 =	vadd.f32 v21, v39  }
0x195: {  	v62 =	vmul.f32 v51, v6;
	v63 =	vmul.f32 v52, v6;
	v39 =	vld [tilespmem:s15+$0xFFFFFE00]  }
0x196: {  	v51 =	vld [tilespmem:s15+$0xFFFFFE90];
	v22 =	vadd.f32 v26, v22;
	v49 =	vadd.f32 v49, v21;
	v26 =	vmul.f32 v47, v25  }
0x197: {  	v5 =	vmul.f32 v56, v9;
	v48 =	vmul.f32 v48, v24;
	v47 =	vld [tilespmem:s15+$0xFFFFFE80]  }
0x198: {  	v52 =	vld [tilespmem:s15+$0xFFFFFF10];
	v40 =	vadd.f32 v40, v49;
	v49 =	vmul.f32 v50, v24;
	v26 =	vadd.f32 v26, v22  }
0x199: {  	v28 =	vmul.f32 v28, v9;
	v41 =	vmul.f32 v41, v23;
	v50 =	vld [tilespmem:s15+$0xFFFFFF00]  }
0x19a: {  	v39 =	vmul.f32 v39, v23;
	v40 =	vadd.f32 v48, v40;
	v48 =	vld [tilespmem:s15+$0xFFFFFF80];
	v26 =	vadd.f32 v49, v26  }
0x19b: {  	[tilespmem:$0x1FFC0] =	vst v3;
	v3 =	vmul.f32 v55, v9;
	v55 =	vmul.f32 v51, v20;
	v49 =	vld [tilespmem:s15+$0xFFFFFF90]  }
0x19c: {  	v17 =	vld [tilespmem:s15+$0x30];
	v39 =	vadd.f32 v39, v40;
	v47 =	vmul.f32 v47, v20;
	v26 =	vadd.f32 v41, v26  }
0x19d: {  	v8 =	vld [tilespmem:s15+$0xFFFFFEA0];
	v56 =	vmul.f32 v52, v19;
	v21 =	vmul.f32 v53, v6  }
0x19e: {  	v10 =	vld [tilespmem:s15+$0xFFFFFEB0];
	v41 =	vmul.f32 v50, v19;
	v39 =	vadd.f32 v47, v39;
	v40 =	vadd.f32 v55, v26  }
0x19f: {  	v52 =	vld [tilespmem:s15+$0xFFFFFF20];
	v48 =	vmul.f32 v48, v18;
	v26 =	vmul.f32 v57, v9  }
0x1a0: {  	v51 =	vld [tilespmem:s15+$0xFFFFFFA0];
	v41 =	vadd.f32 v41, v39;
	v57 =	vmul.f32 v49, v18;
	v40 =	vadd.f32 v56, v40  }
0x1a1: {  	v53 =	vld [tilespmem:s15+$0xFFFFFDB0];
	v22 =	vmul.f32 v54, v6;
	v49 =	vmul.f32 v59, v13  }
0x1a2: {  	v50 =	vld [tilespmem:s15+$0xFFFFFFB0];
	v41 =	vadd.f32 v48, v41;
	v48 =	vmul.f32 v60, v13;
	v47 =	vadd.f32 v57, v40  }
0x1a3: {  	v54 =	vld [tilespmem:s15+$0xFFFFFDA0];
	v56 =	vmul.f32 v36, v12;
	v36 =	vmul.f32 v38, v12  }
0x1a4: {  	v55 =	vld [tilespmem:s15+$0xFFFFFD20];
	v60 =	vmul.f32 v58, v12;
	v49 =	vadd.f32 v49, v41;
	v47 =	vadd.f32 v48, v47  }
0x1a5: {  	p0 =	sne.s32 s16, $0x3C0;
	v39 =	vld [tilespmem:s15+$0xFFFFFE20];
	v38 =	vmul.f32 v44, v12;
	v44 =	vmul.f32 v17, v13  }
.Ltmp3:
0x1a6: {  	v59 =	vld [tilespmem:s15+$0xFFFFFC20];
	v41 =	vmul.f32 v61, v13;
	v17 =	vadd.f32 v56, v49;
	v58 =	vadd.f32 v60, v47;
	(pc) =	sbr.rel @p0 .LBB2_9-.Ltmp3, $4  }
0x1a7: {  	v40 =	vld [tilespmem:s15+$0xFFFFFE30];
	v48 =	vmul.f32 v50, v18;
	v50 =	vmul.f32 v7, v19  }
0x1a8: {  	v57 =	vld [tilespmem:s15+$0xFFFFFCA0];
	v49 =	vmul.f32 v52, v19;
	v3 =	vadd.f32 v3, v17;
	v5 =	vadd.f32 v5, v58  }
0x1a9: {  	v56 =	vld [tilespmem:s15+$0xFFFFFD30];
	v52 =	vmul.f32 v10, v20;
	v47 =	vmul.f32 v51, v18  }
0x1aa: {  	s16 =	sadd.s32 $0x40, s16;
	v51 =	vmul.f32 v8, v20;
	v58 =	vld [tilespmem:s15+$0xFFFFFCB0];
	v60 =	vadd.f32 v62, v3;
	v61 =	vadd.f32 v63, v5  }
0x1ab: {  	v3 =	vld [tilespmem:s15+$0xFFFFFC30]  }
0x1ac: {  	v8 =	vld [tilespmem:s15+$0xFFFFFC40]  }
0x1ad: {  	v17 =	vadd.f32 v45, v60;
	v60 =	vld [tilespmem:s15+$0xFFFFFC50]  }
0x1ae: {  	v63 =	vadd.f32 v46, v61;
	v61 =	vld [tilespmem:s15+$0xFFFFFCC0]  }
0x1af: {  	v62 =	vmul.f32 v59, v29;
	v45 =	vmul.f32 v55, v25;
	v55 =	vld [tilespmem:s15+$0xFFFFFCD0]  }
0x1b0: {  	v5 =	vmul.f32 v39, v23;
	v7 =	vmul.f32 v40, v23;
	v40 =	vld [tilespmem:s15+$0xFFFFFE40]  }
0x1b1: {  	v10 =	vmul.f32 v54, v24;
	v46 =	vmul.f32 v53, v24;
	v14 =	vadd.f32 v62, v14;
	v62 =	vld [tilespmem:s15+$0xFFFFFDD0]  }
0x1b2: {  	v17 =	vadd.f32 v42, v17;
	v39 =	vadd.f32 v43, v63;
	v43 =	vmul.f32 v58, v27;
	v58 =	vld [tilespmem:s15+$0xFFFFFD50]  }
0x1b3: {  	v42 =	vmul.f32 v57, v27;
	v59 =	vmul.f32 v60, v29;
	v60 =	vld [tilespmem:s15+$0xFFFFFDC0]  }
0x1b4: {  	v54 =	vmul.f32 v56, v25;
	v57 =	vld [tilespmem:s15+$0xFFFFFD40];
	v17 =	vadd.f32 v32, v17;
	v63 =	vadd.f32 v33, v39  }
0x1b5: {  	v3 =	vmul.f32 v3, v29;
	v8 =	vmul.f32 v8, v29;
	v14 =	vadd.f32 v42, v14;
	v39 =	vld [tilespmem:s15+$0xFFFFFFC0]  }
0x1b6: {  	v32 =	vld [tilespmem:s15+$0x1D0];
	v61 =	vmul.f32 v61, v27;
	v17 =	vadd.f32 v30, v17;
	v30 =	vadd.f32 v31, v63  }
0x1b7: {  	v3 =	vadd.f32 v3, v37;
	v8 =	vadd.f32 v8, v34;
	v63 =	vmul.f32 v55, v27;
	v55 =	vld [tilespmem:s15+$0xFFFFFE50]  }
0x1b8: {  	v14 =	vadd.f32 v45, v14;
	v31 =	vld [tilespmem:s15+$0x1C0];
	v56 =	vmul.f32 v58, v25;
	v58 =	vmul.f32 v60, v24  }
0x1b9: {  	v29 =	vadd.f32 v59, v35;
	v60 =	vmul.f32 v62, v24;
	v62 =	vmul.f32 v40, v23;
	v40 =	vld [tilespmem:$0x1FFF0]  }
0x1ba: {  	v53 =	vmul.f32 v57, v25;
	v57 =	vld [tilespmem:s15+$0xFFFFFEC0];
	v3 =	vadd.f32 v43, v3;
	v8 =	vadd.f32 v61, v8  }
0x1bb: {  	v59 =	vld [tilespmem:s15+$0xFFFFFED0];
	v10 =	vadd.f32 v10, v14;
	v27 =	vadd.f32 v63, v29  }
0x1bc: {  	v35 =	vld [tilespmem:s15+$0x240];
	v3 =	vadd.f32 v54, v3;
	v8 =	vadd.f32 v53, v8  }
0x1bd: {  	v61 =	vld [tilespmem:s15+$0xFFFFFF40];
	v5 =	vadd.f32 v5, v10;
	v25 =	vadd.f32 v56, v27  }
0x1be: {  	v63 =	vld [tilespmem:s15+$0xFFFFFF50];
	v37 =	vmul.f32 v55, v23;
	v3 =	vadd.f32 v46, v3;
	v8 =	vadd.f32 v58, v8;
	(xrf2) =	vadd.scan.msk.f32 $0xffff, v40  }
0x1bf: {  	v43 =	vld [tilespmem:s15+$0xFFFFFFD0];
	v42 =	vmul.f32 v57, v20;
	v5 =	vadd.f32 v51, v5;
	v24 =	vadd.f32 v60, v25  }
0x1c0: {  	v53 =	vld [tilespmem:s15+$0x40];
	v46 =	vmul.f32 v59, v20;
	v3 =	vadd.f32 v7, v3;
	v8 =	vadd.f32 v62, v8  }
0x1c1: {  	v55 =	vld [tilespmem:s15+$0x50];
	v59 =	vmul.f32 v39, v18;
	v5 =	vadd.f32 v49, v5;
	v45 =	vadd.f32 v37, v24  }
0x1c2: {  	v58 =	vld [tilespmem:s15+$0xC0];
	v54 =	vmul.f32 v61, v19;
	v3 =	vadd.f32 v52, v3;
	v7 =	vadd.f32 v42, v8  }
0x1c3: {  	v60 =	vld [tilespmem:s15+$0xD0];
	v57 =	vmul.f32 v63, v19;
	v5 =	vadd.f32 v47, v5;
	v56 =	vadd.f32 v46, v45  }
0x1c4: {  	v39 =	vld [tilespmem:s15+$0x2C0];
	v10 =	vmul.f32 v43, v18;
	v3 =	vadd.f32 v50, v3;
	v7 =	vadd.f32 v54, v7  }
0x1c5: {  	v61 =	vld [tilespmem:s15+$0x140];
	v62 =	vmul.f32 v53, v13;
	v5 =	vadd.f32 v41, v5;
	v8 =	vadd.f32 v57, v56  }
0x1c6: {  	v63 =	vld [tilespmem:s15+$0x150];
	v29 =	vmul.f32 v55, v13;
	v3 =	vadd.f32 v48, v3;
	v7 =	vadd.f32 v59, v7  }
0x1c7: {  	v43 =	vld [tilespmem:s15+$0x340];
	v19 =	vmul.f32 v58, v12;
	v5 =	vadd.f32 v36, v5;
	v8 =	vadd.f32 v10, v8  }
0x1c8: {  	v37 =	vld [tilespmem:s15+$0x250];
	v33 =	vmul.f32 v60, v12;
	v3 =	vadd.f32 v44, v3;
	v7 =	vadd.f32 v62, v7;
	v34, _, _ =	vpop (xrf2)  }
0x1c9: {  	v53 =	vld [tilespmem:$0x1FFA0];
	v5 =	vadd.f32 v26, v5;
	v8 =	vadd.f32 v29, v8;
	v12 =	vbroadcast v34, $0xF  }
0x1ca: {  	v47 =	vld [tilespmem:s15+$0x3C0];
	v14 =	vmul.f32 v61, v9;
	v3 =	vadd.f32 v38, v3;
	v7 =	vadd.f32 v19, v7  }
0x1cb: {  	v41 =	vld [tilespmem:s15+$0x2D0];
	v38 =	vmul.f32 v63, v9;
	v8 =	vadd.f32 v33, v8;
	(erf) = vrcp.f32 v12  }
0x1cc: {  	v40 =	vmul.f32 v31, v6;
	v50 =	vld [tilespmem:$0x1FFC0];
	v3 =	vadd.f32 v28, v3;
	v7 =	vadd.f32 v14, v7  }
0x1cd: {  	v42 =	vmul.f32 v32, v6;
	v45 =	vld [tilespmem:s15+$0x350];
	v5 =	vadd.f32 v21, v5;
	v8 =	vadd.f32 v38, v8  }
0x1ce: {  	v54 =	vld [tilespmem:$0x1FFB0];
	v44 =	vmul.f32 v35, v4;
	v3 =	vadd.f32 v22, v3;
	v7 =	vadd.f32 v40, v7  }
0x1cf: {  	v60 =	vld [tilespmem:$0x1FF90];
	v46 =	vmul.f32 v37, v4;
	v5 =	vadd.f32 v15, v5;
	v6 =	vadd.f32 v42, v8  }
0x1d0: {  	v57 =	vld [tilespmem:$0x1FF80];
	v10 =	vmul.f32 v39, v2;
	v3 =	vadd.f32 v16, v3;
	v7 =	vadd.f32 v44, v7  }
0x1d1: {  	v48 =	vld [tilespmem:s15+$0x3D0];
	v49 =	vmul.f32 v41, v2;
	v5 =	vadd.f32 v50, v5;
	v4 =	vadd.f32 v46, v6  }
0x1d2: {  	v51 =	vmul.f32 v43, v1;
	v3 =	vadd.f32 v11, v3;
	v7 =	vadd.f32 v10, v7  }
0x1d3: {  	v52 =	vmul.f32 v45, v1;
	v2 =	vadd.f32 v49, v4;
	v4 =	vadd.f32 v53, v5  }
0x1d4: {  	v55 =	vmul.f32 v47, v0;
	v3 =	vadd.f32 v54, v3;
	v6 =	vadd.f32 v51, v7;
	v56 =	vpop (erf)  }
0x1d5: {  	v1 =	vadd.f32 v52, v2;
	v2 =	vadd.f32 v57, v4;
	v58 =	vmul.f32 v17, v56  }
0x1d6: {  	v59 =	vmul.f32 v48, v0;
	v3 =	vadd.f32 v60, v3;
	v61 =	vmul.f32 v30, v56  }
0x1d7: {  	v5 =	vadd.f32 v55, v6;
	v2 =	vmul.f32 v2, v56;
	[tilespmem:$0x8A00] =	vst v58  }
0x1d8: {  	v0 =	vadd.f32 v59, v1;
	v62 =	vmul.f32 v3, v56;
	[tilespmem:$0x8A10] =	vst v61  }
0x1d9: {  	s31 =	sadd.s32 s3, s14;
	s16 =	sshll.u32 s14, $0x4;
	v63 =	vmul.f32 v5, v56;
	[tilespmem:$0x8A20] =	vst v2  }
0x1da: {  	s14 =	sadd.s32 $0x1, s14;
	s16 =	sand.u32 $0x70, s16;
	s15 =	sshll.u32 s31, $0x4;
	v0 =	vmul.f32 v0, v56;
	[tilespmem:$0x8A30] =	vst v62  }
0x1db: {  	p0 =	sne.s32 s14, $0x10;
	s16 =	sadd.s32 s6, s16;
	s15 =	sand.u32 $0x1F80, s15;
	[tilespmem:$0x8A40] =	vst v63  }
.Ltmp4:
0x1dc: {  	s15 =	sadd.s32 s15, s16;
	[tilespmem:$0x8A50] =	vst v0;
	(pc) =	sbr.rel @p0 .LBB2_2-.Ltmp4, $4  }
0x1dd: {  	[hbm4b:s15+s2] =	stream.linear.scatter [tilespmem:s12], [sflag:$0x1], $0x80, $0x38;
	[tilespmem:$0x8A80] =	vst v63  }
0x1de: {  	_ =	swait.ge [sflag:s9], $0x80  }
0x1df: {  	[sflag:s9] =	ssyncset.done $0x0  }
0x1e0: {  	[sflag:s9] =	ssyncadd.s32 $0xFFFFFF80  }
0x1e1: {  	s13 =	sadd.s32 $0x1, s13  }
0x1e2: {  	p0 =	sne.s32 s13, s8  }
.Ltmp5:
0x1e3: {  	_ = 	snop;
	(pc) =	sbr.rel @p0 .LBB2_1-.Ltmp5, $1  }
0x1e4: {  	_ =	sdelay $0x3  }
0x1e5: {  	_ =	sfence.sel $0x180000  }
0x1e6: {  	[bflag:$0x0] =	sbarrier.arrive $0xFFFF  }
0x1e7: {  	p0 =	sne.s32 s1, $0x0;
	_ =	strace $0x90000047  }
0x1e8: {  	s0 =	sadd.s32 @!p0 $0x100000, s0;
	[bflag:$0x2] =	sbarrier.arrive $0xFFFF  }
0x1e9: {  	[sflag:s0] =	ssyncadd.tile.s32 @!p0 $0x1;
	_ =	shalt  }
.Lfunc_end2:
_tile_overlayer_lowered:
.L_overlay_start_2:
0x1ea: {  	(tag) =	ssettag $0x2  }
0x1eb: {  	s0 =	rddreg [dreg:$0x0];
	s2 =	stileid.u32  }
0x1ec: {  	s1 =	rddreg [dreg:$0x1];
	p0 =	sne.s32 s2, $0x0  }
0x1ed: {  	s3 =	rddreg [dreg:$0x2];
	[bflag:$0x3] =	sbarrier.arrive $0xFFFF;
	s2 =	simm.s32 @!p0 $0x1C01  }
0x1ee: {  	[timem:s3], [sflag:s2] =	dma.local @!p0 [hbm:s0], s1  }
0x1ef: {  	s0 =	simm.s32 @!p0 $0x1  }
0x1f0: {  	_ =	swait.ge @!p0 [sflag:s0], s1  }
0x1f1: {  	s1 =	ssub.s32 @!p0 $0x0, s1;
	[sflag:s0] =	ssyncset.done @!p0 $0x0  }
0x1f2: {  	[sflag:s0] =	ssyncadd.s32 @!p0 s1  }
0x1f3: {  	[bflag:$0x3] =	sbarrier.arrive $0xFFFF  }
0x1f4: {  	_ =	shalt  }

</sc_bundles>
